<compile_context>
chip_gen: v7x
topology: tpu7x:2x2x1
jax: 0.10.2.dev20260603
libtpu: 0.0.44.dev20260713+nightly
codegen_flags: <defaults>
</compile_context>

<pallas_src>
import functools

import jax
import jax.numpy as jnp
from jax import lax
from jax.experimental import pallas as pl
from jax.experimental.pallas import tpu as pltpu
from jax.experimental.pallas import tpu_sc as plsc

N = 10000
E = 320000
D = 128
G = 16
STEPS = 2
NPAD = 10240
BLK = 2000

SC_CORES = 2
SC_TILES = 16
NW = SC_CORES * SC_TILES
ROWS_PER_TILE = NPAD // SC_TILES
UNIT = 128
NUNITS = E // UNIT
NU = NUNITS // NW
NEXTRA = NUNITS - NU * NW
WIN = 60

_sc_mesh = plsc.VectorSubcoreMesh(core_axis_name="c", subcore_axis_name="s")



def _inv_body(degp_ref, o_ref):
    d = degp_ref[0] + degp_ref[1] + 1.0
    o_ref[...] = lax.rsqrt(jnp.maximum(d, 1.0))


def _tc_inv(degp):
    return pl.pallas_call(
        _inv_body,
        out_shape=jax.ShapeDtypeStruct((2, NPAD), jnp.float32),
    )(degp)


def _embed_mlp_body(nodes_ref, we_ref, be_ref, w0_ref, b0_ref, inv_ref,
                    x_ref, h_ref):
    x = (
        jnp.dot(nodes_ref[...], we_ref[...], preferred_element_type=jnp.float32)
        + be_ref[...]
    )
    x_ref[...] = x
    h = jnp.dot(x, w0_ref[...], preferred_element_type=jnp.float32)
    h_ref[...] = jnp.maximum(h + b0_ref[...], 0.0) * inv_ref[...]


def _tc_embed_mlp(nodes, we, be, w0, b0, inv_s_col):
    return pl.pallas_call(
        _embed_mlp_body,
        grid=(N // BLK,),
        in_specs=[
            pl.BlockSpec((BLK, D), lambda i: (i, 0)),
            pl.BlockSpec((D, D), lambda i: (0, 0)),
            pl.BlockSpec((1, D), lambda i: (0, 0)),
            pl.BlockSpec((D, D), lambda i: (0, 0)),
            pl.BlockSpec((1, D), lambda i: (0, 0)),
            pl.BlockSpec((BLK, 1), lambda i: (i, 0)),
        ],
        out_specs=[
            pl.BlockSpec((BLK, D), lambda i: (i, 0)),
            pl.BlockSpec((BLK, D), lambda i: (i, 0)),
        ],
        out_shape=[
            jax.ShapeDtypeStruct((N, D), jnp.float32),
            jax.ShapeDtypeStruct((N, D), jnp.float32),
        ],
    )(nodes, we, be.reshape(1, D), w0, b0.reshape(1, D), inv_s_col)


def _ln(t, s, b):
    mu = jnp.mean(t, axis=-1, keepdims=True)
    var = jnp.mean(jnp.square(t - mu), axis=-1, keepdims=True)
    return (t - mu) * lax.rsqrt(var + 1e-6) * s + b


def _post_mlp_body(aggp_ref, h_ref, x_ref, invr_ref, s_ref, b_ref,
                   w1_ref, b1_ref, invs_ref, x_out, h_out):
    agg = aggp_ref[0] + aggp_ref[1] + h_ref[...]
    t = agg * invr_ref[...] + x_ref[...]
    xn = _ln(t, s_ref[...], b_ref[...])
    x_out[...] = xn
    h2 = jnp.dot(xn, w1_ref[...], preferred_element_type=jnp.float32)
    h_out[...] = jnp.maximum(h2 + b1_ref[...], 0.0) * invs_ref[...]


def _tc_post_mlp(aggp, h, x, inv_r_col, scale, bias, w1, b1, inv_s_col):
    return pl.pallas_call(
        _post_mlp_body,
        grid=(N // BLK,),
        in_specs=[
            pl.BlockSpec((2, BLK, D), lambda i: (0, i, 0)),
            pl.BlockSpec((BLK, D), lambda i: (i, 0)),
            pl.BlockSpec((BLK, D), lambda i: (i, 0)),
            pl.BlockSpec((BLK, 1), lambda i: (i, 0)),
            pl.BlockSpec((1, D), lambda i: (0, 0)),
            pl.BlockSpec((1, D), lambda i: (0, 0)),
            pl.BlockSpec((D, D), lambda i: (0, 0)),
            pl.BlockSpec((1, D), lambda i: (0, 0)),
            pl.BlockSpec((BLK, 1), lambda i: (i, 0)),
        ],
        out_specs=[
            pl.BlockSpec((BLK, D), lambda i: (i, 0)),
            pl.BlockSpec((BLK, D), lambda i: (i, 0)),
        ],
        out_shape=[
            jax.ShapeDtypeStruct((N, D), jnp.float32),
            jax.ShapeDtypeStruct((N, D), jnp.float32),
        ],
    )(aggp, h, x, inv_r_col, scale.reshape(1, D), bias.reshape(1, D),
      w1, b1.reshape(1, D), inv_s_col)


def _post_pool_body(aggp_ref, h_ref, x_ref, invr_ref, s_ref, b_ref,
                    p_ref, cnt_ref, wd_ref, bd_ref, o_ref, acc_ref):
    i = pl.program_id(0)
    agg = aggp_ref[0] + aggp_ref[1] + h_ref[...]
    t = agg * invr_ref[...] + x_ref[...]
    xn = _ln(t, s_ref[...], b_ref[...])
    partial = lax.dot_general(
        p_ref[...], xn, (((0,), (0,)), ((), ())),
        preferred_element_type=jnp.float32,
    )

    @pl.when(i == 0)
    def _():
        acc_ref[...] = partial

    @pl.when(i > 0)
    def _():
        acc_ref[...] = acc_ref[...] + partial

    @pl.when(i == N // BLK - 1)
    def _():
        pooled = acc_ref[...] / cnt_ref[...]
        o_ref[...] = (
            jnp.dot(pooled, wd_ref[...], preferred_element_type=jnp.float32)
            + bd_ref[...]
        )


def _tc_post_pool(aggp, h, x, inv_r_col, scale, bias, n_node, w_dec, b_dec):
    bounds = jnp.cumsum(n_node)
    node_graph = jnp.sum(
        jnp.arange(N, dtype=jnp.int32)[:, None] >= bounds[None, :], axis=1
    )
    p = (node_graph[:, None] == jnp.arange(G, dtype=jnp.int32)[None, :])
    p = p.astype(jnp.float32)
    counts = jnp.maximum(n_node.astype(jnp.float32), 1.0).reshape(G, 1)
    return pl.pallas_call(
        _post_pool_body,
        grid=(N // BLK,),
        in_specs=[
            pl.BlockSpec((2, BLK, D), lambda i: (0, i, 0)),
            pl.BlockSpec((BLK, D), lambda i: (i, 0)),
            pl.BlockSpec((BLK, D), lambda i: (i, 0)),
            pl.BlockSpec((BLK, 1), lambda i: (i, 0)),
            pl.BlockSpec((1, D), lambda i: (0, 0)),
            pl.BlockSpec((1, D), lambda i: (0, 0)),
            pl.BlockSpec((BLK, G), lambda i: (i, 0)),
            pl.BlockSpec((G, 1), lambda i: (0, 0)),
            pl.BlockSpec((D, D), lambda i: (0, 0)),
            pl.BlockSpec((1, D), lambda i: (0, 0)),
        ],
        out_specs=pl.BlockSpec((G, D), lambda i: (0, 0)),
        out_shape=jax.ShapeDtypeStruct((G, D), jnp.float32),
        scratch_shapes=[pltpu.VMEM((G, D), jnp.float32)],
    )(aggp, h, x, inv_r_col, scale.reshape(1, D), bias.reshape(1, D),
      p, counts, w_dec, b_dec.reshape(1, D))




def _unit_range(wid):
    start = NU * wid + jnp.maximum(wid - (NW - NEXTRA), 0)
    cnt = NU + (wid >= (NW - NEXTRA)).astype(jnp.int32)
    return start, cnt


@functools.partial(
    pl.kernel,
    out_type=jax.ShapeDtypeStruct((SC_CORES, 2, NPAD), jnp.float32),
    mesh=_sc_mesh,
    scratch_types=[
        pltpu.VMEM((NU + 1, 2, UNIT), jnp.int32),
        pltpu.VMEM((UNIT,), jnp.float32),
        pltpu.VMEM((ROWS_PER_TILE,), jnp.float32),
        pltpu.VMEM_SHARED((NPAD,), jnp.float32),
        pltpu.VMEM_SHARED((NPAD,), jnp.float32),
        pltpu.SemaphoreType.DMA,
    ],
)
def _sc_degrees(comb_hbm, out_hbm, cbuf, ones_v, tmp, acc_s, acc_r, sem):
    cid = lax.axis_index("c")
    sid = lax.axis_index("s")
    wid = sid * SC_CORES + cid
    start, cnt = _unit_range(wid)
    pltpu.sync_copy(comb_hbm.at[pl.ds(start, NU + 1)], cbuf)

    for k in range(UNIT // 16):
        ones_v[pl.ds(k * 16, 16)] = jnp.ones((16,), jnp.float32)
    for k in range(ROWS_PER_TILE // 16):
        tmp[pl.ds(k * 16, 16)] = jnp.zeros((16,), jnp.float32)
    base_r = sid * ROWS_PER_TILE
    pltpu.sync_copy(tmp, acc_s.at[pl.ds(base_r, ROWS_PER_TILE)])
    pltpu.sync_copy(tmp, acc_r.at[pl.ds(base_r, ROWS_PER_TILE)])
    plsc.subcore_barrier()

    def body(j, carry):
        pltpu.async_copy(ones_v, acc_s.at[cbuf.at[j, 0]], sem, add=True)
        pltpu.async_copy(ones_v, acc_r.at[cbuf.at[j, 1]], sem, add=True)
        return carry

    lax.fori_loop(0, cnt, body, 0)

    def drain(j, carry):
        pltpu.make_async_copy(ones_v, acc_s.at[cbuf.at[0, 0]], sem).wait()
        pltpu.make_async_copy(ones_v, acc_r.at[cbuf.at[0, 1]], sem).wait()
        return carry

    lax.fori_loop(0, cnt, drain, 0)
    plsc.subcore_barrier()
    pltpu.sync_copy(acc_s.at[pl.ds(base_r, ROWS_PER_TILE)], tmp)
    pltpu.sync_copy(tmp, out_hbm.at[cid, 0, pl.ds(base_r, ROWS_PER_TILE)])
    pltpu.sync_copy(acc_r.at[pl.ds(base_r, ROWS_PER_TILE)], tmp)
    pltpu.sync_copy(tmp, out_hbm.at[cid, 1, pl.ds(base_r, ROWS_PER_TILE)])


@functools.partial(
    pl.kernel,
    out_type=jax.ShapeDtypeStruct((SC_CORES, NPAD, D), jnp.float32),
    mesh=_sc_mesh,
    scratch_types=[
        pltpu.VMEM((WIN, 2, UNIT), jnp.int32),
        pltpu.VMEM((UNIT, D), jnp.float32),
        pltpu.VMEM((UNIT, D), jnp.float32),
        pltpu.VMEM_SHARED((NPAD, D), jnp.float32),
        pltpu.SemaphoreType.DMA,
        pltpu.SemaphoreType.DMA,
    ],
)
def _sc_edge_agg(h_hbm, comb_hbm, out_hbm, cbuf, rows0, rows1, acc,
                 sem0, sem1):
    cid = lax.axis_index("c")
    sid = lax.axis_index("s")
    wid = sid * SC_CORES + cid
    start, cnt = _unit_range(wid)

    def zrow(r, carry):
        for k in range(D // 16):
            rows0[r, pl.ds(k * 16, 16)] = jnp.zeros((16,), jnp.float32)
        return carry

    lax.fori_loop(0, UNIT, zrow, 0)
    base_r = sid * ROWS_PER_TILE
    for k in range(ROWS_PER_TILE // UNIT):
        pltpu.async_copy(rows0, acc.at[pl.ds(base_r + k * UNIT, UNIT)], sem0)
    for k in range(ROWS_PER_TILE // UNIT):
        pltpu.make_async_copy(rows0, acc.at[pl.ds(base_r, UNIT)],
                              sem0).wait()
    plsc.subcore_barrier()

    def window(w0, wcnt):
        pltpu.sync_copy(comb_hbm.at[pl.ds(w0, WIN)], cbuf)
        pltpu.async_copy(h_hbm.at[cbuf.at[0, 0]], rows0, sem0)

        def body(p, carry):
            u0 = 2 * p

            @pl.when(u0 + 1 < wcnt)
            def _():
                pltpu.async_copy(h_hbm.at[cbuf.at[u0 + 1, 0]], rows1, sem1)

            pltpu.make_async_copy(h_hbm.at[cbuf.at[u0, 0]], rows0,
                                  sem0).wait()
            pltpu.sync_copy(rows0, acc.at[cbuf.at[u0, 1]], add=True)

            @pl.when(u0 + 2 < wcnt)
            def _():
                pltpu.async_copy(h_hbm.at[cbuf.at[u0 + 2, 0]], rows0, sem0)

            @pl.when(u0 + 1 < wcnt)
            def _():
                pltpu.make_async_copy(h_hbm.at[cbuf.at[u0 + 1, 0]], rows1,
                                      sem1).wait()
                pltpu.sync_copy(rows1, acc.at[cbuf.at[u0 + 1, 1]], add=True)

            return carry

        lax.fori_loop(0, (wcnt + 1) // 2, body, 0)

    window(start, jnp.int32(WIN))
    window(start + WIN, cnt - WIN)

    plsc.subcore_barrier()
    pltpu.sync_copy(acc.at[pl.ds(base_r, ROWS_PER_TILE)],
                    out_hbm.at[cid, pl.ds(base_r, ROWS_PER_TILE)])



def kernel(nodes, senders, receivers, n_node, W_embed, b_embed, W_mlp, b_mlp,
           ln_scale, ln_bias, W_dec, b_dec):
    comb = jnp.stack(
        [senders.reshape(NUNITS, UNIT), receivers.reshape(NUNITS, UNIT)],
        axis=1,
    )
    comb = jnp.pad(comb, ((0, 48), (0, 0), (0, 0)))
    degp = _sc_degrees(comb)
    inv = _tc_inv(degp)
    inv_s_col = inv[0].reshape(NPAD, 1)
    inv_r_col = inv[1].reshape(NPAD, 1)
    x, h = _tc_embed_mlp(nodes, W_embed, b_embed, W_mlp[0], b_mlp[0],
                         inv_s_col)
    aggp = _sc_edge_agg(h, comb)
    x, h = _tc_post_mlp(aggp, h, x, inv_r_col, ln_scale[0], ln_bias[0],
                        W_mlp[1], b_mlp[1], inv_s_col)
    aggp = _sc_edge_agg(h, comb)
    return _tc_post_pool(aggp, h, x, inv_r_col, ln_scale[1], ln_bias[1],
                         n_node, W_dec, b_dec)

# --- scband reference (transcript-rebuilt; emitter-appended) ---
"""Pipeline reference for scband-graph-conv-net-2602750181798 (READ-ONLY COPY).

The authoritative reference and input builder live on the scoring server;
editing this copy changes nothing except your own understanding.
"""

import jax, jax.numpy as jnp
import numpy as np

N = 10000
E = 320000
D = 128
G = 16
LATENT = 128
OUT = 128
STEPS = 2


def setup_inputs(seed: int = 0) -> dict:
    key = jax.random.key(seed)
    ks = jax.random.split(key, 8)
    nodes = jax.random.normal(ks[0], (N, D), dtype=jnp.float32)
    senders = jax.random.randint(ks[1], (E,), 0, N, dtype=jnp.int32)
    receivers = jax.random.randint(ks[2], (E,), 0, N, dtype=jnp.int32)
    n_node = jnp.full((G,), N // G, dtype=jnp.int32)
    W_embed = jax.random.normal(ks[3], (D, LATENT), dtype=jnp.float32) / np.sqrt(D)
    b_embed = jnp.zeros((LATENT,), jnp.float32)
    W_mlp = jax.random.normal(ks[4], (STEPS, LATENT, LATENT), dtype=jnp.float32) / np.sqrt(LATENT)
    b_mlp = jnp.zeros((STEPS, LATENT), jnp.float32)
    ln_scale = jnp.ones((STEPS, LATENT), jnp.float32)
    ln_bias = jnp.zeros((STEPS, LATENT), jnp.float32)
    W_dec = jax.random.normal(ks[5], (LATENT, OUT), dtype=jnp.float32) / np.sqrt(LATENT)
    b_dec = jnp.zeros((OUT,), jnp.float32)
    return {"nodes": nodes, "senders": senders, "receivers": receivers, "n_node": n_node,
            "W_embed": W_embed, "b_embed": b_embed, "W_mlp": W_mlp, "b_mlp": b_mlp,
            "ln_scale": ln_scale, "ln_bias": ln_bias, "W_dec": W_dec, "b_dec": b_dec}


def _layer_norm(x, scale, bias):
    mu = jnp.mean(x, axis=-1, keepdims=True)
    var = jnp.mean(jnp.square(x - mu), axis=-1, keepdims=True)
    return (x - mu) * jax.lax.rsqrt(var + 1e-6) * scale + bias


def reference(nodes, senders, receivers, n_node, W_embed, b_embed, W_mlp, b_mlp, ln_scale, ln_bias, W_dec, b_dec):
    # Embedder: GraphMapFeatures(embed_node_fn=Dense(latent))
    x = nodes @ W_embed + b_embed
    total = x.shape[0]
    self_idx = jnp.arange(total, dtype=senders.dtype)
    # add_self_edges=True
    conv_s = jnp.concatenate([senders, self_idx])
    conv_r = jnp.concatenate([receivers, self_idx])
    ones_e = jnp.ones(conv_s.shape, jnp.float32)
    send_deg = jax.ops.segment_sum(ones_e, conv_s, total)
    recv_deg = jax.ops.segment_sum(ones_e, conv_r, total)
    inv_s = jax.lax.rsqrt(jnp.maximum(send_deg, 1.0))[:, None]
    inv_r = jax.lax.rsqrt(jnp.maximum(recv_deg, 1.0))[:, None]
    for s in range(STEPS):
        # update_node_fn: 1-layer MLP (Dense + relu; dropout deterministic -> identity)
        h = jax.nn.relu(x @ W_mlp[s] + b_mlp[s])
        # jraph.GraphConvolution with symmetric normalization
        h = h * inv_s
        agg = jax.ops.segment_sum(h[conv_s], conv_r, total)
        h = agg * inv_r
        # skip connection (add_graphs_tuples)
        x = h + x
        # layer norm on nodes
        x = _layer_norm(x, ln_scale[s], ln_bias[s])
    # pool: segment_mean over per-graph node partitions
    node_graph = jnp.repeat(jnp.arange(G), n_node, axis=0, total_repeat_length=total)
    summed = jax.ops.segment_sum(x, node_graph, G)
    counts = jax.ops.segment_sum(jnp.ones((total,), jnp.float32), node_graph, G)
    pooled = summed / jnp.maximum(counts, 1.0)[:, None]
    # decoder: GraphMapFeatures(embed_global_fn=Dense(output_globals_size))
    globals_out = pooled @ W_dec + b_dec
    return globals_out

if __name__ == "__main__":
    import jax
    _d = setup_inputs()
    print(jax.jit(kernel)(*tuple(_d.values())))

</pallas_src>

<mosaic_0001>
#map = affine_map<(d0, d1) -> (0, 0)>
#map1 = affine_map<(d0, d1) -> (0, 0, 0)>
module attributes {stable_mosaic.version = 14 : i64} {
  func.func @_sc_edge_agg(%arg0: i32, %arg1: i32, %arg2: memref<10000x128xf32, #tpu.memory_space<hbm>>, %arg3: memref<2548x2x128xi32, #tpu.memory_space<hbm>>, %arg4: memref<2x10240x128xf32, #tpu.memory_space<hbm>>, %arg5: memref<60x2x128xi32, #tpu.memory_space<vmem>>, %arg6: memref<128x128xf32, #tpu.memory_space<vmem>>, %arg7: memref<128x128xf32, #tpu.memory_space<vmem>>, %arg8: memref<10240x128xf32, #tpu.memory_space<vmem_shared>>, %arg9: memref<!tpu.dma_semaphore, #tpu.memory_space<semaphore_mem>>, %arg10: memref<!tpu.dma_semaphore, #tpu.memory_space<semaphore_mem>>) attributes {dimension_semantics = [#tpu.dimension_semantics<core_parallel>, #tpu.dimension_semantics<subcore_parallel>], iteration_bounds = array<i64: 2, 16>, scalar_prefetch = 0 : i64, scratch_operands = 6 : i64, tpu.core_type = #tpu.core_type<sc_vector_subcore>, window_params = [{transform_indices = #map}, {transform_indices = #map1}, {transform_indices = #map1}]} {
    %mul3A = arith.constant 2 : i32
    %mul3A_0 = arith.muli %arg1, %mul3A : i32
    %add3A = arith.addi %mul3A_0, %arg0 : i32
    %mul3A_1 = arith.constant 78 : i32
    %mul3A_2 = arith.muli %mul3A_1, %add3A : i32
    %sub3A = arith.constant 28 : i32
    %sub3A_3 = arith.subi %add3A, %sub3A : i32
    %max3A = arith.constant 0 : i32
    %max3A_4 = arith.maxsi %sub3A_3, %max3A : i32
    %add3A_5 = arith.addi %mul3A_2, %max3A_4 : i32
    %ge3A = arith.constant 28 : i32
    %ge3A_6 = arith.cmpi sge, %add3A, %ge3A : i32
    %convert_element_type3A = arith.extui %ge3A_6 : i1 to i32
    %add3A_7 = arith.constant 78 : i32
    %add3A_8 = arith.addi %add3A_7, %convert_element_type3A : i32
    %scan3A = arith.constant 0 : i32
    %scan3A_9 = arith.constant 0 : i32
    %scan3A_10 = arith.constant 128 : i32
    %scan3A_11 = arith.addi %scan3A_9, %scan3A_10 : i32
    %scan3A_12 = arith.constant 1 : i32
    scf.for %scan3A_151 = %scan3A_9 to %scan3A_11 step %scan3A_12  : i32 {
      %broadcast_in_dim3A = arith.constant 0.000000e+00 : f32
      %broadcast_in_dim3A_152 = vector.broadcast %broadcast_in_dim3A : f32 to vector<16xf32>
      %swap3A = arith.index_cast %scan3A_151 : i32 to index
      %swap3A_153 = arith.constant 0 : index
      %swap3A_154 = tpu.vector_load %arg6[%swap3A, %swap3A_153] {strides = array<i32>} : memref<128x128xf32, #tpu.memory_space<vmem>>, vector<1x16xf32>,
      %swap3A_155 = vector.shape_cast %swap3A_154 : vector<1x16xf32> to vector<16xf32>
      %swap3A_156 = vector.shape_cast %broadcast_in_dim3A_152 : vector<16xf32> to vector<1x16xf32>
      tpu.vector_store %arg6[%swap3A, %swap3A_153], %swap3A_156 {strides = array<i32>} : memref<128x128xf32, #tpu.memory_space<vmem>>, vector<1x16xf32>,
      %broadcast_in_dim3A_157 = arith.constant 0.000000e+00 : f32
      %broadcast_in_dim3A_158 = vector.broadcast %broadcast_in_dim3A_157 : f32 to vector<16xf32>
      %swap3A_159 = arith.index_cast %scan3A_151 : i32 to index
      %swap3A_160 = arith.constant 16 : index
      %swap3A_161 = tpu.vector_load %arg6[%swap3A_159, %swap3A_160] {strides = array<i32>} : memref<128x128xf32, #tpu.memory_space<vmem>>, vector<1x16xf32>,
      %swap3A_162 = vector.shape_cast %swap3A_161 : vector<1x16xf32> to vector<16xf32>
      %swap3A_163 = vector.shape_cast %broadcast_in_dim3A_158 : vector<16xf32> to vector<1x16xf32>
      tpu.vector_store %arg6[%swap3A_159, %swap3A_160], %swap3A_163 {strides = array<i32>} : memref<128x128xf32, #tpu.memory_space<vmem>>, vector<1x16xf32>,
      %broadcast_in_dim3A_164 = arith.constant 0.000000e+00 : f32
      %broadcast_in_dim3A_165 = vector.broadcast %broadcast_in_dim3A_164 : f32 to vector<16xf32>
      %swap3A_166 = arith.index_cast %scan3A_151 : i32 to index
      %swap3A_167 = arith.constant 32 : index
      %swap3A_168 = tpu.vector_load %arg6[%swap3A_166, %swap3A_167] {strides = array<i32>} : memref<128x128xf32, #tpu.memory_space<vmem>>, vector<1x16xf32>,
      %swap3A_169 = vector.shape_cast %swap3A_168 : vector<1x16xf32> to vector<16xf32>
      %swap3A_170 = vector.shape_cast %broadcast_in_dim3A_165 : vector<16xf32> to vector<1x16xf32>
      tpu.vector_store %arg6[%swap3A_166, %swap3A_167], %swap3A_170 {strides = array<i32>} : memref<128x128xf32, #tpu.memory_space<vmem>>, vector<1x16xf32>,
      %broadcast_in_dim3A_171 = arith.constant 0.000000e+00 : f32
      %broadcast_in_dim3A_172 = vector.broadcast %broadcast_in_dim3A_171 : f32 to vector<16xf32>
      %swap3A_173 = arith.index_cast %scan3A_151 : i32 to index
      %swap3A_174 = arith.constant 48 : index
      %swap3A_175 = tpu.vector_load %arg6[%swap3A_173, %swap3A_174] {strides = array<i32>} : memref<128x128xf32, #tpu.memory_space<vmem>>, vector<1x16xf32>,
      %swap3A_176 = vector.shape_cast %swap3A_175 : vector<1x16xf32> to vector<16xf32>
      %swap3A_177 = vector.shape_cast %broadcast_in_dim3A_172 : vector<16xf32> to vector<1x16xf32>
      tpu.vector_store %arg6[%swap3A_173, %swap3A_174], %swap3A_177 {strides = array<i32>} : memref<128x128xf32, #tpu.memory_space<vmem>>, vector<1x16xf32>,
      %broadcast_in_dim3A_178 = arith.constant 0.000000e+00 : f32
      %broadcast_in_dim3A_179 = vector.broadcast %broadcast_in_dim3A_178 : f32 to vector<16xf32>
      %swap3A_180 = arith.index_cast %scan3A_151 : i32 to index
      %swap3A_181 = arith.constant 64 : index
      %swap3A_182 = tpu.vector_load %arg6[%swap3A_180, %swap3A_181] {strides = array<i32>} : memref<128x128xf32, #tpu.memory_space<vmem>>, vector<1x16xf32>,
      %swap3A_183 = vector.shape_cast %swap3A_182 : vector<1x16xf32> to vector<16xf32>
      %swap3A_184 = vector.shape_cast %broadcast_in_dim3A_179 : vector<16xf32> to vector<1x16xf32>
      tpu.vector_store %arg6[%swap3A_180, %swap3A_181], %swap3A_184 {strides = array<i32>} : memref<128x128xf32, #tpu.memory_space<vmem>>, vector<1x16xf32>,
      %broadcast_in_dim3A_185 = arith.constant 0.000000e+00 : f32
      %broadcast_in_dim3A_186 = vector.broadcast %broadcast_in_dim3A_185 : f32 to vector<16xf32>
      %swap3A_187 = arith.index_cast %scan3A_151 : i32 to index
      %swap3A_188 = arith.constant 80 : index
      %swap3A_189 = tpu.vector_load %arg6[%swap3A_187, %swap3A_188] {strides = array<i32>} : memref<128x128xf32, #tpu.memory_space<vmem>>, vector<1x16xf32>,
      %swap3A_190 = vector.shape_cast %swap3A_189 : vector<1x16xf32> to vector<16xf32>
      %swap3A_191 = vector.shape_cast %broadcast_in_dim3A_186 : vector<16xf32> to vector<1x16xf32>
      tpu.vector_store %arg6[%swap3A_187, %swap3A_188], %swap3A_191 {strides = array<i32>} : memref<128x128xf32, #tpu.memory_space<vmem>>, vector<1x16xf32>,
      %broadcast_in_dim3A_192 = arith.constant 0.000000e+00 : f32
      %broadcast_in_dim3A_193 = vector.broadcast %broadcast_in_dim3A_192 : f32 to vector<16xf32>
      %swap3A_194 = arith.index_cast %scan3A_151 : i32 to index
      %swap3A_195 = arith.constant 96 : index
      %swap3A_196 = tpu.vector_load %arg6[%swap3A_194, %swap3A_195] {strides = array<i32>} : memref<128x128xf32, #tpu.memory_space<vmem>>, vector<1x16xf32>,
      %swap3A_197 = vector.shape_cast %swap3A_196 : vector<1x16xf32> to vector<16xf32>
      %swap3A_198 = vector.shape_cast %broadcast_in_dim3A_193 : vector<16xf32> to vector<1x16xf32>
      tpu.vector_store %arg6[%swap3A_194, %swap3A_195], %swap3A_198 {strides = array<i32>} : memref<128x128xf32, #tpu.memory_space<vmem>>, vector<1x16xf32>,
      %broadcast_in_dim3A_199 = arith.constant 0.000000e+00 : f32
      %broadcast_in_dim3A_200 = vector.broadcast %broadcast_in_dim3A_199 : f32 to vector<16xf32>
      %swap3A_201 = arith.index_cast %scan3A_151 : i32 to index
      %swap3A_202 = arith.constant 112 : index
      %swap3A_203 = tpu.vector_load %arg6[%swap3A_201, %swap3A_202] {strides = array<i32>} : memref<128x128xf32, #tpu.memory_space<vmem>>, vector<1x16xf32>,
      %swap3A_204 = vector.shape_cast %swap3A_203 : vector<1x16xf32> to vector<16xf32>
      %swap3A_205 = vector.shape_cast %broadcast_in_dim3A_200 : vector<16xf32> to vector<1x16xf32>
      tpu.vector_store %arg6[%swap3A_201, %swap3A_202], %swap3A_205 {strides = array<i32>} : memref<128x128xf32, #tpu.memory_space<vmem>>, vector<1x16xf32>,
    }
    %scan3A_13 = arith.constant 128 : i32
    %mul3A_14 = arith.constant 640 : i32
    %mul3A_15 = arith.muli %arg1, %mul3A_14 : i32
    %add3A_16 = arith.constant 0 : i32
    %add3A_17 = arith.addi %mul3A_15, %add3A_16 : i32
    %dma_start3A = arith.constant 0 : i32
    %dma_start3A_18 = tpu.memref_slice %arg8[%add3A_17, %dma_start3A] : memref<10240x128xf32, #tpu.memory_space<vmem_shared>> -> memref<128x128xf32, #tpu.memory_space<vmem_shared>>
    %dma_start3A_19 = arith.constant 0 : i32
    %dma_start3A_20 = tpu.memref_slice %arg8[%add3A_17, %dma_start3A_19] : memref<10240x128xf32, #tpu.memory_space<vmem_shared>> -> memref<128x128xf32, #tpu.memory_space<vmem_shared>>
    tpu.enqueue_dma source(%arg6 : memref<128x128xf32, #tpu.memory_space<vmem>>) target(%dma_start3A_20 : memref<128x128xf32, #tpu.memory_space<vmem_shared>>) target_semaphore(%arg9 : memref<!tpu.dma_semaphore, #tpu.memory_space<semaphore_mem>>)
    %add3A_21 = arith.constant 128 : i32
    %add3A_22 = arith.addi %mul3A_15, %add3A_21 : i32
    %dma_start3A_23 = arith.constant 0 : i32
    %dma_start3A_24 = tpu.memref_slice %arg8[%add3A_22, %dma_start3A_23] : memref<10240x128xf32, #tpu.memory_space<vmem_shared>> -> memref<128x128xf32, #tpu.memory_space<vmem_shared>>
    %dma_start3A_25 = arith.constant 0 : i32
    %dma_start3A_26 = tpu.memref_slice %arg8[%add3A_22, %dma_start3A_25] : memref<10240x128xf32, #tpu.memory_space<vmem_shared>> -> memref<128x128xf32, #tpu.memory_space<vmem_shared>>
    tpu.enqueue_dma source(%arg6 : memref<128x128xf32, #tpu.memory_space<vmem>>) target(%dma_start3A_26 : memref<128x128xf32, #tpu.memory_space<vmem_shared>>) target_semaphore(%arg9 : memref<!tpu.dma_semaphore, #tpu.memory_space<semaphore_mem>>)
    %add3A_27 = arith.constant 256 : i32
    %add3A_28 = arith.addi %mul3A_15, %add3A_27 : i32
    %dma_start3A_29 = arith.constant 0 : i32
    %dma_start3A_30 = tpu.memref_slice %arg8[%add3A_28, %dma_start3A_29] : memref<10240x128xf32, #tpu.memory_space<vmem_shared>> -> memref<128x128xf32, #tpu.memory_space<vmem_shared>>
    %dma_start3A_31 = arith.constant 0 : i32
    %dma_start3A_32 = tpu.memref_slice %arg8[%add3A_28, %dma_start3A_31] : memref<10240x128xf32, #tpu.memory_space<vmem_shared>> -> memref<128x128xf32, #tpu.memory_space<vmem_shared>>
    tpu.enqueue_dma source(%arg6 : memref<128x128xf32, #tpu.memory_space<vmem>>) target(%dma_start3A_32 : memref<128x128xf32, #tpu.memory_space<vmem_shared>>) target_semaphore(%arg9 : memref<!tpu.dma_semaphore, #tpu.memory_space<semaphore_mem>>)
    %add3A_33 = arith.constant 384 : i32
    %add3A_34 = arith.addi %mul3A_15, %add3A_33 : i32
    %dma_start3A_35 = arith.constant 0 : i32
    %dma_start3A_36 = tpu.memref_slice %arg8[%add3A_34, %dma_start3A_35] : memref<10240x128xf32, #tpu.memory_space<vmem_shared>> -> memref<128x128xf32, #tpu.memory_space<vmem_shared>>
    %dma_start3A_37 = arith.constant 0 : i32
    %dma_start3A_38 = tpu.memref_slice %arg8[%add3A_34, %dma_start3A_37] : memref<10240x128xf32, #tpu.memory_space<vmem_shared>> -> memref<128x128xf32, #tpu.memory_space<vmem_shared>>
    tpu.enqueue_dma source(%arg6 : memref<128x128xf32, #tpu.memory_space<vmem>>) target(%dma_start3A_38 : memref<128x128xf32, #tpu.memory_space<vmem_shared>>) target_semaphore(%arg9 : memref<!tpu.dma_semaphore, #tpu.memory_space<semaphore_mem>>)
    %add3A_39 = arith.constant 512 : i32
    %add3A_40 = arith.addi %mul3A_15, %add3A_39 : i32
    %dma_start3A_41 = arith.constant 0 : i32
    %dma_start3A_42 = tpu.memref_slice %arg8[%add3A_40, %dma_start3A_41] : memref<10240x128xf32, #tpu.memory_space<vmem_shared>> -> memref<128x128xf32, #tpu.memory_space<vmem_shared>>
    %dma_start3A_43 = arith.constant 0 : i32
    %dma_start3A_44 = tpu.memref_slice %arg8[%add3A_40, %dma_start3A_43] : memref<10240x128xf32, #tpu.memory_space<vmem_shared>> -> memref<128x128xf32, #tpu.memory_space<vmem_shared>>
    tpu.enqueue_dma source(%arg6 : memref<128x128xf32, #tpu.memory_space<vmem>>) target(%dma_start3A_44 : memref<128x128xf32, #tpu.memory_space<vmem_shared>>) target_semaphore(%arg9 : memref<!tpu.dma_semaphore, #tpu.memory_space<semaphore_mem>>)
    %dma_wait3A = arith.constant 0 : i32
    %dma_wait3A_45 = tpu.memref_slice %arg8[%mul3A_15, %dma_wait3A] : memref<10240x128xf32, #tpu.memory_space<vmem_shared>> -> memref<128x128xf32, #tpu.memory_space<vmem_shared>>
    %dma_wait3A_46 = arith.constant 0 : i32
    %dma_wait3A_47 = tpu.memref_slice %arg8[%mul3A_15, %dma_wait3A_46] : memref<10240x128xf32, #tpu.memory_space<vmem_shared>> -> memref<128x128xf32, #tpu.memory_space<vmem_shared>>
    tpu.wait_dma2 semaphore(%arg9 : memref<!tpu.dma_semaphore, #tpu.memory_space<semaphore_mem>>) src(%arg6 : memref<128x128xf32, #tpu.memory_space<vmem>>) dst(%dma_wait3A_47 : memref<128x128xf32, #tpu.memory_space<vmem_shared>>)
    %dma_wait3A_48 = arith.constant 0 : i32
    %dma_wait3A_49 = tpu.memref_slice %arg8[%mul3A_15, %dma_wait3A_48] : memref<10240x128xf32, #tpu.memory_space<vmem_shared>> -> memref<128x128xf32, #tpu.memory_space<vmem_shared>>
    %dma_wait3A_50 = arith.constant 0 : i32
    %dma_wait3A_51 = tpu.memref_slice %arg8[%mul3A_15, %dma_wait3A_50] : memref<10240x128xf32, #tpu.memory_space<vmem_shared>> -> memref<128x128xf32, #tpu.memory_space<vmem_shared>>
    tpu.wait_dma2 semaphore(%arg9 : memref<!tpu.dma_semaphore, #tpu.memory_space<semaphore_mem>>) src(%arg6 : memref<128x128xf32, #tpu.memory_space<vmem>>) dst(%dma_wait3A_51 : memref<128x128xf32, #tpu.memory_space<vmem_shared>>)
    %dma_wait3A_52 = arith.constant 0 : i32
    %dma_wait3A_53 = tpu.memref_slice %arg8[%mul3A_15, %dma_wait3A_52] : memref<10240x128xf32, #tpu.memory_space<vmem_shared>> -> memref<128x128xf32, #tpu.memory_space<vmem_shared>>
    %dma_wait3A_54 = arith.constant 0 : i32
    %dma_wait3A_55 = tpu.memref_slice %arg8[%mul3A_15, %dma_wait3A_54] : memref<10240x128xf32, #tpu.memory_space<vmem_shared>> -> memref<128x128xf32, #tpu.memory_space<vmem_shared>>
    tpu.wait_dma2 semaphore(%arg9 : memref<!tpu.dma_semaphore, #tpu.memory_space<semaphore_mem>>) src(%arg6 : memref<128x128xf32, #tpu.memory_space<vmem>>) dst(%dma_wait3A_55 : memref<128x128xf32, #tpu.memory_space<vmem_shared>>)
    %dma_wait3A_56 = arith.constant 0 : i32
    %dma_wait3A_57 = tpu.memref_slice %arg8[%mul3A_15, %dma_wait3A_56] : memref<10240x128xf32, #tpu.memory_space<vmem_shared>> -> memref<128x128xf32, #tpu.memory_space<vmem_shared>>
    %dma_wait3A_58 = arith.constant 0 : i32
    %dma_wait3A_59 = tpu.memref_slice %arg8[%mul3A_15, %dma_wait3A_58] : memref<10240x128xf32, #tpu.memory_space<vmem_shared>> -> memref<128x128xf32, #tpu.memory_space<vmem_shared>>
    tpu.wait_dma2 semaphore(%arg9 : memref<!tpu.dma_semaphore, #tpu.memory_space<semaphore_mem>>) src(%arg6 : memref<128x128xf32, #tpu.memory_space<vmem>>) dst(%dma_wait3A_59 : memref<128x128xf32, #tpu.memory_space<vmem_shared>>)
    %dma_wait3A_60 = arith.constant 0 : i32
    %dma_wait3A_61 = tpu.memref_slice %arg8[%mul3A_15, %dma_wait3A_60] : memref<10240x128xf32, #tpu.memory_space<vmem_shared>> -> memref<128x128xf32, #tpu.memory_space<vmem_shared>>
    %dma_wait3A_62 = arith.constant 0 : i32
    %dma_wait3A_63 = tpu.memref_slice %arg8[%mul3A_15, %dma_wait3A_62] : memref<10240x128xf32, #tpu.memory_space<vmem_shared>> -> memref<128x128xf32, #tpu.memory_space<vmem_shared>>
    tpu.wait_dma2 semaphore(%arg9 : memref<!tpu.dma_semaphore, #tpu.memory_space<semaphore_mem>>) src(%arg6 : memref<128x128xf32, #tpu.memory_space<vmem>>) dst(%dma_wait3A_63 : memref<128x128xf32, #tpu.memory_space<vmem_shared>>)
    %barrier3A = arith.constant 0 : index
    tpu.barrier barrier_id(%barrier3A)
    "tpu.region"() ({
      %run_scoped3A = tpu.sem_alloc : memref<!tpu.dma_semaphore, #tpu.memory_space<semaphore_mem>>
      %dma_start3A_151 = arith.constant 0 : i32
      %dma_start3A_152 = arith.constant 0 : i32
      %dma_start3A_153 = tpu.memref_slice %arg3[%add3A_5, %dma_start3A_151, %dma_start3A_152] : memref<2548x2x128xi32, #tpu.memory_space<hbm>> -> memref<60x2x128xi32, #tpu.memory_space<hbm>>
      %dma_start3A_154 = arith.constant 0 : i32
      %dma_start3A_155 = arith.constant 0 : i32
      %dma_start3A_156 = tpu.memref_slice %arg3[%add3A_5, %dma_start3A_154, %dma_start3A_155] : memref<2548x2x128xi32, #tpu.memory_space<hbm>> -> memref<60x2x128xi32, #tpu.memory_space<hbm>>
      tpu.enqueue_dma source(%dma_start3A_156 : memref<60x2x128xi32, #tpu.memory_space<hbm>>) target(%arg5 : memref<60x2x128xi32, #tpu.memory_space<vmem>>) target_semaphore(%run_scoped3A : memref<!tpu.dma_semaphore, #tpu.memory_space<semaphore_mem>>)
      %dma_wait3A_157 = arith.constant 0 : i32
      %dma_wait3A_158 = arith.constant 0 : i32
      %dma_wait3A_159 = tpu.memref_slice %arg3[%add3A_5, %dma_wait3A_157, %dma_wait3A_158] : memref<2548x2x128xi32, #tpu.memory_space<hbm>> -> memref<60x2x128xi32, #tpu.memory_space<hbm>>
      %dma_wait3A_160 = arith.constant 0 : i32
      %dma_wait3A_161 = arith.constant 0 : i32
      %dma_wait3A_162 = tpu.memref_slice %arg3[%add3A_5, %dma_wait3A_160, %dma_wait3A_161] : memref<2548x2x128xi32, #tpu.memory_space<hbm>> -> memref<60x2x128xi32, #tpu.memory_space<hbm>>
      tpu.wait_dma2 semaphore(%run_scoped3A : memref<!tpu.dma_semaphore, #tpu.memory_space<semaphore_mem>>) src(%dma_wait3A_162 : memref<60x2x128xi32, #tpu.memory_space<hbm>>) dst(%arg5 : memref<60x2x128xi32, #tpu.memory_space<vmem>>)
      tpu.yield
    }) : () -> ()
    %dma_start3A_64 = arith.constant 0 : i32
    %dma_start3A_65 = arith.constant 0 : i32
    %dma_start3A_66 = arith.constant 0 : i32
    %dma_start3A_67 = tpu.memref_slice %arg5[%dma_start3A_64, %dma_start3A_65, %dma_start3A_66] : memref<60x2x128xi32, #tpu.memory_space<vmem>> -> memref<1x1x128xi32, #tpu.memory_space<vmem>>
    %dma_start3A_68 = tpu.memref_squeeze %dma_start3A_67 : memref<1x1x128xi32, #tpu.memory_space<vmem>> -> memref<128xi32, #tpu.memory_space<vmem>>
    %dma_start3A_69 = arith.constant 0 : i32
    %dma_start3A_70 = arith.constant 0 : i32
    %dma_start3A_71 = tpu.memref_slice %arg2[%dma_start3A_69, %dma_start3A_70] : memref<10000x128xf32, #tpu.memory_space<hbm>> -> memref<10000x128xf32, #tpu.memory_space<hbm>>
    tpu.enqueue_indirect_dma source(%dma_start3A_71 : memref<10000x128xf32, #tpu.memory_space<hbm>>) target(%arg6 : memref<128x128xf32, #tpu.memory_space<vmem>>) offsets(%dma_start3A_68 : memref<128xi32, #tpu.memory_space<vmem>>) semaphore(%arg9 : memref<!tpu.dma_semaphore, #tpu.memory_space<semaphore_mem>>)
    %add3A_72 = arith.constant 60 : i32
    %add3A_73 = arith.constant 1 : i32
    %add3A_74 = arith.addi %add3A_72, %add3A_73 : i32
    %jit3A = arith.constant 2 : i32
    %div3A = arith.divsi %add3A_74, %jit3A : i32
    %sign3A = arith.constant 0 : i32
    %sign3A_75 = arith.cmpi sgt, %add3A_74, %sign3A : i32
    %sign3A_76 = arith.extui %sign3A_75 : i1 to i32
    %sign3A_77 = arith.constant 0 : i32
    %sign3A_78 = arith.cmpi slt, %add3A_74, %sign3A_77 : i32
    %sign3A_79 = arith.extui %sign3A_78 : i1 to i32
    %sign3A_80 = arith.subi %sign3A_76, %sign3A_79 : i32
    %sign3A_81 = arith.constant 0 : i32
    %sign3A_82 = arith.cmpi sgt, %jit3A, %sign3A_81 : i32
    %sign3A_83 = arith.extui %sign3A_82 : i1 to i32
    %sign3A_84 = arith.constant 0 : i32
    %sign3A_85 = arith.cmpi slt, %jit3A, %sign3A_84 : i32
    %sign3A_86 = arith.extui %sign3A_85 : i1 to i32
    %sign3A_87 = arith.subi %sign3A_83, %sign3A_86 : i32
    %ne3A = arith.cmpi ne, %sign3A_80, %sign3A_87 : i32
    %rem3A = arith.remsi %add3A_74, %jit3A : i32
    %ne3A_88 = arith.constant 0 : i32
    %ne3A_89 = arith.cmpi ne, %rem3A, %ne3A_88 : i32
    %and3A = arith.andi %ne3A, %ne3A_89 : i1
    %sub3A_90 = arith.constant 1 : i32
    %sub3A_91 = arith.subi %div3A, %sub3A_90 : i32
    %select_n3A = arith.select %and3A, %sub3A_91, %div3A : i32
    %while3A = arith.constant 0 : i32
    %while3A_92 = arith.constant 60 : i32
    %while3A_93 = arith.constant 0 : i32
    %while3A_94 = arith.subi %select_n3A, %while3A_93 : i32
    %while3A_95 = arith.addi %while3A_93, %while3A_94 : i32
    %while3A_96 = arith.constant 1 : i32
    %while3A_97 = arith.divsi %while3A_94, %while3A_96 : i32
    %while3A_98 = arith.muli %while3A_97, %while3A_96 : i32
    %while3A_99 = arith.addi %while3A_93, %while3A_98 : i32
    %while3A_100 = arith.constant 1 : i32
    scf.for %while3A_151 = %while3A_93 to %while3A_99 step %while3A_100  : i32 {
      %mul3A_152 = arith.constant 2 : i32
      %mul3A_153 = arith.muli %mul3A_152, %while3A_151 : i32
      %add3A_154 = arith.constant 1 : i32
      %add3A_155 = arith.addi %mul3A_153, %add3A_154 : i32
      %lt3A = arith.cmpi slt, %add3A_155, %while3A_92 : i32
      %convert_element_type3A_156 = arith.extui %lt3A : i1 to i32
      %cond3A = arith.constant 0 : i32
      %cond3A_157 = arith.cmpi ne, %convert_element_type3A_156, %cond3A : i32
      scf.if %cond3A_157 {
        %add3A_177 = arith.constant 1 : i32
        %add3A_178 = arith.addi %mul3A_153, %add3A_177 : i32
        %dma_start3A_179 = arith.constant 0 : i32
        %dma_start3A_180 = arith.constant 0 : i32
        %dma_start3A_181 = tpu.memref_slice %arg5[%add3A_178, %dma_start3A_179, %dma_start3A_180] : memref<60x2x128xi32, #tpu.memory_space<vmem>> -> memref<1x1x128xi32, #tpu.memory_space<vmem>>
        %dma_start3A_182 = tpu.memref_squeeze %dma_start3A_181 : memref<1x1x128xi32, #tpu.memory_space<vmem>> -> memref<128xi32, #tpu.memory_space<vmem>>
        %dma_start3A_183 = arith.constant 0 : i32
        %dma_start3A_184 = arith.constant 0 : i32
        %dma_start3A_185 = tpu.memref_slice %arg2[%dma_start3A_183, %dma_start3A_184] : memref<10000x128xf32, #tpu.memory_space<hbm>> -> memref<10000x128xf32, #tpu.memory_space<hbm>>
        tpu.enqueue_indirect_dma source(%dma_start3A_185 : memref<10000x128xf32, #tpu.memory_space<hbm>>) target(%arg7 : memref<128x128xf32, #tpu.memory_space<vmem>>) offsets(%dma_start3A_182 : memref<128xi32, #tpu.memory_space<vmem>>) semaphore(%arg10 : memref<!tpu.dma_semaphore, #tpu.memory_space<semaphore_mem>>)
      } else {
      }
      %dma_wait3A_158 = arith.constant 0 : i32
      %dma_wait3A_159 = arith.constant 0 : i32
      %dma_wait3A_160 = tpu.memref_slice %arg5[%mul3A_153, %dma_wait3A_158, %dma_wait3A_159] : memref<60x2x128xi32, #tpu.memory_space<vmem>> -> memref<1x1x128xi32, #tpu.memory_space<vmem>>
      %dma_wait3A_161 = tpu.memref_squeeze %dma_wait3A_160 : memref<1x1x128xi32, #tpu.memory_space<vmem>> -> memref<128xi32, #tpu.memory_space<vmem>>
      %dma_wait3A_162 = arith.constant 0 : i32
      %dma_wait3A_163 = arith.constant 0 : i32
      %dma_wait3A_164 = tpu.memref_slice %arg2[%dma_wait3A_162, %dma_wait3A_163] : memref<10000x128xf32, #tpu.memory_space<hbm>> -> memref<10000x128xf32, #tpu.memory_space<hbm>>
      tpu.wait_indirect_dma semaphore(%arg9 : memref<!tpu.dma_semaphore, #tpu.memory_space<semaphore_mem>>) src(%dma_wait3A_164 : memref<10000x128xf32, #tpu.memory_space<hbm>>) dst(%arg6 : memref<128x128xf32, #tpu.memory_space<vmem>>)
      %run_scoped3A = arith.constant 1 : i32
      "tpu.region"() ({
        %run_scoped3A_177 = tpu.sem_alloc : memref<!tpu.dma_semaphore, #tpu.memory_space<semaphore_mem>>
        %dma_start3A_178 = arith.constant 0 : i32
        %dma_start3A_179 = tpu.memref_slice %arg5[%mul3A_153, %run_scoped3A, %dma_start3A_178] : memref<60x2x128xi32, #tpu.memory_space<vmem>> -> memref<1x1x128xi32, #tpu.memory_space<vmem>>
        %dma_start3A_180 = tpu.memref_squeeze %dma_start3A_179 : memref<1x1x128xi32, #tpu.memory_space<vmem>> -> memref<128xi32, #tpu.memory_space<vmem>>
        %dma_start3A_181 = arith.constant 0 : i32
        %dma_start3A_182 = arith.constant 0 : i32
        %dma_start3A_183 = tpu.memref_slice %arg8[%dma_start3A_181, %dma_start3A_182] : memref<10240x128xf32, #tpu.memory_space<vmem_shared>> -> memref<10240x128xf32, #tpu.memory_space<vmem_shared>>
        tpu.enqueue_indirect_dma source(%arg6 : memref<128x128xf32, #tpu.memory_space<vmem>>) target(%dma_start3A_183 : memref<10240x128xf32, #tpu.memory_space<vmem_shared>>) offsets(%dma_start3A_180 : memref<128xi32, #tpu.memory_space<vmem>>) semaphore(%run_scoped3A_177 : memref<!tpu.dma_semaphore, #tpu.memory_space<semaphore_mem>>) {add = true}
        %dma_wait3A_184 = arith.constant 0 : i32
        %dma_wait3A_185 = tpu.memref_slice %arg5[%mul3A_153, %run_scoped3A, %dma_wait3A_184] : memref<60x2x128xi32, #tpu.memory_space<vmem>> -> memref<1x1x128xi32, #tpu.memory_space<vmem>>
        %dma_wait3A_186 = tpu.memref_squeeze %dma_wait3A_185 : memref<1x1x128xi32, #tpu.memory_space<vmem>> -> memref<128xi32, #tpu.memory_space<vmem>>
        %dma_wait3A_187 = arith.constant 0 : i32
        %dma_wait3A_188 = arith.constant 0 : i32
        %dma_wait3A_189 = tpu.memref_slice %arg8[%dma_wait3A_187, %dma_wait3A_188] : memref<10240x128xf32, #tpu.memory_space<vmem_shared>> -> memref<10240x128xf32, #tpu.memory_space<vmem_shared>>
        tpu.wait_indirect_dma semaphore(%run_scoped3A_177 : memref<!tpu.dma_semaphore, #tpu.memory_space<semaphore_mem>>) src(%arg6 : memref<128x128xf32, #tpu.memory_space<vmem>>) dst(%dma_wait3A_189 : memref<10240x128xf32, #tpu.memory_space<vmem_shared>>)
        tpu.yield
      }) : () -> ()
      %add3A_165 = arith.constant 2 : i32
      %add3A_166 = arith.addi %mul3A_153, %add3A_165 : i32
      %lt3A_167 = arith.cmpi slt, %add3A_166, %while3A_92 : i32
      %convert_element_type3A_168 = arith.extui %lt3A_167 : i1 to i32
      %cond3A_169 = arith.constant 0 : i32
      %cond3A_170 = arith.cmpi ne, %convert_element_type3A_168, %cond3A_169 : i32
      scf.if %cond3A_170 {
        %add3A_177 = arith.constant 2 : i32
        %add3A_178 = arith.addi %mul3A_153, %add3A_177 : i32
        %dma_start3A_179 = arith.constant 0 : i32
        %dma_start3A_180 = arith.constant 0 : i32
        %dma_start3A_181 = tpu.memref_slice %arg5[%add3A_178, %dma_start3A_179, %dma_start3A_180] : memref<60x2x128xi32, #tpu.memory_space<vmem>> -> memref<1x1x128xi32, #tpu.memory_space<vmem>>
        %dma_start3A_182 = tpu.memref_squeeze %dma_start3A_181 : memref<1x1x128xi32, #tpu.memory_space<vmem>> -> memref<128xi32, #tpu.memory_space<vmem>>
        %dma_start3A_183 = arith.constant 0 : i32
        %dma_start3A_184 = arith.constant 0 : i32
        %dma_start3A_185 = tpu.memref_slice %arg2[%dma_start3A_183, %dma_start3A_184] : memref<10000x128xf32, #tpu.memory_space<hbm>> -> memref<10000x128xf32, #tpu.memory_space<hbm>>
        tpu.enqueue_indirect_dma source(%dma_start3A_185 : memref<10000x128xf32, #tpu.memory_space<hbm>>) target(%arg6 : memref<128x128xf32, #tpu.memory_space<vmem>>) offsets(%dma_start3A_182 : memref<128xi32, #tpu.memory_space<vmem>>) semaphore(%arg9 : memref<!tpu.dma_semaphore, #tpu.memory_space<semaphore_mem>>)
      } else {
      }
      %add3A_171 = arith.constant 1 : i32
      %add3A_172 = arith.addi %mul3A_153, %add3A_171 : i32
      %lt3A_173 = arith.cmpi slt, %add3A_172, %while3A_92 : i32
      %convert_element_type3A_174 = arith.extui %lt3A_173 : i1 to i32
      %cond3A_175 = arith.constant 0 : i32
      %cond3A_176 = arith.cmpi ne, %convert_element_type3A_174, %cond3A_175 : i32
      scf.if %cond3A_176 {
        %add3A_177 = arith.constant 1 : i32
        %add3A_178 = arith.addi %mul3A_153, %add3A_177 : i32
        %dma_wait3A_179 = arith.constant 0 : i32
        %dma_wait3A_180 = arith.constant 0 : i32
        %dma_wait3A_181 = tpu.memref_slice %arg5[%add3A_178, %dma_wait3A_179, %dma_wait3A_180] : memref<60x2x128xi32, #tpu.memory_space<vmem>> -> memref<1x1x128xi32, #tpu.memory_space<vmem>>
        %dma_wait3A_182 = tpu.memref_squeeze %dma_wait3A_181 : memref<1x1x128xi32, #tpu.memory_space<vmem>> -> memref<128xi32, #tpu.memory_space<vmem>>
        %dma_wait3A_183 = arith.constant 0 : i32
        %dma_wait3A_184 = arith.constant 0 : i32
        %dma_wait3A_185 = tpu.memref_slice %arg2[%dma_wait3A_183, %dma_wait3A_184] : memref<10000x128xf32, #tpu.memory_space<hbm>> -> memref<10000x128xf32, #tpu.memory_space<hbm>>
        tpu.wait_indirect_dma semaphore(%arg10 : memref<!tpu.dma_semaphore, #tpu.memory_space<semaphore_mem>>) src(%dma_wait3A_185 : memref<10000x128xf32, #tpu.memory_space<hbm>>) dst(%arg7 : memref<128x128xf32, #tpu.memory_space<vmem>>)
        %add3A_186 = arith.constant 1 : i32
        %add3A_187 = arith.addi %mul3A_153, %add3A_186 : i32
        %run_scoped3A_188 = arith.constant 1 : i32
        "tpu.region"() ({
          %run_scoped3A_189 = tpu.sem_alloc : memref<!tpu.dma_semaphore, #tpu.memory_space<semaphore_mem>>
          %dma_start3A_190 = arith.constant 0 : i32
          %dma_start3A_191 = tpu.memref_slice %arg5[%add3A_187, %run_scoped3A_188, %dma_start3A_190] : memref<60x2x128xi32, #tpu.memory_space<vmem>> -> memref<1x1x128xi32, #tpu.memory_space<vmem>>
          %dma_start3A_192 = tpu.memref_squeeze %dma_start3A_191 : memref<1x1x128xi32, #tpu.memory_space<vmem>> -> memref<128xi32, #tpu.memory_space<vmem>>
          %dma_start3A_193 = arith.constant 0 : i32
          %dma_start3A_194 = arith.constant 0 : i32
          %dma_start3A_195 = tpu.memref_slice %arg8[%dma_start3A_193, %dma_start3A_194] : memref<10240x128xf32, #tpu.memory_space<vmem_shared>> -> memref<10240x128xf32, #tpu.memory_space<vmem_shared>>
          tpu.enqueue_indirect_dma source(%arg7 : memref<128x128xf32, #tpu.memory_space<vmem>>) target(%dma_start3A_195 : memref<10240x128xf32, #tpu.memory_space<vmem_shared>>) offsets(%dma_start3A_192 : memref<128xi32, #tpu.memory_space<vmem>>) semaphore(%run_scoped3A_189 : memref<!tpu.dma_semaphore, #tpu.memory_space<semaphore_mem>>) {add = true}
          %dma_wait3A_196 = arith.constant 0 : i32
          %dma_wait3A_197 = tpu.memref_slice %arg5[%add3A_187, %run_scoped3A_188, %dma_wait3A_196] : memref<60x2x128xi32, #tpu.memory_space<vmem>> -> memref<1x1x128xi32, #tpu.memory_space<vmem>>
          %dma_wait3A_198 = tpu.memref_squeeze %dma_wait3A_197 : memref<1x1x128xi32, #tpu.memory_space<vmem>> -> memref<128xi32, #tpu.memory_space<vmem>>
          %dma_wait3A_199 = arith.constant 0 : i32
          %dma_wait3A_200 = arith.constant 0 : i32
          %dma_wait3A_201 = tpu.memref_slice %arg8[%dma_wait3A_199, %dma_wait3A_200] : memref<10240x128xf32, #tpu.memory_space<vmem_shared>> -> memref<10240x128xf32, #tpu.memory_space<vmem_shared>>
          tpu.wait_indirect_dma semaphore(%run_scoped3A_189 : memref<!tpu.dma_semaphore, #tpu.memory_space<semaphore_mem>>) src(%arg7 : memref<128x128xf32, #tpu.memory_space<vmem>>) dst(%dma_wait3A_201 : memref<10240x128xf32, #tpu.memory_space<vmem_shared>>)
          tpu.yield
        }) : () -> ()
      } else {
      }
    }
    %while3A_101 = arith.constant 1 : i32
    scf.for %while3A_151 = %while3A_99 to %while3A_95 step %while3A_101  : i32 {
      %mul3A_152 = arith.constant 2 : i32
      %mul3A_153 = arith.muli %mul3A_152, %while3A_151 : i32
      %add3A_154 = arith.constant 1 : i32
      %add3A_155 = arith.addi %mul3A_153, %add3A_154 : i32
      %lt3A = arith.cmpi slt, %add3A_155, %while3A_92 : i32
      %convert_element_type3A_156 = arith.extui %lt3A : i1 to i32
      %cond3A = arith.constant 0 : i32
      %cond3A_157 = arith.cmpi ne, %convert_element_type3A_156, %cond3A : i32
      scf.if %cond3A_157 {
        %add3A_177 = arith.constant 1 : i32
        %add3A_178 = arith.addi %mul3A_153, %add3A_177 : i32
        %dma_start3A_179 = arith.constant 0 : i32
        %dma_start3A_180 = arith.constant 0 : i32
        %dma_start3A_181 = tpu.memref_slice %arg5[%add3A_178, %dma_start3A_179, %dma_start3A_180] : memref<60x2x128xi32, #tpu.memory_space<vmem>> -> memref<1x1x128xi32, #tpu.memory_space<vmem>>
        %dma_start3A_182 = tpu.memref_squeeze %dma_start3A_181 : memref<1x1x128xi32, #tpu.memory_space<vmem>> -> memref<128xi32, #tpu.memory_space<vmem>>
        %dma_start3A_183 = arith.constant 0 : i32
        %dma_start3A_184 = arith.constant 0 : i32
        %dma_start3A_185 = tpu.memref_slice %arg2[%dma_start3A_183, %dma_start3A_184] : memref<10000x128xf32, #tpu.memory_space<hbm>> -> memref<10000x128xf32, #tpu.memory_space<hbm>>
        tpu.enqueue_indirect_dma source(%dma_start3A_185 : memref<10000x128xf32, #tpu.memory_space<hbm>>) target(%arg7 : memref<128x128xf32, #tpu.memory_space<vmem>>) offsets(%dma_start3A_182 : memref<128xi32, #tpu.memory_space<vmem>>) semaphore(%arg10 : memref<!tpu.dma_semaphore, #tpu.memory_space<semaphore_mem>>)
      } else {
      }
      %dma_wait3A_158 = arith.constant 0 : i32
      %dma_wait3A_159 = arith.constant 0 : i32
      %dma_wait3A_160 = tpu.memref_slice %arg5[%mul3A_153, %dma_wait3A_158, %dma_wait3A_159] : memref<60x2x128xi32, #tpu.memory_space<vmem>> -> memref<1x1x128xi32, #tpu.memory_space<vmem>>
      %dma_wait3A_161 = tpu.memref_squeeze %dma_wait3A_160 : memref<1x1x128xi32, #tpu.memory_space<vmem>> -> memref<128xi32, #tpu.memory_space<vmem>>
      %dma_wait3A_162 = arith.constant 0 : i32
      %dma_wait3A_163 = arith.constant 0 : i32
      %dma_wait3A_164 = tpu.memref_slice %arg2[%dma_wait3A_162, %dma_wait3A_163] : memref<10000x128xf32, #tpu.memory_space<hbm>> -> memref<10000x128xf32, #tpu.memory_space<hbm>>
      tpu.wait_indirect_dma semaphore(%arg9 : memref<!tpu.dma_semaphore, #tpu.memory_space<semaphore_mem>>) src(%dma_wait3A_164 : memref<10000x128xf32, #tpu.memory_space<hbm>>) dst(%arg6 : memref<128x128xf32, #tpu.memory_space<vmem>>)
      %run_scoped3A = arith.constant 1 : i32
      "tpu.region"() ({
        %run_scoped3A_177 = tpu.sem_alloc : memref<!tpu.dma_semaphore, #tpu.memory_space<semaphore_mem>>
        %dma_start3A_178 = arith.constant 0 : i32
        %dma_start3A_179 = tpu.memref_slice %arg5[%mul3A_153, %run_scoped3A, %dma_start3A_178] : memref<60x2x128xi32, #tpu.memory_space<vmem>> -> memref<1x1x128xi32, #tpu.memory_space<vmem>>
        %dma_start3A_180 = tpu.memref_squeeze %dma_start3A_179 : memref<1x1x128xi32, #tpu.memory_space<vmem>> -> memref<128xi32, #tpu.memory_space<vmem>>
        %dma_start3A_181 = arith.constant 0 : i32
        %dma_start3A_182 = arith.constant 0 : i32
        %dma_start3A_183 = tpu.memref_slice %arg8[%dma_start3A_181, %dma_start3A_182] : memref<10240x128xf32, #tpu.memory_space<vmem_shared>> -> memref<10240x128xf32, #tpu.memory_space<vmem_shared>>
        tpu.enqueue_indirect_dma source(%arg6 : memref<128x128xf32, #tpu.memory_space<vmem>>) target(%dma_start3A_183 : memref<10240x128xf32, #tpu.memory_space<vmem_shared>>) offsets(%dma_start3A_180 : memref<128xi32, #tpu.memory_space<vmem>>) semaphore(%run_scoped3A_177 : memref<!tpu.dma_semaphore, #tpu.memory_space<semaphore_mem>>) {add = true}
        %dma_wait3A_184 = arith.constant 0 : i32
        %dma_wait3A_185 = tpu.memref_slice %arg5[%mul3A_153, %run_scoped3A, %dma_wait3A_184] : memref<60x2x128xi32, #tpu.memory_space<vmem>> -> memref<1x1x128xi32, #tpu.memory_space<vmem>>
        %dma_wait3A_186 = tpu.memref_squeeze %dma_wait3A_185 : memref<1x1x128xi32, #tpu.memory_space<vmem>> -> memref<128xi32, #tpu.memory_space<vmem>>
        %dma_wait3A_187 = arith.constant 0 : i32
        %dma_wait3A_188 = arith.constant 0 : i32
        %dma_wait3A_189 = tpu.memref_slice %arg8[%dma_wait3A_187, %dma_wait3A_188] : memref<10240x128xf32, #tpu.memory_space<vmem_shared>> -> memref<10240x128xf32, #tpu.memory_space<vmem_shared>>
        tpu.wait_indirect_dma semaphore(%run_scoped3A_177 : memref<!tpu.dma_semaphore, #tpu.memory_space<semaphore_mem>>) src(%arg6 : memref<128x128xf32, #tpu.memory_space<vmem>>) dst(%dma_wait3A_189 : memref<10240x128xf32, #tpu.memory_space<vmem_shared>>)
        tpu.yield
      }) : () -> ()
      %add3A_165 = arith.constant 2 : i32
      %add3A_166 = arith.addi %mul3A_153, %add3A_165 : i32
      %lt3A_167 = arith.cmpi slt, %add3A_166, %while3A_92 : i32
      %convert_element_type3A_168 = arith.extui %lt3A_167 : i1 to i32
      %cond3A_169 = arith.constant 0 : i32
      %cond3A_170 = arith.cmpi ne, %convert_element_type3A_168, %cond3A_169 : i32
      scf.if %cond3A_170 {
        %add3A_177 = arith.constant 2 : i32
        %add3A_178 = arith.addi %mul3A_153, %add3A_177 : i32
        %dma_start3A_179 = arith.constant 0 : i32
        %dma_start3A_180 = arith.constant 0 : i32
        %dma_start3A_181 = tpu.memref_slice %arg5[%add3A_178, %dma_start3A_179, %dma_start3A_180] : memref<60x2x128xi32, #tpu.memory_space<vmem>> -> memref<1x1x128xi32, #tpu.memory_space<vmem>>
        %dma_start3A_182 = tpu.memref_squeeze %dma_start3A_181 : memref<1x1x128xi32, #tpu.memory_space<vmem>> -> memref<128xi32, #tpu.memory_space<vmem>>
        %dma_start3A_183 = arith.constant 0 : i32
        %dma_start3A_184 = arith.constant 0 : i32
        %dma_start3A_185 = tpu.memref_slice %arg2[%dma_start3A_183, %dma_start3A_184] : memref<10000x128xf32, #tpu.memory_space<hbm>> -> memref<10000x128xf32, #tpu.memory_space<hbm>>
        tpu.enqueue_indirect_dma source(%dma_start3A_185 : memref<10000x128xf32, #tpu.memory_space<hbm>>) target(%arg6 : memref<128x128xf32, #tpu.memory_space<vmem>>) offsets(%dma_start3A_182 : memref<128xi32, #tpu.memory_space<vmem>>) semaphore(%arg9 : memref<!tpu.dma_semaphore, #tpu.memory_space<semaphore_mem>>)
      } else {
      }
      %add3A_171 = arith.constant 1 : i32
      %add3A_172 = arith.addi %mul3A_153, %add3A_171 : i32
      %lt3A_173 = arith.cmpi slt, %add3A_172, %while3A_92 : i32
      %convert_element_type3A_174 = arith.extui %lt3A_173 : i1 to i32
      %cond3A_175 = arith.constant 0 : i32
      %cond3A_176 = arith.cmpi ne, %convert_element_type3A_174, %cond3A_175 : i32
      scf.if %cond3A_176 {
        %add3A_177 = arith.constant 1 : i32
        %add3A_178 = arith.addi %mul3A_153, %add3A_177 : i32
        %dma_wait3A_179 = arith.constant 0 : i32
        %dma_wait3A_180 = arith.constant 0 : i32
        %dma_wait3A_181 = tpu.memref_slice %arg5[%add3A_178, %dma_wait3A_179, %dma_wait3A_180] : memref<60x2x128xi32, #tpu.memory_space<vmem>> -> memref<1x1x128xi32, #tpu.memory_space<vmem>>
        %dma_wait3A_182 = tpu.memref_squeeze %dma_wait3A_181 : memref<1x1x128xi32, #tpu.memory_space<vmem>> -> memref<128xi32, #tpu.memory_space<vmem>>
        %dma_wait3A_183 = arith.constant 0 : i32
        %dma_wait3A_184 = arith.constant 0 : i32
        %dma_wait3A_185 = tpu.memref_slice %arg2[%dma_wait3A_183, %dma_wait3A_184] : memref<10000x128xf32, #tpu.memory_space<hbm>> -> memref<10000x128xf32, #tpu.memory_space<hbm>>
        tpu.wait_indirect_dma semaphore(%arg10 : memref<!tpu.dma_semaphore, #tpu.memory_space<semaphore_mem>>) src(%dma_wait3A_185 : memref<10000x128xf32, #tpu.memory_space<hbm>>) dst(%arg7 : memref<128x128xf32, #tpu.memory_space<vmem>>)
        %add3A_186 = arith.constant 1 : i32
        %add3A_187 = arith.addi %mul3A_153, %add3A_186 : i32
        %run_scoped3A_188 = arith.constant 1 : i32
        "tpu.region"() ({
          %run_scoped3A_189 = tpu.sem_alloc : memref<!tpu.dma_semaphore, #tpu.memory_space<semaphore_mem>>
          %dma_start3A_190 = arith.constant 0 : i32
          %dma_start3A_191 = tpu.memref_slice %arg5[%add3A_187, %run_scoped3A_188, %dma_start3A_190] : memref<60x2x128xi32, #tpu.memory_space<vmem>> -> memref<1x1x128xi32, #tpu.memory_space<vmem>>
          %dma_start3A_192 = tpu.memref_squeeze %dma_start3A_191 : memref<1x1x128xi32, #tpu.memory_space<vmem>> -> memref<128xi32, #tpu.memory_space<vmem>>
          %dma_start3A_193 = arith.constant 0 : i32
          %dma_start3A_194 = arith.constant 0 : i32
          %dma_start3A_195 = tpu.memref_slice %arg8[%dma_start3A_193, %dma_start3A_194] : memref<10240x128xf32, #tpu.memory_space<vmem_shared>> -> memref<10240x128xf32, #tpu.memory_space<vmem_shared>>
          tpu.enqueue_indirect_dma source(%arg7 : memref<128x128xf32, #tpu.memory_space<vmem>>) target(%dma_start3A_195 : memref<10240x128xf32, #tpu.memory_space<vmem_shared>>) offsets(%dma_start3A_192 : memref<128xi32, #tpu.memory_space<vmem>>) semaphore(%run_scoped3A_189 : memref<!tpu.dma_semaphore, #tpu.memory_space<semaphore_mem>>) {add = true}
          %dma_wait3A_196 = arith.constant 0 : i32
          %dma_wait3A_197 = tpu.memref_slice %arg5[%add3A_187, %run_scoped3A_188, %dma_wait3A_196] : memref<60x2x128xi32, #tpu.memory_space<vmem>> -> memref<1x1x128xi32, #tpu.memory_space<vmem>>
          %dma_wait3A_198 = tpu.memref_squeeze %dma_wait3A_197 : memref<1x1x128xi32, #tpu.memory_space<vmem>> -> memref<128xi32, #tpu.memory_space<vmem>>
          %dma_wait3A_199 = arith.constant 0 : i32
          %dma_wait3A_200 = arith.constant 0 : i32
          %dma_wait3A_201 = tpu.memref_slice %arg8[%dma_wait3A_199, %dma_wait3A_200] : memref<10240x128xf32, #tpu.memory_space<vmem_shared>> -> memref<10240x128xf32, #tpu.memory_space<vmem_shared>>
          tpu.wait_indirect_dma semaphore(%run_scoped3A_189 : memref<!tpu.dma_semaphore, #tpu.memory_space<semaphore_mem>>) src(%arg7 : memref<128x128xf32, #tpu.memory_space<vmem>>) dst(%dma_wait3A_201 : memref<10240x128xf32, #tpu.memory_space<vmem_shared>>)
          tpu.yield
        }) : () -> ()
      } else {
      }
    }
    %add3A_102 = arith.constant 60 : i32
    %add3A_103 = arith.addi %add3A_5, %add3A_102 : i32
    %sub3A_104 = arith.constant 60 : i32
    %sub3A_105 = arith.subi %add3A_8, %sub3A_104 : i32
    "tpu.region"() ({
      %run_scoped3A = tpu.sem_alloc : memref<!tpu.dma_semaphore, #tpu.memory_space<semaphore_mem>>
      %dma_start3A_151 = arith.constant 0 : i32
      %dma_start3A_152 = arith.constant 0 : i32
      %dma_start3A_153 = tpu.memref_slice %arg3[%add3A_103, %dma_start3A_151, %dma_start3A_152] : memref<2548x2x128xi32, #tpu.memory_space<hbm>> -> memref<60x2x128xi32, #tpu.memory_space<hbm>>
      %dma_start3A_154 = arith.constant 0 : i32
      %dma_start3A_155 = arith.constant 0 : i32
      %dma_start3A_156 = tpu.memref_slice %arg3[%add3A_103, %dma_start3A_154, %dma_start3A_155] : memref<2548x2x128xi32, #tpu.memory_space<hbm>> -> memref<60x2x128xi32, #tpu.memory_space<hbm>>
      tpu.enqueue_dma source(%dma_start3A_156 : memref<60x2x128xi32, #tpu.memory_space<hbm>>) target(%arg5 : memref<60x2x128xi32, #tpu.memory_space<vmem>>) target_semaphore(%run_scoped3A : memref<!tpu.dma_semaphore, #tpu.memory_space<semaphore_mem>>)
      %dma_wait3A_157 = arith.constant 0 : i32
      %dma_wait3A_158 = arith.constant 0 : i32
      %dma_wait3A_159 = tpu.memref_slice %arg3[%add3A_103, %dma_wait3A_157, %dma_wait3A_158] : memref<2548x2x128xi32, #tpu.memory_space<hbm>> -> memref<60x2x128xi32, #tpu.memory_space<hbm>>
      %dma_wait3A_160 = arith.constant 0 : i32
      %dma_wait3A_161 = arith.constant 0 : i32
      %dma_wait3A_162 = tpu.memref_slice %arg3[%add3A_103, %dma_wait3A_160, %dma_wait3A_161] : memref<2548x2x128xi32, #tpu.memory_space<hbm>> -> memref<60x2x128xi32, #tpu.memory_space<hbm>>
      tpu.wait_dma2 semaphore(%run_scoped3A : memref<!tpu.dma_semaphore, #tpu.memory_space<semaphore_mem>>) src(%dma_wait3A_162 : memref<60x2x128xi32, #tpu.memory_space<hbm>>) dst(%arg5 : memref<60x2x128xi32, #tpu.memory_space<vmem>>)
      tpu.yield
    }) : () -> ()
    %dma_start3A_106 = arith.constant 0 : i32
    %dma_start3A_107 = arith.constant 0 : i32
    %dma_start3A_108 = arith.constant 0 : i32
    %dma_start3A_109 = tpu.memref_slice %arg5[%dma_start3A_106, %dma_start3A_107, %dma_start3A_108] : memref<60x2x128xi32, #tpu.memory_space<vmem>> -> memref<1x1x128xi32, #tpu.memory_space<vmem>>
    %dma_start3A_110 = tpu.memref_squeeze %dma_start3A_109 : memref<1x1x128xi32, #tpu.memory_space<vmem>> -> memref<128xi32, #tpu.memory_space<vmem>>
    %dma_start3A_111 = arith.constant 0 : i32
    %dma_start3A_112 = arith.constant 0 : i32
    %dma_start3A_113 = tpu.memref_slice %arg2[%dma_start3A_111, %dma_start3A_112] : memref<10000x128xf32, #tpu.memory_space<hbm>> -> memref<10000x128xf32, #tpu.memory_space<hbm>>
    tpu.enqueue_indirect_dma source(%dma_start3A_113 : memref<10000x128xf32, #tpu.memory_space<hbm>>) target(%arg6 : memref<128x128xf32, #tpu.memory_space<vmem>>) offsets(%dma_start3A_110 : memref<128xi32, #tpu.memory_space<vmem>>) semaphore(%arg9 : memref<!tpu.dma_semaphore, #tpu.memory_space<semaphore_mem>>)
    %add3A_114 = arith.constant 1 : i32
    %add3A_115 = arith.addi %sub3A_105, %add3A_114 : i32
    %jit3A_116 = arith.constant 2 : i32
    %div3A_117 = arith.divsi %add3A_115, %jit3A_116 : i32
    %sign3A_118 = arith.constant 0 : i32
    %sign3A_119 = arith.cmpi sgt, %add3A_115, %sign3A_118 : i32
    %sign3A_120 = arith.extui %sign3A_119 : i1 to i32
    %sign3A_121 = arith.constant 0 : i32
    %sign3A_122 = arith.cmpi slt, %add3A_115, %sign3A_121 : i32
    %sign3A_123 = arith.extui %sign3A_122 : i1 to i32
    %sign3A_124 = arith.subi %sign3A_120, %sign3A_123 : i32
    %sign3A_125 = arith.constant 0 : i32
    %sign3A_126 = arith.cmpi sgt, %jit3A_116, %sign3A_125 : i32
    %sign3A_127 = arith.extui %sign3A_126 : i1 to i32
    %sign3A_128 = arith.constant 0 : i32
    %sign3A_129 = arith.cmpi slt, %jit3A_116, %sign3A_128 : i32
    %sign3A_130 = arith.extui %sign3A_129 : i1 to i32
    %sign3A_131 = arith.subi %sign3A_127, %sign3A_130 : i32
    %ne3A_132 = arith.cmpi ne, %sign3A_124, %sign3A_131 : i32
    %rem3A_133 = arith.remsi %add3A_115, %jit3A_116 : i32
    %ne3A_134 = arith.constant 0 : i32
    %ne3A_135 = arith.cmpi ne, %rem3A_133, %ne3A_134 : i32
    %and3A_136 = arith.andi %ne3A_132, %ne3A_135 : i1
    %sub3A_137 = arith.constant 1 : i32
    %sub3A_138 = arith.subi %div3A_117, %sub3A_137 : i32
    %select_n3A_139 = arith.select %and3A_136, %sub3A_138, %div3A_117 : i32
    %while3A_140 = arith.constant 0 : i32
    %while3A_141 = arith.constant 0 : i32
    %while3A_142 = arith.subi %select_n3A_139, %while3A_141 : i32
    %while3A_143 = arith.addi %while3A_141, %while3A_142 : i32
    %while3A_144 = arith.constant 1 : i32
    %while3A_145 = arith.divsi %while3A_142, %while3A_144 : i32
    %while3A_146 = arith.muli %while3A_145, %while3A_144 : i32
    %while3A_147 = arith.addi %while3A_141, %while3A_146 : i32
    %while3A_148 = arith.constant 1 : i32
    scf.for %while3A_151 = %while3A_141 to %while3A_147 step %while3A_148  : i32 {
      %mul3A_152 = arith.constant 2 : i32
      %mul3A_153 = arith.muli %mul3A_152, %while3A_151 : i32
      %add3A_154 = arith.constant 1 : i32
      %add3A_155 = arith.addi %mul3A_153, %add3A_154 : i32
      %lt3A = arith.cmpi slt, %add3A_155, %sub3A_105 : i32
      %convert_element_type3A_156 = arith.extui %lt3A : i1 to i32
      %cond3A = arith.constant 0 : i32
      %cond3A_157 = arith.cmpi ne, %convert_element_type3A_156, %cond3A : i32
      scf.if %cond3A_157 {
        %add3A_177 = arith.constant 1 : i32
        %add3A_178 = arith.addi %mul3A_153, %add3A_177 : i32
        %dma_start3A_179 = arith.constant 0 : i32
        %dma_start3A_180 = arith.constant 0 : i32
        %dma_start3A_181 = tpu.memref_slice %arg5[%add3A_178, %dma_start3A_179, %dma_start3A_180] : memref<60x2x128xi32, #tpu.memory_space<vmem>> -> memref<1x1x128xi32, #tpu.memory_space<vmem>>
        %dma_start3A_182 = tpu.memref_squeeze %dma_start3A_181 : memref<1x1x128xi32, #tpu.memory_space<vmem>> -> memref<128xi32, #tpu.memory_space<vmem>>
        %dma_start3A_183 = arith.constant 0 : i32
        %dma_start3A_184 = arith.constant 0 : i32
        %dma_start3A_185 = tpu.memref_slice %arg2[%dma_start3A_183, %dma_start3A_184] : memref<10000x128xf32, #tpu.memory_space<hbm>> -> memref<10000x128xf32, #tpu.memory_space<hbm>>
        tpu.enqueue_indirect_dma source(%dma_start3A_185 : memref<10000x128xf32, #tpu.memory_space<hbm>>) target(%arg7 : memref<128x128xf32, #tpu.memory_space<vmem>>) offsets(%dma_start3A_182 : memref<128xi32, #tpu.memory_space<vmem>>) semaphore(%arg10 : memref<!tpu.dma_semaphore, #tpu.memory_space<semaphore_mem>>)
      } else {
      }
      %dma_wait3A_158 = arith.constant 0 : i32
      %dma_wait3A_159 = arith.constant 0 : i32
      %dma_wait3A_160 = tpu.memref_slice %arg5[%mul3A_153, %dma_wait3A_158, %dma_wait3A_159] : memref<60x2x128xi32, #tpu.memory_space<vmem>> -> memref<1x1x128xi32, #tpu.memory_space<vmem>>
      %dma_wait3A_161 = tpu.memref_squeeze %dma_wait3A_160 : memref<1x1x128xi32, #tpu.memory_space<vmem>> -> memref<128xi32, #tpu.memory_space<vmem>>
      %dma_wait3A_162 = arith.constant 0 : i32
      %dma_wait3A_163 = arith.constant 0 : i32
      %dma_wait3A_164 = tpu.memref_slice %arg2[%dma_wait3A_162, %dma_wait3A_163] : memref<10000x128xf32, #tpu.memory_space<hbm>> -> memref<10000x128xf32, #tpu.memory_space<hbm>>
      tpu.wait_indirect_dma semaphore(%arg9 : memref<!tpu.dma_semaphore, #tpu.memory_space<semaphore_mem>>) src(%dma_wait3A_164 : memref<10000x128xf32, #tpu.memory_space<hbm>>) dst(%arg6 : memref<128x128xf32, #tpu.memory_space<vmem>>)
      %run_scoped3A = arith.constant 1 : i32
      "tpu.region"() ({
        %run_scoped3A_177 = tpu.sem_alloc : memref<!tpu.dma_semaphore, #tpu.memory_space<semaphore_mem>>
        %dma_start3A_178 = arith.constant 0 : i32
        %dma_start3A_179 = tpu.memref_slice %arg5[%mul3A_153, %run_scoped3A, %dma_start3A_178] : memref<60x2x128xi32, #tpu.memory_space<vmem>> -> memref<1x1x128xi32, #tpu.memory_space<vmem>>
        %dma_start3A_180 = tpu.memref_squeeze %dma_start3A_179 : memref<1x1x128xi32, #tpu.memory_space<vmem>> -> memref<128xi32, #tpu.memory_space<vmem>>
        %dma_start3A_181 = arith.constant 0 : i32
        %dma_start3A_182 = arith.constant 0 : i32
        %dma_start3A_183 = tpu.memref_slice %arg8[%dma_start3A_181, %dma_start3A_182] : memref<10240x128xf32, #tpu.memory_space<vmem_shared>> -> memref<10240x128xf32, #tpu.memory_space<vmem_shared>>
        tpu.enqueue_indirect_dma source(%arg6 : memref<128x128xf32, #tpu.memory_space<vmem>>) target(%dma_start3A_183 : memref<10240x128xf32, #tpu.memory_space<vmem_shared>>) offsets(%dma_start3A_180 : memref<128xi32, #tpu.memory_space<vmem>>) semaphore(%run_scoped3A_177 : memref<!tpu.dma_semaphore, #tpu.memory_space<semaphore_mem>>) {add = true}
        %dma_wait3A_184 = arith.constant 0 : i32
        %dma_wait3A_185 = tpu.memref_slice %arg5[%mul3A_153, %run_scoped3A, %dma_wait3A_184] : memref<60x2x128xi32, #tpu.memory_space<vmem>> -> memref<1x1x128xi32, #tpu.memory_space<vmem>>
        %dma_wait3A_186 = tpu.memref_squeeze %dma_wait3A_185 : memref<1x1x128xi32, #tpu.memory_space<vmem>> -> memref<128xi32, #tpu.memory_space<vmem>>
        %dma_wait3A_187 = arith.constant 0 : i32
        %dma_wait3A_188 = arith.constant 0 : i32
        %dma_wait3A_189 = tpu.memref_slice %arg8[%dma_wait3A_187, %dma_wait3A_188] : memref<10240x128xf32, #tpu.memory_space<vmem_shared>> -> memref<10240x128xf32, #tpu.memory_space<vmem_shared>>
        tpu.wait_indirect_dma semaphore(%run_scoped3A_177 : memref<!tpu.dma_semaphore, #tpu.memory_space<semaphore_mem>>) src(%arg6 : memref<128x128xf32, #tpu.memory_space<vmem>>) dst(%dma_wait3A_189 : memref<10240x128xf32, #tpu.memory_space<vmem_shared>>)
        tpu.yield
      }) : () -> ()
      %add3A_165 = arith.constant 2 : i32
      %add3A_166 = arith.addi %mul3A_153, %add3A_165 : i32
      %lt3A_167 = arith.cmpi slt, %add3A_166, %sub3A_105 : i32
      %convert_element_type3A_168 = arith.extui %lt3A_167 : i1 to i32
      %cond3A_169 = arith.constant 0 : i32
      %cond3A_170 = arith.cmpi ne, %convert_element_type3A_168, %cond3A_169 : i32
      scf.if %cond3A_170 {
        %add3A_177 = arith.constant 2 : i32
        %add3A_178 = arith.addi %mul3A_153, %add3A_177 : i32
        %dma_start3A_179 = arith.constant 0 : i32
        %dma_start3A_180 = arith.constant 0 : i32
        %dma_start3A_181 = tpu.memref_slice %arg5[%add3A_178, %dma_start3A_179, %dma_start3A_180] : memref<60x2x128xi32, #tpu.memory_space<vmem>> -> memref<1x1x128xi32, #tpu.memory_space<vmem>>
        %dma_start3A_182 = tpu.memref_squeeze %dma_start3A_181 : memref<1x1x128xi32, #tpu.memory_space<vmem>> -> memref<128xi32, #tpu.memory_space<vmem>>
        %dma_start3A_183 = arith.constant 0 : i32
        %dma_start3A_184 = arith.constant 0 : i32
        %dma_start3A_185 = tpu.memref_slice %arg2[%dma_start3A_183, %dma_start3A_184] : memref<10000x128xf32, #tpu.memory_space<hbm>> -> memref<10000x128xf32, #tpu.memory_space<hbm>>
        tpu.enqueue_indirect_dma source(%dma_start3A_185 : memref<10000x128xf32, #tpu.memory_space<hbm>>) target(%arg6 : memref<128x128xf32, #tpu.memory_space<vmem>>) offsets(%dma_start3A_182 : memref<128xi32, #tpu.memory_space<vmem>>) semaphore(%arg9 : memref<!tpu.dma_semaphore, #tpu.memory_space<semaphore_mem>>)
      } else {
      }
      %add3A_171 = arith.constant 1 : i32
      %add3A_172 = arith.addi %mul3A_153, %add3A_171 : i32
      %lt3A_173 = arith.cmpi slt, %add3A_172, %sub3A_105 : i32
      %convert_element_type3A_174 = arith.extui %lt3A_173 : i1 to i32
      %cond3A_175 = arith.constant 0 : i32
      %cond3A_176 = arith.cmpi ne, %convert_element_type3A_174, %cond3A_175 : i32
      scf.if %cond3A_176 {
        %add3A_177 = arith.constant 1 : i32
        %add3A_178 = arith.addi %mul3A_153, %add3A_177 : i32
        %dma_wait3A_179 = arith.constant 0 : i32
        %dma_wait3A_180 = arith.constant 0 : i32
        %dma_wait3A_181 = tpu.memref_slice %arg5[%add3A_178, %dma_wait3A_179, %dma_wait3A_180] : memref<60x2x128xi32, #tpu.memory_space<vmem>> -> memref<1x1x128xi32, #tpu.memory_space<vmem>>
        %dma_wait3A_182 = tpu.memref_squeeze %dma_wait3A_181 : memref<1x1x128xi32, #tpu.memory_space<vmem>> -> memref<128xi32, #tpu.memory_space<vmem>>
        %dma_wait3A_183 = arith.constant 0 : i32
        %dma_wait3A_184 = arith.constant 0 : i32
        %dma_wait3A_185 = tpu.memref_slice %arg2[%dma_wait3A_183, %dma_wait3A_184] : memref<10000x128xf32, #tpu.memory_space<hbm>> -> memref<10000x128xf32, #tpu.memory_space<hbm>>
        tpu.wait_indirect_dma semaphore(%arg10 : memref<!tpu.dma_semaphore, #tpu.memory_space<semaphore_mem>>) src(%dma_wait3A_185 : memref<10000x128xf32, #tpu.memory_space<hbm>>) dst(%arg7 : memref<128x128xf32, #tpu.memory_space<vmem>>)
        %add3A_186 = arith.constant 1 : i32
        %add3A_187 = arith.addi %mul3A_153, %add3A_186 : i32
        %run_scoped3A_188 = arith.constant 1 : i32
        "tpu.region"() ({
          %run_scoped3A_189 = tpu.sem_alloc : memref<!tpu.dma_semaphore, #tpu.memory_space<semaphore_mem>>
          %dma_start3A_190 = arith.constant 0 : i32
          %dma_start3A_191 = tpu.memref_slice %arg5[%add3A_187, %run_scoped3A_188, %dma_start3A_190] : memref<60x2x128xi32, #tpu.memory_space<vmem>> -> memref<1x1x128xi32, #tpu.memory_space<vmem>>
          %dma_start3A_192 = tpu.memref_squeeze %dma_start3A_191 : memref<1x1x128xi32, #tpu.memory_space<vmem>> -> memref<128xi32, #tpu.memory_space<vmem>>
          %dma_start3A_193 = arith.constant 0 : i32
          %dma_start3A_194 = arith.constant 0 : i32
          %dma_start3A_195 = tpu.memref_slice %arg8[%dma_start3A_193, %dma_start3A_194] : memref<10240x128xf32, #tpu.memory_space<vmem_shared>> -> memref<10240x128xf32, #tpu.memory_space<vmem_shared>>
          tpu.enqueue_indirect_dma source(%arg7 : memref<128x128xf32, #tpu.memory_space<vmem>>) target(%dma_start3A_195 : memref<10240x128xf32, #tpu.memory_space<vmem_shared>>) offsets(%dma_start3A_192 : memref<128xi32, #tpu.memory_space<vmem>>) semaphore(%run_scoped3A_189 : memref<!tpu.dma_semaphore, #tpu.memory_space<semaphore_mem>>) {add = true}
          %dma_wait3A_196 = arith.constant 0 : i32
          %dma_wait3A_197 = tpu.memref_slice %arg5[%add3A_187, %run_scoped3A_188, %dma_wait3A_196] : memref<60x2x128xi32, #tpu.memory_space<vmem>> -> memref<1x1x128xi32, #tpu.memory_space<vmem>>
          %dma_wait3A_198 = tpu.memref_squeeze %dma_wait3A_197 : memref<1x1x128xi32, #tpu.memory_space<vmem>> -> memref<128xi32, #tpu.memory_space<vmem>>
          %dma_wait3A_199 = arith.constant 0 : i32
          %dma_wait3A_200 = arith.constant 0 : i32
          %dma_wait3A_201 = tpu.memref_slice %arg8[%dma_wait3A_199, %dma_wait3A_200] : memref<10240x128xf32, #tpu.memory_space<vmem_shared>> -> memref<10240x128xf32, #tpu.memory_space<vmem_shared>>
          tpu.wait_indirect_dma semaphore(%run_scoped3A_189 : memref<!tpu.dma_semaphore, #tpu.memory_space<semaphore_mem>>) src(%arg7 : memref<128x128xf32, #tpu.memory_space<vmem>>) dst(%dma_wait3A_201 : memref<10240x128xf32, #tpu.memory_space<vmem_shared>>)
          tpu.yield
        }) : () -> ()
      } else {
      }
    }
    %while3A_149 = arith.constant 1 : i32
    scf.for %while3A_151 = %while3A_147 to %while3A_143 step %while3A_149  : i32 {
      %mul3A_152 = arith.constant 2 : i32
      %mul3A_153 = arith.muli %mul3A_152, %while3A_151 : i32
      %add3A_154 = arith.constant 1 : i32
      %add3A_155 = arith.addi %mul3A_153, %add3A_154 : i32
      %lt3A = arith.cmpi slt, %add3A_155, %sub3A_105 : i32
      %convert_element_type3A_156 = arith.extui %lt3A : i1 to i32
      %cond3A = arith.constant 0 : i32
      %cond3A_157 = arith.cmpi ne, %convert_element_type3A_156, %cond3A : i32
      scf.if %cond3A_157 {
        %add3A_177 = arith.constant 1 : i32
        %add3A_178 = arith.addi %mul3A_153, %add3A_177 : i32
        %dma_start3A_179 = arith.constant 0 : i32
        %dma_start3A_180 = arith.constant 0 : i32
        %dma_start3A_181 = tpu.memref_slice %arg5[%add3A_178, %dma_start3A_179, %dma_start3A_180] : memref<60x2x128xi32, #tpu.memory_space<vmem>> -> memref<1x1x128xi32, #tpu.memory_space<vmem>>
        %dma_start3A_182 = tpu.memref_squeeze %dma_start3A_181 : memref<1x1x128xi32, #tpu.memory_space<vmem>> -> memref<128xi32, #tpu.memory_space<vmem>>
        %dma_start3A_183 = arith.constant 0 : i32
        %dma_start3A_184 = arith.constant 0 : i32
        %dma_start3A_185 = tpu.memref_slice %arg2[%dma_start3A_183, %dma_start3A_184] : memref<10000x128xf32, #tpu.memory_space<hbm>> -> memref<10000x128xf32, #tpu.memory_space<hbm>>
        tpu.enqueue_indirect_dma source(%dma_start3A_185 : memref<10000x128xf32, #tpu.memory_space<hbm>>) target(%arg7 : memref<128x128xf32, #tpu.memory_space<vmem>>) offsets(%dma_start3A_182 : memref<128xi32, #tpu.memory_space<vmem>>) semaphore(%arg10 : memref<!tpu.dma_semaphore, #tpu.memory_space<semaphore_mem>>)
      } else {
      }
      %dma_wait3A_158 = arith.constant 0 : i32
      %dma_wait3A_159 = arith.constant 0 : i32
      %dma_wait3A_160 = tpu.memref_slice %arg5[%mul3A_153, %dma_wait3A_158, %dma_wait3A_159] : memref<60x2x128xi32, #tpu.memory_space<vmem>> -> memref<1x1x128xi32, #tpu.memory_space<vmem>>
      %dma_wait3A_161 = tpu.memref_squeeze %dma_wait3A_160 : memref<1x1x128xi32, #tpu.memory_space<vmem>> -> memref<128xi32, #tpu.memory_space<vmem>>
      %dma_wait3A_162 = arith.constant 0 : i32
      %dma_wait3A_163 = arith.constant 0 : i32
      %dma_wait3A_164 = tpu.memref_slice %arg2[%dma_wait3A_162, %dma_wait3A_163] : memref<10000x128xf32, #tpu.memory_space<hbm>> -> memref<10000x128xf32, #tpu.memory_space<hbm>>
      tpu.wait_indirect_dma semaphore(%arg9 : memref<!tpu.dma_semaphore, #tpu.memory_space<semaphore_mem>>) src(%dma_wait3A_164 : memref<10000x128xf32, #tpu.memory_space<hbm>>) dst(%arg6 : memref<128x128xf32, #tpu.memory_space<vmem>>)
      %run_scoped3A = arith.constant 1 : i32
      "tpu.region"() ({
        %run_scoped3A_177 = tpu.sem_alloc : memref<!tpu.dma_semaphore, #tpu.memory_space<semaphore_mem>>
        %dma_start3A_178 = arith.constant 0 : i32
        %dma_start3A_179 = tpu.memref_slice %arg5[%mul3A_153, %run_scoped3A, %dma_start3A_178] : memref<60x2x128xi32, #tpu.memory_space<vmem>> -> memref<1x1x128xi32, #tpu.memory_space<vmem>>
        %dma_start3A_180 = tpu.memref_squeeze %dma_start3A_179 : memref<1x1x128xi32, #tpu.memory_space<vmem>> -> memref<128xi32, #tpu.memory_space<vmem>>
        %dma_start3A_181 = arith.constant 0 : i32
        %dma_start3A_182 = arith.constant 0 : i32
        %dma_start3A_183 = tpu.memref_slice %arg8[%dma_start3A_181, %dma_start3A_182] : memref<10240x128xf32, #tpu.memory_space<vmem_shared>> -> memref<10240x128xf32, #tpu.memory_space<vmem_shared>>
        tpu.enqueue_indirect_dma source(%arg6 : memref<128x128xf32, #tpu.memory_space<vmem>>) target(%dma_start3A_183 : memref<10240x128xf32, #tpu.memory_space<vmem_shared>>) offsets(%dma_start3A_180 : memref<128xi32, #tpu.memory_space<vmem>>) semaphore(%run_scoped3A_177 : memref<!tpu.dma_semaphore, #tpu.memory_space<semaphore_mem>>) {add = true}
        %dma_wait3A_184 = arith.constant 0 : i32
        %dma_wait3A_185 = tpu.memref_slice %arg5[%mul3A_153, %run_scoped3A, %dma_wait3A_184] : memref<60x2x128xi32, #tpu.memory_space<vmem>> -> memref<1x1x128xi32, #tpu.memory_space<vmem>>
        %dma_wait3A_186 = tpu.memref_squeeze %dma_wait3A_185 : memref<1x1x128xi32, #tpu.memory_space<vmem>> -> memref<128xi32, #tpu.memory_space<vmem>>
        %dma_wait3A_187 = arith.constant 0 : i32
        %dma_wait3A_188 = arith.constant 0 : i32
        %dma_wait3A_189 = tpu.memref_slice %arg8[%dma_wait3A_187, %dma_wait3A_188] : memref<10240x128xf32, #tpu.memory_space<vmem_shared>> -> memref<10240x128xf32, #tpu.memory_space<vmem_shared>>
        tpu.wait_indirect_dma semaphore(%run_scoped3A_177 : memref<!tpu.dma_semaphore, #tpu.memory_space<semaphore_mem>>) src(%arg6 : memref<128x128xf32, #tpu.memory_space<vmem>>) dst(%dma_wait3A_189 : memref<10240x128xf32, #tpu.memory_space<vmem_shared>>)
        tpu.yield
      }) : () -> ()
      %add3A_165 = arith.constant 2 : i32
      %add3A_166 = arith.addi %mul3A_153, %add3A_165 : i32
      %lt3A_167 = arith.cmpi slt, %add3A_166, %sub3A_105 : i32
      %convert_element_type3A_168 = arith.extui %lt3A_167 : i1 to i32
      %cond3A_169 = arith.constant 0 : i32
      %cond3A_170 = arith.cmpi ne, %convert_element_type3A_168, %cond3A_169 : i32
      scf.if %cond3A_170 {
        %add3A_177 = arith.constant 2 : i32
        %add3A_178 = arith.addi %mul3A_153, %add3A_177 : i32
        %dma_start3A_179 = arith.constant 0 : i32
        %dma_start3A_180 = arith.constant 0 : i32
        %dma_start3A_181 = tpu.memref_slice %arg5[%add3A_178, %dma_start3A_179, %dma_start3A_180] : memref<60x2x128xi32, #tpu.memory_space<vmem>> -> memref<1x1x128xi32, #tpu.memory_space<vmem>>
        %dma_start3A_182 = tpu.memref_squeeze %dma_start3A_181 : memref<1x1x128xi32, #tpu.memory_space<vmem>> -> memref<128xi32, #tpu.memory_space<vmem>>
        %dma_start3A_183 = arith.constant 0 : i32
        %dma_start3A_184 = arith.constant 0 : i32
        %dma_start3A_185 = tpu.memref_slice %arg2[%dma_start3A_183, %dma_start3A_184] : memref<10000x128xf32, #tpu.memory_space<hbm>> -> memref<10000x128xf32, #tpu.memory_space<hbm>>
        tpu.enqueue_indirect_dma source(%dma_start3A_185 : memref<10000x128xf32, #tpu.memory_space<hbm>>) target(%arg6 : memref<128x128xf32, #tpu.memory_space<vmem>>) offsets(%dma_start3A_182 : memref<128xi32, #tpu.memory_space<vmem>>) semaphore(%arg9 : memref<!tpu.dma_semaphore, #tpu.memory_space<semaphore_mem>>)
      } else {
      }
      %add3A_171 = arith.constant 1 : i32
      %add3A_172 = arith.addi %mul3A_153, %add3A_171 : i32
      %lt3A_173 = arith.cmpi slt, %add3A_172, %sub3A_105 : i32
      %convert_element_type3A_174 = arith.extui %lt3A_173 : i1 to i32
      %cond3A_175 = arith.constant 0 : i32
      %cond3A_176 = arith.cmpi ne, %convert_element_type3A_174, %cond3A_175 : i32
      scf.if %cond3A_176 {
        %add3A_177 = arith.constant 1 : i32
        %add3A_178 = arith.addi %mul3A_153, %add3A_177 : i32
        %dma_wait3A_179 = arith.constant 0 : i32
        %dma_wait3A_180 = arith.constant 0 : i32
        %dma_wait3A_181 = tpu.memref_slice %arg5[%add3A_178, %dma_wait3A_179, %dma_wait3A_180] : memref<60x2x128xi32, #tpu.memory_space<vmem>> -> memref<1x1x128xi32, #tpu.memory_space<vmem>>
        %dma_wait3A_182 = tpu.memref_squeeze %dma_wait3A_181 : memref<1x1x128xi32, #tpu.memory_space<vmem>> -> memref<128xi32, #tpu.memory_space<vmem>>
        %dma_wait3A_183 = arith.constant 0 : i32
        %dma_wait3A_184 = arith.constant 0 : i32
        %dma_wait3A_185 = tpu.memref_slice %arg2[%dma_wait3A_183, %dma_wait3A_184] : memref<10000x128xf32, #tpu.memory_space<hbm>> -> memref<10000x128xf32, #tpu.memory_space<hbm>>
        tpu.wait_indirect_dma semaphore(%arg10 : memref<!tpu.dma_semaphore, #tpu.memory_space<semaphore_mem>>) src(%dma_wait3A_185 : memref<10000x128xf32, #tpu.memory_space<hbm>>) dst(%arg7 : memref<128x128xf32, #tpu.memory_space<vmem>>)
        %add3A_186 = arith.constant 1 : i32
        %add3A_187 = arith.addi %mul3A_153, %add3A_186 : i32
        %run_scoped3A_188 = arith.constant 1 : i32
        "tpu.region"() ({
          %run_scoped3A_189 = tpu.sem_alloc : memref<!tpu.dma_semaphore, #tpu.memory_space<semaphore_mem>>
          %dma_start3A_190 = arith.constant 0 : i32
          %dma_start3A_191 = tpu.memref_slice %arg5[%add3A_187, %run_scoped3A_188, %dma_start3A_190] : memref<60x2x128xi32, #tpu.memory_space<vmem>> -> memref<1x1x128xi32, #tpu.memory_space<vmem>>
          %dma_start3A_192 = tpu.memref_squeeze %dma_start3A_191 : memref<1x1x128xi32, #tpu.memory_space<vmem>> -> memref<128xi32, #tpu.memory_space<vmem>>
          %dma_start3A_193 = arith.constant 0 : i32
          %dma_start3A_194 = arith.constant 0 : i32
          %dma_start3A_195 = tpu.memref_slice %arg8[%dma_start3A_193, %dma_start3A_194] : memref<10240x128xf32, #tpu.memory_space<vmem_shared>> -> memref<10240x128xf32, #tpu.memory_space<vmem_shared>>
          tpu.enqueue_indirect_dma source(%arg7 : memref<128x128xf32, #tpu.memory_space<vmem>>) target(%dma_start3A_195 : memref<10240x128xf32, #tpu.memory_space<vmem_shared>>) offsets(%dma_start3A_192 : memref<128xi32, #tpu.memory_space<vmem>>) semaphore(%run_scoped3A_189 : memref<!tpu.dma_semaphore, #tpu.memory_space<semaphore_mem>>) {add = true}
          %dma_wait3A_196 = arith.constant 0 : i32
          %dma_wait3A_197 = tpu.memref_slice %arg5[%add3A_187, %run_scoped3A_188, %dma_wait3A_196] : memref<60x2x128xi32, #tpu.memory_space<vmem>> -> memref<1x1x128xi32, #tpu.memory_space<vmem>>
          %dma_wait3A_198 = tpu.memref_squeeze %dma_wait3A_197 : memref<1x1x128xi32, #tpu.memory_space<vmem>> -> memref<128xi32, #tpu.memory_space<vmem>>
          %dma_wait3A_199 = arith.constant 0 : i32
          %dma_wait3A_200 = arith.constant 0 : i32
          %dma_wait3A_201 = tpu.memref_slice %arg8[%dma_wait3A_199, %dma_wait3A_200] : memref<10240x128xf32, #tpu.memory_space<vmem_shared>> -> memref<10240x128xf32, #tpu.memory_space<vmem_shared>>
          tpu.wait_indirect_dma semaphore(%run_scoped3A_189 : memref<!tpu.dma_semaphore, #tpu.memory_space<semaphore_mem>>) src(%arg7 : memref<128x128xf32, #tpu.memory_space<vmem>>) dst(%dma_wait3A_201 : memref<10240x128xf32, #tpu.memory_space<vmem_shared>>)
          tpu.yield
        }) : () -> ()
      } else {
      }
    }
    %barrier3A_150 = arith.constant 0 : index
    tpu.barrier barrier_id(%barrier3A_150)
    "tpu.region"() ({
      %run_scoped3A = tpu.sem_alloc : memref<!tpu.dma_semaphore, #tpu.memory_space<semaphore_mem>>
      %dma_start3A_151 = arith.constant 0 : i32
      %dma_start3A_152 = tpu.memref_slice %arg4[%arg0, %mul3A_15, %dma_start3A_151] : memref<2x10240x128xf32, #tpu.memory_space<hbm>> -> memref<1x640x128xf32, #tpu.memory_space<hbm>>
      %dma_start3A_153 = tpu.memref_squeeze %dma_start3A_152 : memref<1x640x128xf32, #tpu.memory_space<hbm>> -> memref<640x128xf32, #tpu.memory_space<hbm>>
      %dma_start3A_154 = arith.constant 0 : i32
      %dma_start3A_155 = tpu.memref_slice %arg8[%mul3A_15, %dma_start3A_154] : memref<10240x128xf32, #tpu.memory_space<vmem_shared>> -> memref<640x128xf32, #tpu.memory_space<vmem_shared>>
      tpu.enqueue_dma source(%dma_start3A_155 : memref<640x128xf32, #tpu.memory_space<vmem_shared>>) target(%dma_start3A_153 : memref<640x128xf32, #tpu.memory_space<hbm>>) target_semaphore(%run_scoped3A : memref<!tpu.dma_semaphore, #tpu.memory_space<semaphore_mem>>)
      %dma_wait3A_156 = arith.constant 0 : i32
      %dma_wait3A_157 = tpu.memref_slice %arg4[%arg0, %mul3A_15, %dma_wait3A_156] : memref<2x10240x128xf32, #tpu.memory_space<hbm>> -> memref<1x640x128xf32, #tpu.memory_space<hbm>>
      %dma_wait3A_158 = tpu.memref_squeeze %dma_wait3A_157 : memref<1x640x128xf32, #tpu.memory_space<hbm>> -> memref<640x128xf32, #tpu.memory_space<hbm>>
      %dma_wait3A_159 = arith.constant 0 : i32
      %dma_wait3A_160 = tpu.memref_slice %arg8[%mul3A_15, %dma_wait3A_159] : memref<10240x128xf32, #tpu.memory_space<vmem_shared>> -> memref<640x128xf32, #tpu.memory_space<vmem_shared>>
      tpu.wait_dma2 semaphore(%run_scoped3A : memref<!tpu.dma_semaphore, #tpu.memory_space<semaphore_mem>>) src(%dma_wait3A_160 : memref<640x128xf32, #tpu.memory_space<vmem_shared>>) dst(%dma_wait3A_158 : memref<640x128xf32, #tpu.memory_space<hbm>>)
      tpu.yield
    }) : () -> ()
    return
  }
}

#map = affine_map<(d0, d1) -> (0, 0, 0)>
module attributes {stable_mosaic.version = 14 : i64} {
  func.func @_sc_degrees(%arg0: i32, %arg1: i32, %arg2: memref<2548x2x128xi32, #tpu.memory_space<hbm>>, %arg3: memref<2x2x10240xf32, #tpu.memory_space<hbm>>, %arg4: memref<79x2x128xi32, #tpu.memory_space<vmem>>, %arg5: memref<128xf32, #tpu.memory_space<vmem>>, %arg6: memref<640xf32, #tpu.memory_space<vmem>>, %arg7: memref<10240xf32, #tpu.memory_space<vmem_shared>>, %arg8: memref<10240xf32, #tpu.memory_space<vmem_shared>>, %arg9: memref<!tpu.dma_semaphore, #tpu.memory_space<semaphore_mem>>) attributes {dimension_semantics = [#tpu.dimension_semantics<core_parallel>, #tpu.dimension_semantics<subcore_parallel>], iteration_bounds = array<i64: 2, 16>, scalar_prefetch = 0 : i64, scratch_operands = 6 : i64, tpu.core_type = #tpu.core_type<sc_vector_subcore>, window_params = [{transform_indices = #map}, {transform_indices = #map}]} {
    %mul3A = arith.constant 2 : i32
    %mul3A_0 = arith.muli %arg1, %mul3A : i32
    %add3A = arith.addi %mul3A_0, %arg0 : i32
    %mul3A_1 = arith.constant 78 : i32
    %mul3A_2 = arith.muli %mul3A_1, %add3A : i32
    %sub3A = arith.constant 28 : i32
    %sub3A_3 = arith.subi %add3A, %sub3A : i32
    %max3A = arith.constant 0 : i32
    %max3A_4 = arith.maxsi %sub3A_3, %max3A : i32
    %add3A_5 = arith.addi %mul3A_2, %max3A_4 : i32
    %ge3A = arith.constant 28 : i32
    %ge3A_6 = arith.cmpi sge, %add3A, %ge3A : i32
    %convert_element_type3A = arith.extui %ge3A_6 : i1 to i32
    %add3A_7 = arith.constant 78 : i32
    %add3A_8 = arith.addi %add3A_7, %convert_element_type3A : i32
    "tpu.region"() ({
      %run_scoped3A_318 = tpu.sem_alloc : memref<!tpu.dma_semaphore, #tpu.memory_space<semaphore_mem>>
      %dma_start3A = arith.constant 0 : i32
      %dma_start3A_319 = arith.constant 0 : i32
      %dma_start3A_320 = tpu.memref_slice %arg2[%add3A_5, %dma_start3A, %dma_start3A_319] : memref<2548x2x128xi32, #tpu.memory_space<hbm>> -> memref<79x2x128xi32, #tpu.memory_space<hbm>>
      %dma_start3A_321 = arith.constant 0 : i32
      %dma_start3A_322 = arith.constant 0 : i32
      %dma_start3A_323 = tpu.memref_slice %arg2[%add3A_5, %dma_start3A_321, %dma_start3A_322] : memref<2548x2x128xi32, #tpu.memory_space<hbm>> -> memref<79x2x128xi32, #tpu.memory_space<hbm>>
      tpu.enqueue_dma source(%dma_start3A_323 : memref<79x2x128xi32, #tpu.memory_space<hbm>>) target(%arg4 : memref<79x2x128xi32, #tpu.memory_space<vmem>>) target_semaphore(%run_scoped3A_318 : memref<!tpu.dma_semaphore, #tpu.memory_space<semaphore_mem>>)
      %dma_wait3A = arith.constant 0 : i32
      %dma_wait3A_324 = arith.constant 0 : i32
      %dma_wait3A_325 = tpu.memref_slice %arg2[%add3A_5, %dma_wait3A, %dma_wait3A_324] : memref<2548x2x128xi32, #tpu.memory_space<hbm>> -> memref<79x2x128xi32, #tpu.memory_space<hbm>>
      %dma_wait3A_326 = arith.constant 0 : i32
      %dma_wait3A_327 = arith.constant 0 : i32
      %dma_wait3A_328 = tpu.memref_slice %arg2[%add3A_5, %dma_wait3A_326, %dma_wait3A_327] : memref<2548x2x128xi32, #tpu.memory_space<hbm>> -> memref<79x2x128xi32, #tpu.memory_space<hbm>>
      tpu.wait_dma2 semaphore(%run_scoped3A_318 : memref<!tpu.dma_semaphore, #tpu.memory_space<semaphore_mem>>) src(%dma_wait3A_328 : memref<79x2x128xi32, #tpu.memory_space<hbm>>) dst(%arg4 : memref<79x2x128xi32, #tpu.memory_space<vmem>>)
      tpu.yield
    }) : () -> ()
    %broadcast_in_dim3A = arith.constant 1.000000e+00 : f32
    %broadcast_in_dim3A_9 = vector.broadcast %broadcast_in_dim3A : f32 to vector<16xf32>
    %swap3A = arith.constant 0 : index
    %swap3A_10 = tpu.vector_load %arg5[%swap3A] {strides = array<i32>} : memref<128xf32, #tpu.memory_space<vmem>>, vector<16xf32>,
    %swap3A_11 = vector.shape_cast %swap3A_10 : vector<16xf32> to vector<16xf32>
    %swap3A_12 = vector.shape_cast %broadcast_in_dim3A_9 : vector<16xf32> to vector<16xf32>
    tpu.vector_store %arg5[%swap3A], %swap3A_12 {strides = array<i32>} : memref<128xf32, #tpu.memory_space<vmem>>, vector<16xf32>,
    %broadcast_in_dim3A_13 = arith.constant 1.000000e+00 : f32
    %broadcast_in_dim3A_14 = vector.broadcast %broadcast_in_dim3A_13 : f32 to vector<16xf32>
    %swap3A_15 = arith.constant 16 : index
    %swap3A_16 = tpu.vector_load %arg5[%swap3A_15] {strides = array<i32>} : memref<128xf32, #tpu.memory_space<vmem>>, vector<16xf32>,
    %swap3A_17 = vector.shape_cast %swap3A_16 : vector<16xf32> to vector<16xf32>
    %swap3A_18 = vector.shape_cast %broadcast_in_dim3A_14 : vector<16xf32> to vector<16xf32>
    tpu.vector_store %arg5[%swap3A_15], %swap3A_18 {strides = array<i32>} : memref<128xf32, #tpu.memory_space<vmem>>, vector<16xf32>,
    %broadcast_in_dim3A_19 = arith.constant 1.000000e+00 : f32
    %broadcast_in_dim3A_20 = vector.broadcast %broadcast_in_dim3A_19 : f32 to vector<16xf32>
    %swap3A_21 = arith.constant 32 : index
    %swap3A_22 = tpu.vector_load %arg5[%swap3A_21] {strides = array<i32>} : memref<128xf32, #tpu.memory_space<vmem>>, vector<16xf32>,
    %swap3A_23 = vector.shape_cast %swap3A_22 : vector<16xf32> to vector<16xf32>
    %swap3A_24 = vector.shape_cast %broadcast_in_dim3A_20 : vector<16xf32> to vector<16xf32>
    tpu.vector_store %arg5[%swap3A_21], %swap3A_24 {strides = array<i32>} : memref<128xf32, #tpu.memory_space<vmem>>, vector<16xf32>,
    %broadcast_in_dim3A_25 = arith.constant 1.000000e+00 : f32
    %broadcast_in_dim3A_26 = vector.broadcast %broadcast_in_dim3A_25 : f32 to vector<16xf32>
    %swap3A_27 = arith.constant 48 : index
    %swap3A_28 = tpu.vector_load %arg5[%swap3A_27] {strides = array<i32>} : memref<128xf32, #tpu.memory_space<vmem>>, vector<16xf32>,
    %swap3A_29 = vector.shape_cast %swap3A_28 : vector<16xf32> to vector<16xf32>
    %swap3A_30 = vector.shape_cast %broadcast_in_dim3A_26 : vector<16xf32> to vector<16xf32>
    tpu.vector_store %arg5[%swap3A_27], %swap3A_30 {strides = array<i32>} : memref<128xf32, #tpu.memory_space<vmem>>, vector<16xf32>,
    %broadcast_in_dim3A_31 = arith.constant 1.000000e+00 : f32
    %broadcast_in_dim3A_32 = vector.broadcast %broadcast_in_dim3A_31 : f32 to vector<16xf32>
    %swap3A_33 = arith.constant 64 : index
    %swap3A_34 = tpu.vector_load %arg5[%swap3A_33] {strides = array<i32>} : memref<128xf32, #tpu.memory_space<vmem>>, vector<16xf32>,
    %swap3A_35 = vector.shape_cast %swap3A_34 : vector<16xf32> to vector<16xf32>
    %swap3A_36 = vector.shape_cast %broadcast_in_dim3A_32 : vector<16xf32> to vector<16xf32>
    tpu.vector_store %arg5[%swap3A_33], %swap3A_36 {strides = array<i32>} : memref<128xf32, #tpu.memory_space<vmem>>, vector<16xf32>,
    %broadcast_in_dim3A_37 = arith.constant 1.000000e+00 : f32
    %broadcast_in_dim3A_38 = vector.broadcast %broadcast_in_dim3A_37 : f32 to vector<16xf32>
    %swap3A_39 = arith.constant 80 : index
    %swap3A_40 = tpu.vector_load %arg5[%swap3A_39] {strides = array<i32>} : memref<128xf32, #tpu.memory_space<vmem>>, vector<16xf32>,
    %swap3A_41 = vector.shape_cast %swap3A_40 : vector<16xf32> to vector<16xf32>
    %swap3A_42 = vector.shape_cast %broadcast_in_dim3A_38 : vector<16xf32> to vector<16xf32>
    tpu.vector_store %arg5[%swap3A_39], %swap3A_42 {strides = array<i32>} : memref<128xf32, #tpu.memory_space<vmem>>, vector<16xf32>,
    %broadcast_in_dim3A_43 = arith.constant 1.000000e+00 : f32
    %broadcast_in_dim3A_44 = vector.broadcast %broadcast_in_dim3A_43 : f32 to vector<16xf32>
    %swap3A_45 = arith.constant 96 : index
    %swap3A_46 = tpu.vector_load %arg5[%swap3A_45] {strides = array<i32>} : memref<128xf32, #tpu.memory_space<vmem>>, vector<16xf32>,
    %swap3A_47 = vector.shape_cast %swap3A_46 : vector<16xf32> to vector<16xf32>
    %swap3A_48 = vector.shape_cast %broadcast_in_dim3A_44 : vector<16xf32> to vector<16xf32>
    tpu.vector_store %arg5[%swap3A_45], %swap3A_48 {strides = array<i32>} : memref<128xf32, #tpu.memory_space<vmem>>, vector<16xf32>,
    %broadcast_in_dim3A_49 = arith.constant 1.000000e+00 : f32
    %broadcast_in_dim3A_50 = vector.broadcast %broadcast_in_dim3A_49 : f32 to vector<16xf32>
    %swap3A_51 = arith.constant 112 : index
    %swap3A_52 = tpu.vector_load %arg5[%swap3A_51] {strides = array<i32>} : memref<128xf32, #tpu.memory_space<vmem>>, vector<16xf32>,
    %swap3A_53 = vector.shape_cast %swap3A_52 : vector<16xf32> to vector<16xf32>
    %swap3A_54 = vector.shape_cast %broadcast_in_dim3A_50 : vector<16xf32> to vector<16xf32>
    tpu.vector_store %arg5[%swap3A_51], %swap3A_54 {strides = array<i32>} : memref<128xf32, #tpu.memory_space<vmem>>, vector<16xf32>,
    %broadcast_in_dim3A_55 = arith.constant 0.000000e+00 : f32
    %broadcast_in_dim3A_56 = vector.broadcast %broadcast_in_dim3A_55 : f32 to vector<16xf32>
    %swap3A_57 = arith.constant 0 : index
    %swap3A_58 = tpu.vector_load %arg6[%swap3A_57] {strides = array<i32>} : memref<640xf32, #tpu.memory_space<vmem>>, vector<16xf32>,
    %swap3A_59 = vector.shape_cast %swap3A_58 : vector<16xf32> to vector<16xf32>
    %swap3A_60 = vector.shape_cast %broadcast_in_dim3A_56 : vector<16xf32> to vector<16xf32>
    tpu.vector_store %arg6[%swap3A_57], %swap3A_60 {strides = array<i32>} : memref<640xf32, #tpu.memory_space<vmem>>, vector<16xf32>,
    %broadcast_in_dim3A_61 = arith.constant 0.000000e+00 : f32
    %broadcast_in_dim3A_62 = vector.broadcast %broadcast_in_dim3A_61 : f32 to vector<16xf32>
    %swap3A_63 = arith.constant 16 : index
    %swap3A_64 = tpu.vector_load %arg6[%swap3A_63] {strides = array<i32>} : memref<640xf32, #tpu.memory_space<vmem>>, vector<16xf32>,
    %swap3A_65 = vector.shape_cast %swap3A_64 : vector<16xf32> to vector<16xf32>
    %swap3A_66 = vector.shape_cast %broadcast_in_dim3A_62 : vector<16xf32> to vector<16xf32>
    tpu.vector_store %arg6[%swap3A_63], %swap3A_66 {strides = array<i32>} : memref<640xf32, #tpu.memory_space<vmem>>, vector<16xf32>,
    %broadcast_in_dim3A_67 = arith.constant 0.000000e+00 : f32
    %broadcast_in_dim3A_68 = vector.broadcast %broadcast_in_dim3A_67 : f32 to vector<16xf32>
    %swap3A_69 = arith.constant 32 : index
    %swap3A_70 = tpu.vector_load %arg6[%swap3A_69] {strides = array<i32>} : memref<640xf32, #tpu.memory_space<vmem>>, vector<16xf32>,
    %swap3A_71 = vector.shape_cast %swap3A_70 : vector<16xf32> to vector<16xf32>
    %swap3A_72 = vector.shape_cast %broadcast_in_dim3A_68 : vector<16xf32> to vector<16xf32>
    tpu.vector_store %arg6[%swap3A_69], %swap3A_72 {strides = array<i32>} : memref<640xf32, #tpu.memory_space<vmem>>, vector<16xf32>,
    %broadcast_in_dim3A_73 = arith.constant 0.000000e+00 : f32
    %broadcast_in_dim3A_74 = vector.broadcast %broadcast_in_dim3A_73 : f32 to vector<16xf32>
    %swap3A_75 = arith.constant 48 : index
    %swap3A_76 = tpu.vector_load %arg6[%swap3A_75] {strides = array<i32>} : memref<640xf32, #tpu.memory_space<vmem>>, vector<16xf32>,
    %swap3A_77 = vector.shape_cast %swap3A_76 : vector<16xf32> to vector<16xf32>
    %swap3A_78 = vector.shape_cast %broadcast_in_dim3A_74 : vector<16xf32> to vector<16xf32>
    tpu.vector_store %arg6[%swap3A_75], %swap3A_78 {strides = array<i32>} : memref<640xf32, #tpu.memory_space<vmem>>, vector<16xf32>,
    %broadcast_in_dim3A_79 = arith.constant 0.000000e+00 : f32
    %broadcast_in_dim3A_80 = vector.broadcast %broadcast_in_dim3A_79 : f32 to vector<16xf32>
    %swap3A_81 = arith.constant 64 : index
    %swap3A_82 = tpu.vector_load %arg6[%swap3A_81] {strides = array<i32>} : memref<640xf32, #tpu.memory_space<vmem>>, vector<16xf32>,
    %swap3A_83 = vector.shape_cast %swap3A_82 : vector<16xf32> to vector<16xf32>
    %swap3A_84 = vector.shape_cast %broadcast_in_dim3A_80 : vector<16xf32> to vector<16xf32>
    tpu.vector_store %arg6[%swap3A_81], %swap3A_84 {strides = array<i32>} : memref<640xf32, #tpu.memory_space<vmem>>, vector<16xf32>,
    %broadcast_in_dim3A_85 = arith.constant 0.000000e+00 : f32
    %broadcast_in_dim3A_86 = vector.broadcast %broadcast_in_dim3A_85 : f32 to vector<16xf32>
    %swap3A_87 = arith.constant 80 : index
    %swap3A_88 = tpu.vector_load %arg6[%swap3A_87] {strides = array<i32>} : memref<640xf32, #tpu.memory_space<vmem>>, vector<16xf32>,
    %swap3A_89 = vector.shape_cast %swap3A_88 : vector<16xf32> to vector<16xf32>
    %swap3A_90 = vector.shape_cast %broadcast_in_dim3A_86 : vector<16xf32> to vector<16xf32>
    tpu.vector_store %arg6[%swap3A_87], %swap3A_90 {strides = array<i32>} : memref<640xf32, #tpu.memory_space<vmem>>, vector<16xf32>,
    %broadcast_in_dim3A_91 = arith.constant 0.000000e+00 : f32
    %broadcast_in_dim3A_92 = vector.broadcast %broadcast_in_dim3A_91 : f32 to vector<16xf32>
    %swap3A_93 = arith.constant 96 : index
    %swap3A_94 = tpu.vector_load %arg6[%swap3A_93] {strides = array<i32>} : memref<640xf32, #tpu.memory_space<vmem>>, vector<16xf32>,
    %swap3A_95 = vector.shape_cast %swap3A_94 : vector<16xf32> to vector<16xf32>
    %swap3A_96 = vector.shape_cast %broadcast_in_dim3A_92 : vector<16xf32> to vector<16xf32>
    tpu.vector_store %arg6[%swap3A_93], %swap3A_96 {strides = array<i32>} : memref<640xf32, #tpu.memory_space<vmem>>, vector<16xf32>,
    %broadcast_in_dim3A_97 = arith.constant 0.000000e+00 : f32
    %broadcast_in_dim3A_98 = vector.broadcast %broadcast_in_dim3A_97 : f32 to vector<16xf32>
    %swap3A_99 = arith.constant 112 : index
    %swap3A_100 = tpu.vector_load %arg6[%swap3A_99] {strides = array<i32>} : memref<640xf32, #tpu.memory_space<vmem>>, vector<16xf32>,
    %swap3A_101 = vector.shape_cast %swap3A_100 : vector<16xf32> to vector<16xf32>
    %swap3A_102 = vector.shape_cast %broadcast_in_dim3A_98 : vector<16xf32> to vector<16xf32>
    tpu.vector_store %arg6[%swap3A_99], %swap3A_102 {strides = array<i32>} : memref<640xf32, #tpu.memory_space<vmem>>, vector<16xf32>,
    %broadcast_in_dim3A_103 = arith.constant 0.000000e+00 : f32
    %broadcast_in_dim3A_104 = vector.broadcast %broadcast_in_dim3A_103 : f32 to vector<16xf32>
    %swap3A_105 = arith.constant 128 : index
    %swap3A_106 = tpu.vector_load %arg6[%swap3A_105] {strides = array<i32>} : memref<640xf32, #tpu.memory_space<vmem>>, vector<16xf32>,
    %swap3A_107 = vector.shape_cast %swap3A_106 : vector<16xf32> to vector<16xf32>
    %swap3A_108 = vector.shape_cast %broadcast_in_dim3A_104 : vector<16xf32> to vector<16xf32>
    tpu.vector_store %arg6[%swap3A_105], %swap3A_108 {strides = array<i32>} : memref<640xf32, #tpu.memory_space<vmem>>, vector<16xf32>,
    %broadcast_in_dim3A_109 = arith.constant 0.000000e+00 : f32
    %broadcast_in_dim3A_110 = vector.broadcast %broadcast_in_dim3A_109 : f32 to vector<16xf32>
    %swap3A_111 = arith.constant 144 : index
    %swap3A_112 = tpu.vector_load %arg6[%swap3A_111] {strides = array<i32>} : memref<640xf32, #tpu.memory_space<vmem>>, vector<16xf32>,
    %swap3A_113 = vector.shape_cast %swap3A_112 : vector<16xf32> to vector<16xf32>
    %swap3A_114 = vector.shape_cast %broadcast_in_dim3A_110 : vector<16xf32> to vector<16xf32>
    tpu.vector_store %arg6[%swap3A_111], %swap3A_114 {strides = array<i32>} : memref<640xf32, #tpu.memory_space<vmem>>, vector<16xf32>,
    %broadcast_in_dim3A_115 = arith.constant 0.000000e+00 : f32
    %broadcast_in_dim3A_116 = vector.broadcast %broadcast_in_dim3A_115 : f32 to vector<16xf32>
    %swap3A_117 = arith.constant 160 : index
    %swap3A_118 = tpu.vector_load %arg6[%swap3A_117] {strides = array<i32>} : memref<640xf32, #tpu.memory_space<vmem>>, vector<16xf32>,
    %swap3A_119 = vector.shape_cast %swap3A_118 : vector<16xf32> to vector<16xf32>
    %swap3A_120 = vector.shape_cast %broadcast_in_dim3A_116 : vector<16xf32> to vector<16xf32>
    tpu.vector_store %arg6[%swap3A_117], %swap3A_120 {strides = array<i32>} : memref<640xf32, #tpu.memory_space<vmem>>, vector<16xf32>,
    %broadcast_in_dim3A_121 = arith.constant 0.000000e+00 : f32
    %broadcast_in_dim3A_122 = vector.broadcast %broadcast_in_dim3A_121 : f32 to vector<16xf32>
    %swap3A_123 = arith.constant 176 : index
    %swap3A_124 = tpu.vector_load %arg6[%swap3A_123] {strides = array<i32>} : memref<640xf32, #tpu.memory_space<vmem>>, vector<16xf32>,
    %swap3A_125 = vector.shape_cast %swap3A_124 : vector<16xf32> to vector<16xf32>
    %swap3A_126 = vector.shape_cast %broadcast_in_dim3A_122 : vector<16xf32> to vector<16xf32>
    tpu.vector_store %arg6[%swap3A_123], %swap3A_126 {strides = array<i32>} : memref<640xf32, #tpu.memory_space<vmem>>, vector<16xf32>,
    %broadcast_in_dim3A_127 = arith.constant 0.000000e+00 : f32
    %broadcast_in_dim3A_128 = vector.broadcast %broadcast_in_dim3A_127 : f32 to vector<16xf32>
    %swap3A_129 = arith.constant 192 : index
    %swap3A_130 = tpu.vector_load %arg6[%swap3A_129] {strides = array<i32>} : memref<640xf32, #tpu.memory_space<vmem>>, vector<16xf32>,
    %swap3A_131 = vector.shape_cast %swap3A_130 : vector<16xf32> to vector<16xf32>
    %swap3A_132 = vector.shape_cast %broadcast_in_dim3A_128 : vector<16xf32> to vector<16xf32>
    tpu.vector_store %arg6[%swap3A_129], %swap3A_132 {strides = array<i32>} : memref<640xf32, #tpu.memory_space<vmem>>, vector<16xf32>,
    %broadcast_in_dim3A_133 = arith.constant 0.000000e+00 : f32
    %broadcast_in_dim3A_134 = vector.broadcast %broadcast_in_dim3A_133 : f32 to vector<16xf32>
    %swap3A_135 = arith.constant 208 : index
    %swap3A_136 = tpu.vector_load %arg6[%swap3A_135] {strides = array<i32>} : memref<640xf32, #tpu.memory_space<vmem>>, vector<16xf32>,
    %swap3A_137 = vector.shape_cast %swap3A_136 : vector<16xf32> to vector<16xf32>
    %swap3A_138 = vector.shape_cast %broadcast_in_dim3A_134 : vector<16xf32> to vector<16xf32>
    tpu.vector_store %arg6[%swap3A_135], %swap3A_138 {strides = array<i32>} : memref<640xf32, #tpu.memory_space<vmem>>, vector<16xf32>,
    %broadcast_in_dim3A_139 = arith.constant 0.000000e+00 : f32
    %broadcast_in_dim3A_140 = vector.broadcast %broadcast_in_dim3A_139 : f32 to vector<16xf32>
    %swap3A_141 = arith.constant 224 : index
    %swap3A_142 = tpu.vector_load %arg6[%swap3A_141] {strides = array<i32>} : memref<640xf32, #tpu.memory_space<vmem>>, vector<16xf32>,
    %swap3A_143 = vector.shape_cast %swap3A_142 : vector<16xf32> to vector<16xf32>
    %swap3A_144 = vector.shape_cast %broadcast_in_dim3A_140 : vector<16xf32> to vector<16xf32>
    tpu.vector_store %arg6[%swap3A_141], %swap3A_144 {strides = array<i32>} : memref<640xf32, #tpu.memory_space<vmem>>, vector<16xf32>,
    %broadcast_in_dim3A_145 = arith.constant 0.000000e+00 : f32
    %broadcast_in_dim3A_146 = vector.broadcast %broadcast_in_dim3A_145 : f32 to vector<16xf32>
    %swap3A_147 = arith.constant 240 : index
    %swap3A_148 = tpu.vector_load %arg6[%swap3A_147] {strides = array<i32>} : memref<640xf32, #tpu.memory_space<vmem>>, vector<16xf32>,
    %swap3A_149 = vector.shape_cast %swap3A_148 : vector<16xf32> to vector<16xf32>
    %swap3A_150 = vector.shape_cast %broadcast_in_dim3A_146 : vector<16xf32> to vector<16xf32>
    tpu.vector_store %arg6[%swap3A_147], %swap3A_150 {strides = array<i32>} : memref<640xf32, #tpu.memory_space<vmem>>, vector<16xf32>,
    %broadcast_in_dim3A_151 = arith.constant 0.000000e+00 : f32
    %broadcast_in_dim3A_152 = vector.broadcast %broadcast_in_dim3A_151 : f32 to vector<16xf32>
    %swap3A_153 = arith.constant 256 : index
    %swap3A_154 = tpu.vector_load %arg6[%swap3A_153] {strides = array<i32>} : memref<640xf32, #tpu.memory_space<vmem>>, vector<16xf32>,
    %swap3A_155 = vector.shape_cast %swap3A_154 : vector<16xf32> to vector<16xf32>
    %swap3A_156 = vector.shape_cast %broadcast_in_dim3A_152 : vector<16xf32> to vector<16xf32>
    tpu.vector_store %arg6[%swap3A_153], %swap3A_156 {strides = array<i32>} : memref<640xf32, #tpu.memory_space<vmem>>, vector<16xf32>,
    %broadcast_in_dim3A_157 = arith.constant 0.000000e+00 : f32
    %broadcast_in_dim3A_158 = vector.broadcast %broadcast_in_dim3A_157 : f32 to vector<16xf32>
    %swap3A_159 = arith.constant 272 : index
    %swap3A_160 = tpu.vector_load %arg6[%swap3A_159] {strides = array<i32>} : memref<640xf32, #tpu.memory_space<vmem>>, vector<16xf32>,
    %swap3A_161 = vector.shape_cast %swap3A_160 : vector<16xf32> to vector<16xf32>
    %swap3A_162 = vector.shape_cast %broadcast_in_dim3A_158 : vector<16xf32> to vector<16xf32>
    tpu.vector_store %arg6[%swap3A_159], %swap3A_162 {strides = array<i32>} : memref<640xf32, #tpu.memory_space<vmem>>, vector<16xf32>,
    %broadcast_in_dim3A_163 = arith.constant 0.000000e+00 : f32
    %broadcast_in_dim3A_164 = vector.broadcast %broadcast_in_dim3A_163 : f32 to vector<16xf32>
    %swap3A_165 = arith.constant 288 : index
    %swap3A_166 = tpu.vector_load %arg6[%swap3A_165] {strides = array<i32>} : memref<640xf32, #tpu.memory_space<vmem>>, vector<16xf32>,
    %swap3A_167 = vector.shape_cast %swap3A_166 : vector<16xf32> to vector<16xf32>
    %swap3A_168 = vector.shape_cast %broadcast_in_dim3A_164 : vector<16xf32> to vector<16xf32>
    tpu.vector_store %arg6[%swap3A_165], %swap3A_168 {strides = array<i32>} : memref<640xf32, #tpu.memory_space<vmem>>, vector<16xf32>,
    %broadcast_in_dim3A_169 = arith.constant 0.000000e+00 : f32
    %broadcast_in_dim3A_170 = vector.broadcast %broadcast_in_dim3A_169 : f32 to vector<16xf32>
    %swap3A_171 = arith.constant 304 : index
    %swap3A_172 = tpu.vector_load %arg6[%swap3A_171] {strides = array<i32>} : memref<640xf32, #tpu.memory_space<vmem>>, vector<16xf32>,
    %swap3A_173 = vector.shape_cast %swap3A_172 : vector<16xf32> to vector<16xf32>
    %swap3A_174 = vector.shape_cast %broadcast_in_dim3A_170 : vector<16xf32> to vector<16xf32>
    tpu.vector_store %arg6[%swap3A_171], %swap3A_174 {strides = array<i32>} : memref<640xf32, #tpu.memory_space<vmem>>, vector<16xf32>,
    %broadcast_in_dim3A_175 = arith.constant 0.000000e+00 : f32
    %broadcast_in_dim3A_176 = vector.broadcast %broadcast_in_dim3A_175 : f32 to vector<16xf32>
    %swap3A_177 = arith.constant 320 : index
    %swap3A_178 = tpu.vector_load %arg6[%swap3A_177] {strides = array<i32>} : memref<640xf32, #tpu.memory_space<vmem>>, vector<16xf32>,
    %swap3A_179 = vector.shape_cast %swap3A_178 : vector<16xf32> to vector<16xf32>
    %swap3A_180 = vector.shape_cast %broadcast_in_dim3A_176 : vector<16xf32> to vector<16xf32>
    tpu.vector_store %arg6[%swap3A_177], %swap3A_180 {strides = array<i32>} : memref<640xf32, #tpu.memory_space<vmem>>, vector<16xf32>,
    %broadcast_in_dim3A_181 = arith.constant 0.000000e+00 : f32
    %broadcast_in_dim3A_182 = vector.broadcast %broadcast_in_dim3A_181 : f32 to vector<16xf32>
    %swap3A_183 = arith.constant 336 : index
    %swap3A_184 = tpu.vector_load %arg6[%swap3A_183] {strides = array<i32>} : memref<640xf32, #tpu.memory_space<vmem>>, vector<16xf32>,
    %swap3A_185 = vector.shape_cast %swap3A_184 : vector<16xf32> to vector<16xf32>
    %swap3A_186 = vector.shape_cast %broadcast_in_dim3A_182 : vector<16xf32> to vector<16xf32>
    tpu.vector_store %arg6[%swap3A_183], %swap3A_186 {strides = array<i32>} : memref<640xf32, #tpu.memory_space<vmem>>, vector<16xf32>,
    %broadcast_in_dim3A_187 = arith.constant 0.000000e+00 : f32
    %broadcast_in_dim3A_188 = vector.broadcast %broadcast_in_dim3A_187 : f32 to vector<16xf32>
    %swap3A_189 = arith.constant 352 : index
    %swap3A_190 = tpu.vector_load %arg6[%swap3A_189] {strides = array<i32>} : memref<640xf32, #tpu.memory_space<vmem>>, vector<16xf32>,
    %swap3A_191 = vector.shape_cast %swap3A_190 : vector<16xf32> to vector<16xf32>
    %swap3A_192 = vector.shape_cast %broadcast_in_dim3A_188 : vector<16xf32> to vector<16xf32>
    tpu.vector_store %arg6[%swap3A_189], %swap3A_192 {strides = array<i32>} : memref<640xf32, #tpu.memory_space<vmem>>, vector<16xf32>,
    %broadcast_in_dim3A_193 = arith.constant 0.000000e+00 : f32
    %broadcast_in_dim3A_194 = vector.broadcast %broadcast_in_dim3A_193 : f32 to vector<16xf32>
    %swap3A_195 = arith.constant 368 : index
    %swap3A_196 = tpu.vector_load %arg6[%swap3A_195] {strides = array<i32>} : memref<640xf32, #tpu.memory_space<vmem>>, vector<16xf32>,
    %swap3A_197 = vector.shape_cast %swap3A_196 : vector<16xf32> to vector<16xf32>
    %swap3A_198 = vector.shape_cast %broadcast_in_dim3A_194 : vector<16xf32> to vector<16xf32>
    tpu.vector_store %arg6[%swap3A_195], %swap3A_198 {strides = array<i32>} : memref<640xf32, #tpu.memory_space<vmem>>, vector<16xf32>,
    %broadcast_in_dim3A_199 = arith.constant 0.000000e+00 : f32
    %broadcast_in_dim3A_200 = vector.broadcast %broadcast_in_dim3A_199 : f32 to vector<16xf32>
    %swap3A_201 = arith.constant 384 : index
    %swap3A_202 = tpu.vector_load %arg6[%swap3A_201] {strides = array<i32>} : memref<640xf32, #tpu.memory_space<vmem>>, vector<16xf32>,
    %swap3A_203 = vector.shape_cast %swap3A_202 : vector<16xf32> to vector<16xf32>
    %swap3A_204 = vector.shape_cast %broadcast_in_dim3A_200 : vector<16xf32> to vector<16xf32>
    tpu.vector_store %arg6[%swap3A_201], %swap3A_204 {strides = array<i32>} : memref<640xf32, #tpu.memory_space<vmem>>, vector<16xf32>,
    %broadcast_in_dim3A_205 = arith.constant 0.000000e+00 : f32
    %broadcast_in_dim3A_206 = vector.broadcast %broadcast_in_dim3A_205 : f32 to vector<16xf32>
    %swap3A_207 = arith.constant 400 : index
    %swap3A_208 = tpu.vector_load %arg6[%swap3A_207] {strides = array<i32>} : memref<640xf32, #tpu.memory_space<vmem>>, vector<16xf32>,
    %swap3A_209 = vector.shape_cast %swap3A_208 : vector<16xf32> to vector<16xf32>
    %swap3A_210 = vector.shape_cast %broadcast_in_dim3A_206 : vector<16xf32> to vector<16xf32>
    tpu.vector_store %arg6[%swap3A_207], %swap3A_210 {strides = array<i32>} : memref<640xf32, #tpu.memory_space<vmem>>, vector<16xf32>,
    %broadcast_in_dim3A_211 = arith.constant 0.000000e+00 : f32
    %broadcast_in_dim3A_212 = vector.broadcast %broadcast_in_dim3A_211 : f32 to vector<16xf32>
    %swap3A_213 = arith.constant 416 : index
    %swap3A_214 = tpu.vector_load %arg6[%swap3A_213] {strides = array<i32>} : memref<640xf32, #tpu.memory_space<vmem>>, vector<16xf32>,
    %swap3A_215 = vector.shape_cast %swap3A_214 : vector<16xf32> to vector<16xf32>
    %swap3A_216 = vector.shape_cast %broadcast_in_dim3A_212 : vector<16xf32> to vector<16xf32>
    tpu.vector_store %arg6[%swap3A_213], %swap3A_216 {strides = array<i32>} : memref<640xf32, #tpu.memory_space<vmem>>, vector<16xf32>,
    %broadcast_in_dim3A_217 = arith.constant 0.000000e+00 : f32
    %broadcast_in_dim3A_218 = vector.broadcast %broadcast_in_dim3A_217 : f32 to vector<16xf32>
    %swap3A_219 = arith.constant 432 : index
    %swap3A_220 = tpu.vector_load %arg6[%swap3A_219] {strides = array<i32>} : memref<640xf32, #tpu.memory_space<vmem>>, vector<16xf32>,
    %swap3A_221 = vector.shape_cast %swap3A_220 : vector<16xf32> to vector<16xf32>
    %swap3A_222 = vector.shape_cast %broadcast_in_dim3A_218 : vector<16xf32> to vector<16xf32>
    tpu.vector_store %arg6[%swap3A_219], %swap3A_222 {strides = array<i32>} : memref<640xf32, #tpu.memory_space<vmem>>, vector<16xf32>,
    %broadcast_in_dim3A_223 = arith.constant 0.000000e+00 : f32
    %broadcast_in_dim3A_224 = vector.broadcast %broadcast_in_dim3A_223 : f32 to vector<16xf32>
    %swap3A_225 = arith.constant 448 : index
    %swap3A_226 = tpu.vector_load %arg6[%swap3A_225] {strides = array<i32>} : memref<640xf32, #tpu.memory_space<vmem>>, vector<16xf32>,
    %swap3A_227 = vector.shape_cast %swap3A_226 : vector<16xf32> to vector<16xf32>
    %swap3A_228 = vector.shape_cast %broadcast_in_dim3A_224 : vector<16xf32> to vector<16xf32>
    tpu.vector_store %arg6[%swap3A_225], %swap3A_228 {strides = array<i32>} : memref<640xf32, #tpu.memory_space<vmem>>, vector<16xf32>,
    %broadcast_in_dim3A_229 = arith.constant 0.000000e+00 : f32
    %broadcast_in_dim3A_230 = vector.broadcast %broadcast_in_dim3A_229 : f32 to vector<16xf32>
    %swap3A_231 = arith.constant 464 : index
    %swap3A_232 = tpu.vector_load %arg6[%swap3A_231] {strides = array<i32>} : memref<640xf32, #tpu.memory_space<vmem>>, vector<16xf32>,
    %swap3A_233 = vector.shape_cast %swap3A_232 : vector<16xf32> to vector<16xf32>
    %swap3A_234 = vector.shape_cast %broadcast_in_dim3A_230 : vector<16xf32> to vector<16xf32>
    tpu.vector_store %arg6[%swap3A_231], %swap3A_234 {strides = array<i32>} : memref<640xf32, #tpu.memory_space<vmem>>, vector<16xf32>,
    %broadcast_in_dim3A_235 = arith.constant 0.000000e+00 : f32
    %broadcast_in_dim3A_236 = vector.broadcast %broadcast_in_dim3A_235 : f32 to vector<16xf32>
    %swap3A_237 = arith.constant 480 : index
    %swap3A_238 = tpu.vector_load %arg6[%swap3A_237] {strides = array<i32>} : memref<640xf32, #tpu.memory_space<vmem>>, vector<16xf32>,
    %swap3A_239 = vector.shape_cast %swap3A_238 : vector<16xf32> to vector<16xf32>
    %swap3A_240 = vector.shape_cast %broadcast_in_dim3A_236 : vector<16xf32> to vector<16xf32>
    tpu.vector_store %arg6[%swap3A_237], %swap3A_240 {strides = array<i32>} : memref<640xf32, #tpu.memory_space<vmem>>, vector<16xf32>,
    %broadcast_in_dim3A_241 = arith.constant 0.000000e+00 : f32
    %broadcast_in_dim3A_242 = vector.broadcast %broadcast_in_dim3A_241 : f32 to vector<16xf32>
    %swap3A_243 = arith.constant 496 : index
    %swap3A_244 = tpu.vector_load %arg6[%swap3A_243] {strides = array<i32>} : memref<640xf32, #tpu.memory_space<vmem>>, vector<16xf32>,
    %swap3A_245 = vector.shape_cast %swap3A_244 : vector<16xf32> to vector<16xf32>
    %swap3A_246 = vector.shape_cast %broadcast_in_dim3A_242 : vector<16xf32> to vector<16xf32>
    tpu.vector_store %arg6[%swap3A_243], %swap3A_246 {strides = array<i32>} : memref<640xf32, #tpu.memory_space<vmem>>, vector<16xf32>,
    %broadcast_in_dim3A_247 = arith.constant 0.000000e+00 : f32
    %broadcast_in_dim3A_248 = vector.broadcast %broadcast_in_dim3A_247 : f32 to vector<16xf32>
    %swap3A_249 = arith.constant 512 : index
    %swap3A_250 = tpu.vector_load %arg6[%swap3A_249] {strides = array<i32>} : memref<640xf32, #tpu.memory_space<vmem>>, vector<16xf32>,
    %swap3A_251 = vector.shape_cast %swap3A_250 : vector<16xf32> to vector<16xf32>
    %swap3A_252 = vector.shape_cast %broadcast_in_dim3A_248 : vector<16xf32> to vector<16xf32>
    tpu.vector_store %arg6[%swap3A_249], %swap3A_252 {strides = array<i32>} : memref<640xf32, #tpu.memory_space<vmem>>, vector<16xf32>,
    %broadcast_in_dim3A_253 = arith.constant 0.000000e+00 : f32
    %broadcast_in_dim3A_254 = vector.broadcast %broadcast_in_dim3A_253 : f32 to vector<16xf32>
    %swap3A_255 = arith.constant 528 : index
    %swap3A_256 = tpu.vector_load %arg6[%swap3A_255] {strides = array<i32>} : memref<640xf32, #tpu.memory_space<vmem>>, vector<16xf32>,
    %swap3A_257 = vector.shape_cast %swap3A_256 : vector<16xf32> to vector<16xf32>
    %swap3A_258 = vector.shape_cast %broadcast_in_dim3A_254 : vector<16xf32> to vector<16xf32>
    tpu.vector_store %arg6[%swap3A_255], %swap3A_258 {strides = array<i32>} : memref<640xf32, #tpu.memory_space<vmem>>, vector<16xf32>,
    %broadcast_in_dim3A_259 = arith.constant 0.000000e+00 : f32
    %broadcast_in_dim3A_260 = vector.broadcast %broadcast_in_dim3A_259 : f32 to vector<16xf32>
    %swap3A_261 = arith.constant 544 : index
    %swap3A_262 = tpu.vector_load %arg6[%swap3A_261] {strides = array<i32>} : memref<640xf32, #tpu.memory_space<vmem>>, vector<16xf32>,
    %swap3A_263 = vector.shape_cast %swap3A_262 : vector<16xf32> to vector<16xf32>
    %swap3A_264 = vector.shape_cast %broadcast_in_dim3A_260 : vector<16xf32> to vector<16xf32>
    tpu.vector_store %arg6[%swap3A_261], %swap3A_264 {strides = array<i32>} : memref<640xf32, #tpu.memory_space<vmem>>, vector<16xf32>,
    %broadcast_in_dim3A_265 = arith.constant 0.000000e+00 : f32
    %broadcast_in_dim3A_266 = vector.broadcast %broadcast_in_dim3A_265 : f32 to vector<16xf32>
    %swap3A_267 = arith.constant 560 : index
    %swap3A_268 = tpu.vector_load %arg6[%swap3A_267] {strides = array<i32>} : memref<640xf32, #tpu.memory_space<vmem>>, vector<16xf32>,
    %swap3A_269 = vector.shape_cast %swap3A_268 : vector<16xf32> to vector<16xf32>
    %swap3A_270 = vector.shape_cast %broadcast_in_dim3A_266 : vector<16xf32> to vector<16xf32>
    tpu.vector_store %arg6[%swap3A_267], %swap3A_270 {strides = array<i32>} : memref<640xf32, #tpu.memory_space<vmem>>, vector<16xf32>,
    %broadcast_in_dim3A_271 = arith.constant 0.000000e+00 : f32
    %broadcast_in_dim3A_272 = vector.broadcast %broadcast_in_dim3A_271 : f32 to vector<16xf32>
    %swap3A_273 = arith.constant 576 : index
    %swap3A_274 = tpu.vector_load %arg6[%swap3A_273] {strides = array<i32>} : memref<640xf32, #tpu.memory_space<vmem>>, vector<16xf32>,
    %swap3A_275 = vector.shape_cast %swap3A_274 : vector<16xf32> to vector<16xf32>
    %swap3A_276 = vector.shape_cast %broadcast_in_dim3A_272 : vector<16xf32> to vector<16xf32>
    tpu.vector_store %arg6[%swap3A_273], %swap3A_276 {strides = array<i32>} : memref<640xf32, #tpu.memory_space<vmem>>, vector<16xf32>,
    %broadcast_in_dim3A_277 = arith.constant 0.000000e+00 : f32
    %broadcast_in_dim3A_278 = vector.broadcast %broadcast_in_dim3A_277 : f32 to vector<16xf32>
    %swap3A_279 = arith.constant 592 : index
    %swap3A_280 = tpu.vector_load %arg6[%swap3A_279] {strides = array<i32>} : memref<640xf32, #tpu.memory_space<vmem>>, vector<16xf32>,
    %swap3A_281 = vector.shape_cast %swap3A_280 : vector<16xf32> to vector<16xf32>
    %swap3A_282 = vector.shape_cast %broadcast_in_dim3A_278 : vector<16xf32> to vector<16xf32>
    tpu.vector_store %arg6[%swap3A_279], %swap3A_282 {strides = array<i32>} : memref<640xf32, #tpu.memory_space<vmem>>, vector<16xf32>,
    %broadcast_in_dim3A_283 = arith.constant 0.000000e+00 : f32
    %broadcast_in_dim3A_284 = vector.broadcast %broadcast_in_dim3A_283 : f32 to vector<16xf32>
    %swap3A_285 = arith.constant 608 : index
    %swap3A_286 = tpu.vector_load %arg6[%swap3A_285] {strides = array<i32>} : memref<640xf32, #tpu.memory_space<vmem>>, vector<16xf32>,
    %swap3A_287 = vector.shape_cast %swap3A_286 : vector<16xf32> to vector<16xf32>
    %swap3A_288 = vector.shape_cast %broadcast_in_dim3A_284 : vector<16xf32> to vector<16xf32>
    tpu.vector_store %arg6[%swap3A_285], %swap3A_288 {strides = array<i32>} : memref<640xf32, #tpu.memory_space<vmem>>, vector<16xf32>,
    %broadcast_in_dim3A_289 = arith.constant 0.000000e+00 : f32
    %broadcast_in_dim3A_290 = vector.broadcast %broadcast_in_dim3A_289 : f32 to vector<16xf32>
    %swap3A_291 = arith.constant 624 : index
    %swap3A_292 = tpu.vector_load %arg6[%swap3A_291] {strides = array<i32>} : memref<640xf32, #tpu.memory_space<vmem>>, vector<16xf32>,
    %swap3A_293 = vector.shape_cast %swap3A_292 : vector<16xf32> to vector<16xf32>
    %swap3A_294 = vector.shape_cast %broadcast_in_dim3A_290 : vector<16xf32> to vector<16xf32>
    tpu.vector_store %arg6[%swap3A_291], %swap3A_294 {strides = array<i32>} : memref<640xf32, #tpu.memory_space<vmem>>, vector<16xf32>,
    %mul3A_295 = arith.constant 640 : i32
    %mul3A_296 = arith.muli %arg1, %mul3A_295 : i32
    "tpu.region"() ({
      %run_scoped3A_318 = tpu.sem_alloc : memref<!tpu.dma_semaphore, #tpu.memory_space<semaphore_mem>>
      %dma_start3A = tpu.memref_slice %arg7[%mul3A_296] : memref<10240xf32, #tpu.memory_space<vmem_shared>> -> memref<640xf32, #tpu.memory_space<vmem_shared>>
      %dma_start3A_319 = tpu.memref_slice %arg7[%mul3A_296] : memref<10240xf32, #tpu.memory_space<vmem_shared>> -> memref<640xf32, #tpu.memory_space<vmem_shared>>
      tpu.enqueue_dma source(%arg6 : memref<640xf32, #tpu.memory_space<vmem>>) target(%dma_start3A_319 : memref<640xf32, #tpu.memory_space<vmem_shared>>) target_semaphore(%run_scoped3A_318 : memref<!tpu.dma_semaphore, #tpu.memory_space<semaphore_mem>>)
      %dma_wait3A = tpu.memref_slice %arg7[%mul3A_296] : memref<10240xf32, #tpu.memory_space<vmem_shared>> -> memref<640xf32, #tpu.memory_space<vmem_shared>>
      %dma_wait3A_320 = tpu.memref_slice %arg7[%mul3A_296] : memref<10240xf32, #tpu.memory_space<vmem_shared>> -> memref<640xf32, #tpu.memory_space<vmem_shared>>
      tpu.wait_dma2 semaphore(%run_scoped3A_318 : memref<!tpu.dma_semaphore, #tpu.memory_space<semaphore_mem>>) src(%arg6 : memref<640xf32, #tpu.memory_space<vmem>>) dst(%dma_wait3A_320 : memref<640xf32, #tpu.memory_space<vmem_shared>>)
      tpu.yield
    }) : () -> ()
    "tpu.region"() ({
      %run_scoped3A_318 = tpu.sem_alloc : memref<!tpu.dma_semaphore, #tpu.memory_space<semaphore_mem>>
      %dma_start3A = tpu.memref_slice %arg8[%mul3A_296] : memref<10240xf32, #tpu.memory_space<vmem_shared>> -> memref<640xf32, #tpu.memory_space<vmem_shared>>
      %dma_start3A_319 = tpu.memref_slice %arg8[%mul3A_296] : memref<10240xf32, #tpu.memory_space<vmem_shared>> -> memref<640xf32, #tpu.memory_space<vmem_shared>>
      tpu.enqueue_dma source(%arg6 : memref<640xf32, #tpu.memory_space<vmem>>) target(%dma_start3A_319 : memref<640xf32, #tpu.memory_space<vmem_shared>>) target_semaphore(%run_scoped3A_318 : memref<!tpu.dma_semaphore, #tpu.memory_space<semaphore_mem>>)
      %dma_wait3A = tpu.memref_slice %arg8[%mul3A_296] : memref<10240xf32, #tpu.memory_space<vmem_shared>> -> memref<640xf32, #tpu.memory_space<vmem_shared>>
      %dma_wait3A_320 = tpu.memref_slice %arg8[%mul3A_296] : memref<10240xf32, #tpu.memory_space<vmem_shared>> -> memref<640xf32, #tpu.memory_space<vmem_shared>>
      tpu.wait_dma2 semaphore(%run_scoped3A_318 : memref<!tpu.dma_semaphore, #tpu.memory_space<semaphore_mem>>) src(%arg6 : memref<640xf32, #tpu.memory_space<vmem>>) dst(%dma_wait3A_320 : memref<640xf32, #tpu.memory_space<vmem_shared>>)
      tpu.yield
    }) : () -> ()
    %barrier3A = arith.constant 0 : index
    tpu.barrier barrier_id(%barrier3A)
    %while3A = arith.constant 0 : i32
    %while3A_297 = arith.constant 0 : i32
    %while3A_298 = arith.subi %add3A_8, %while3A_297 : i32
    %while3A_299 = arith.addi %while3A_297, %while3A_298 : i32
    %while3A_300 = arith.constant 1 : i32
    %while3A_301 = arith.divsi %while3A_298, %while3A_300 : i32
    %while3A_302 = arith.muli %while3A_301, %while3A_300 : i32
    %while3A_303 = arith.addi %while3A_297, %while3A_302 : i32
    %while3A_304 = arith.constant 1 : i32
    scf.for %while3A_318 = %while3A_297 to %while3A_303 step %while3A_304  : i32 {
      %dma_start3A = arith.constant 0 : i32
      %dma_start3A_319 = arith.constant 0 : i32
      %dma_start3A_320 = tpu.memref_slice %arg4[%while3A_318, %dma_start3A, %dma_start3A_319] : memref<79x2x128xi32, #tpu.memory_space<vmem>> -> memref<1x1x128xi32, #tpu.memory_space<vmem>>
      %dma_start3A_321 = tpu.memref_squeeze %dma_start3A_320 : memref<1x1x128xi32, #tpu.memory_space<vmem>> -> memref<128xi32, #tpu.memory_space<vmem>>
      %dma_start3A_322 = arith.constant 0 : i32
      %dma_start3A_323 = tpu.memref_slice %arg7[%dma_start3A_322] : memref<10240xf32, #tpu.memory_space<vmem_shared>> -> memref<10240xf32, #tpu.memory_space<vmem_shared>>
      tpu.enqueue_indirect_dma source(%arg5 : memref<128xf32, #tpu.memory_space<vmem>>) target(%dma_start3A_323 : memref<10240xf32, #tpu.memory_space<vmem_shared>>) offsets(%dma_start3A_321 : memref<128xi32, #tpu.memory_space<vmem>>) semaphore(%arg9 : memref<!tpu.dma_semaphore, #tpu.memory_space<semaphore_mem>>) {add = true}
      %dma_start3A_324 = arith.constant 1 : i32
      %dma_start3A_325 = arith.constant 0 : i32
      %dma_start3A_326 = tpu.memref_slice %arg4[%while3A_318, %dma_start3A_324, %dma_start3A_325] : memref<79x2x128xi32, #tpu.memory_space<vmem>> -> memref<1x1x128xi32, #tpu.memory_space<vmem>>
      %dma_start3A_327 = tpu.memref_squeeze %dma_start3A_326 : memref<1x1x128xi32, #tpu.memory_space<vmem>> -> memref<128xi32, #tpu.memory_space<vmem>>
      %dma_start3A_328 = arith.constant 0 : i32
      %dma_start3A_329 = tpu.memref_slice %arg8[%dma_start3A_328] : memref<10240xf32, #tpu.memory_space<vmem_shared>> -> memref<10240xf32, #tpu.memory_space<vmem_shared>>
      tpu.enqueue_indirect_dma source(%arg5 : memref<128xf32, #tpu.memory_space<vmem>>) target(%dma_start3A_329 : memref<10240xf32, #tpu.memory_space<vmem_shared>>) offsets(%dma_start3A_327 : memref<128xi32, #tpu.memory_space<vmem>>) semaphore(%arg9 : memref<!tpu.dma_semaphore, #tpu.memory_space<semaphore_mem>>) {add = true}
    }
    %while3A_305 = arith.constant 1 : i32
    scf.for %while3A_318 = %while3A_303 to %while3A_299 step %while3A_305  : i32 {
      %dma_start3A = arith.constant 0 : i32
      %dma_start3A_319 = arith.constant 0 : i32
      %dma_start3A_320 = tpu.memref_slice %arg4[%while3A_318, %dma_start3A, %dma_start3A_319] : memref<79x2x128xi32, #tpu.memory_space<vmem>> -> memref<1x1x128xi32, #tpu.memory_space<vmem>>
      %dma_start3A_321 = tpu.memref_squeeze %dma_start3A_320 : memref<1x1x128xi32, #tpu.memory_space<vmem>> -> memref<128xi32, #tpu.memory_space<vmem>>
      %dma_start3A_322 = arith.constant 0 : i32
      %dma_start3A_323 = tpu.memref_slice %arg7[%dma_start3A_322] : memref<10240xf32, #tpu.memory_space<vmem_shared>> -> memref<10240xf32, #tpu.memory_space<vmem_shared>>
      tpu.enqueue_indirect_dma source(%arg5 : memref<128xf32, #tpu.memory_space<vmem>>) target(%dma_start3A_323 : memref<10240xf32, #tpu.memory_space<vmem_shared>>) offsets(%dma_start3A_321 : memref<128xi32, #tpu.memory_space<vmem>>) semaphore(%arg9 : memref<!tpu.dma_semaphore, #tpu.memory_space<semaphore_mem>>) {add = true}
      %dma_start3A_324 = arith.constant 1 : i32
      %dma_start3A_325 = arith.constant 0 : i32
      %dma_start3A_326 = tpu.memref_slice %arg4[%while3A_318, %dma_start3A_324, %dma_start3A_325] : memref<79x2x128xi32, #tpu.memory_space<vmem>> -> memref<1x1x128xi32, #tpu.memory_space<vmem>>
      %dma_start3A_327 = tpu.memref_squeeze %dma_start3A_326 : memref<1x1x128xi32, #tpu.memory_space<vmem>> -> memref<128xi32, #tpu.memory_space<vmem>>
      %dma_start3A_328 = arith.constant 0 : i32
      %dma_start3A_329 = tpu.memref_slice %arg8[%dma_start3A_328] : memref<10240xf32, #tpu.memory_space<vmem_shared>> -> memref<10240xf32, #tpu.memory_space<vmem_shared>>
      tpu.enqueue_indirect_dma source(%arg5 : memref<128xf32, #tpu.memory_space<vmem>>) target(%dma_start3A_329 : memref<10240xf32, #tpu.memory_space<vmem_shared>>) offsets(%dma_start3A_327 : memref<128xi32, #tpu.memory_space<vmem>>) semaphore(%arg9 : memref<!tpu.dma_semaphore, #tpu.memory_space<semaphore_mem>>) {add = true}
    }
    %while3A_306 = arith.constant 0 : i32
    %while3A_307 = arith.constant 0 : i32
    %while3A_308 = arith.subi %add3A_8, %while3A_307 : i32
    %while3A_309 = arith.addi %while3A_307, %while3A_308 : i32
    %while3A_310 = arith.constant 1 : i32
    %while3A_311 = arith.divsi %while3A_308, %while3A_310 : i32
    %while3A_312 = arith.muli %while3A_311, %while3A_310 : i32
    %while3A_313 = arith.addi %while3A_307, %while3A_312 : i32
    %while3A_314 = arith.constant 1 : i32
    scf.for %while3A_318 = %while3A_307 to %while3A_313 step %while3A_314  : i32 {
      %dma_wait3A = arith.constant 0 : i32
      %dma_wait3A_319 = arith.constant 0 : i32
      %dma_wait3A_320 = arith.constant 0 : i32
      %dma_wait3A_321 = tpu.memref_slice %arg4[%dma_wait3A, %dma_wait3A_319, %dma_wait3A_320] : memref<79x2x128xi32, #tpu.memory_space<vmem>> -> memref<1x1x128xi32, #tpu.memory_space<vmem>>
      %dma_wait3A_322 = tpu.memref_squeeze %dma_wait3A_321 : memref<1x1x128xi32, #tpu.memory_space<vmem>> -> memref<128xi32, #tpu.memory_space<vmem>>
      %dma_wait3A_323 = arith.constant 0 : i32
      %dma_wait3A_324 = tpu.memref_slice %arg7[%dma_wait3A_323] : memref<10240xf32, #tpu.memory_space<vmem_shared>> -> memref<10240xf32, #tpu.memory_space<vmem_shared>>
      tpu.wait_indirect_dma semaphore(%arg9 : memref<!tpu.dma_semaphore, #tpu.memory_space<semaphore_mem>>) src(%arg5 : memref<128xf32, #tpu.memory_space<vmem>>) dst(%dma_wait3A_324 : memref<10240xf32, #tpu.memory_space<vmem_shared>>)
      %dma_wait3A_325 = arith.constant 0 : i32
      %dma_wait3A_326 = arith.constant 1 : i32
      %dma_wait3A_327 = arith.constant 0 : i32
      %dma_wait3A_328 = tpu.memref_slice %arg4[%dma_wait3A_325, %dma_wait3A_326, %dma_wait3A_327] : memref<79x2x128xi32, #tpu.memory_space<vmem>> -> memref<1x1x128xi32, #tpu.memory_space<vmem>>
      %dma_wait3A_329 = tpu.memref_squeeze %dma_wait3A_328 : memref<1x1x128xi32, #tpu.memory_space<vmem>> -> memref<128xi32, #tpu.memory_space<vmem>>
      %dma_wait3A_330 = arith.constant 0 : i32
      %dma_wait3A_331 = tpu.memref_slice %arg8[%dma_wait3A_330] : memref<10240xf32, #tpu.memory_space<vmem_shared>> -> memref<10240xf32, #tpu.memory_space<vmem_shared>>
      tpu.wait_indirect_dma semaphore(%arg9 : memref<!tpu.dma_semaphore, #tpu.memory_space<semaphore_mem>>) src(%arg5 : memref<128xf32, #tpu.memory_space<vmem>>) dst(%dma_wait3A_331 : memref<10240xf32, #tpu.memory_space<vmem_shared>>)
    }
    %while3A_315 = arith.constant 1 : i32
    scf.for %while3A_318 = %while3A_313 to %while3A_309 step %while3A_315  : i32 {
      %dma_wait3A = arith.constant 0 : i32
      %dma_wait3A_319 = arith.constant 0 : i32
      %dma_wait3A_320 = arith.constant 0 : i32
      %dma_wait3A_321 = tpu.memref_slice %arg4[%dma_wait3A, %dma_wait3A_319, %dma_wait3A_320] : memref<79x2x128xi32, #tpu.memory_space<vmem>> -> memref<1x1x128xi32, #tpu.memory_space<vmem>>
      %dma_wait3A_322 = tpu.memref_squeeze %dma_wait3A_321 : memref<1x1x128xi32, #tpu.memory_space<vmem>> -> memref<128xi32, #tpu.memory_space<vmem>>
      %dma_wait3A_323 = arith.constant 0 : i32
      %dma_wait3A_324 = tpu.memref_slice %arg7[%dma_wait3A_323] : memref<10240xf32, #tpu.memory_space<vmem_shared>> -> memref<10240xf32, #tpu.memory_space<vmem_shared>>
      tpu.wait_indirect_dma semaphore(%arg9 : memref<!tpu.dma_semaphore, #tpu.memory_space<semaphore_mem>>) src(%arg5 : memref<128xf32, #tpu.memory_space<vmem>>) dst(%dma_wait3A_324 : memref<10240xf32, #tpu.memory_space<vmem_shared>>)
      %dma_wait3A_325 = arith.constant 0 : i32
      %dma_wait3A_326 = arith.constant 1 : i32
      %dma_wait3A_327 = arith.constant 0 : i32
      %dma_wait3A_328 = tpu.memref_slice %arg4[%dma_wait3A_325, %dma_wait3A_326, %dma_wait3A_327] : memref<79x2x128xi32, #tpu.memory_space<vmem>> -> memref<1x1x128xi32, #tpu.memory_space<vmem>>
      %dma_wait3A_329 = tpu.memref_squeeze %dma_wait3A_328 : memref<1x1x128xi32, #tpu.memory_space<vmem>> -> memref<128xi32, #tpu.memory_space<vmem>>
      %dma_wait3A_330 = arith.constant 0 : i32
      %dma_wait3A_331 = tpu.memref_slice %arg8[%dma_wait3A_330] : memref<10240xf32, #tpu.memory_space<vmem_shared>> -> memref<10240xf32, #tpu.memory_space<vmem_shared>>
      tpu.wait_indirect_dma semaphore(%arg9 : memref<!tpu.dma_semaphore, #tpu.memory_space<semaphore_mem>>) src(%arg5 : memref<128xf32, #tpu.memory_space<vmem>>) dst(%dma_wait3A_331 : memref<10240xf32, #tpu.memory_space<vmem_shared>>)
    }
    %barrier3A_316 = arith.constant 0 : index
    tpu.barrier barrier_id(%barrier3A_316)
    "tpu.region"() ({
      %run_scoped3A_318 = tpu.sem_alloc : memref<!tpu.dma_semaphore, #tpu.memory_space<semaphore_mem>>
      %dma_start3A = tpu.memref_slice %arg7[%mul3A_296] : memref<10240xf32, #tpu.memory_space<vmem_shared>> -> memref<640xf32, #tpu.memory_space<vmem_shared>>
      %dma_start3A_319 = tpu.memref_slice %arg7[%mul3A_296] : memref<10240xf32, #tpu.memory_space<vmem_shared>> -> memref<640xf32, #tpu.memory_space<vmem_shared>>
      tpu.enqueue_dma source(%dma_start3A_319 : memref<640xf32, #tpu.memory_space<vmem_shared>>) target(%arg6 : memref<640xf32, #tpu.memory_space<vmem>>) target_semaphore(%run_scoped3A_318 : memref<!tpu.dma_semaphore, #tpu.memory_space<semaphore_mem>>)
      %dma_wait3A = tpu.memref_slice %arg7[%mul3A_296] : memref<10240xf32, #tpu.memory_space<vmem_shared>> -> memref<640xf32, #tpu.memory_space<vmem_shared>>
      %dma_wait3A_320 = tpu.memref_slice %arg7[%mul3A_296] : memref<10240xf32, #tpu.memory_space<vmem_shared>> -> memref<640xf32, #tpu.memory_space<vmem_shared>>
      tpu.wait_dma2 semaphore(%run_scoped3A_318 : memref<!tpu.dma_semaphore, #tpu.memory_space<semaphore_mem>>) src(%dma_wait3A_320 : memref<640xf32, #tpu.memory_space<vmem_shared>>) dst(%arg6 : memref<640xf32, #tpu.memory_space<vmem>>)
      tpu.yield
    }) : () -> ()
    %run_scoped3A = arith.constant 0 : i32
    "tpu.region"() ({
      %run_scoped3A_318 = tpu.sem_alloc : memref<!tpu.dma_semaphore, #tpu.memory_space<semaphore_mem>>
      %dma_start3A = tpu.memref_slice %arg3[%arg0, %run_scoped3A, %mul3A_296] : memref<2x2x10240xf32, #tpu.memory_space<hbm>> -> memref<1x1x640xf32, #tpu.memory_space<hbm>>
      %dma_start3A_319 = tpu.memref_squeeze %dma_start3A : memref<1x1x640xf32, #tpu.memory_space<hbm>> -> memref<640xf32, #tpu.memory_space<hbm>>
      %dma_start3A_320 = tpu.memref_slice %arg3[%arg0, %run_scoped3A, %mul3A_296] : memref<2x2x10240xf32, #tpu.memory_space<hbm>> -> memref<1x1x640xf32, #tpu.memory_space<hbm>>
      %dma_start3A_321 = tpu.memref_squeeze %dma_start3A_320 : memref<1x1x640xf32, #tpu.memory_space<hbm>> -> memref<640xf32, #tpu.memory_space<hbm>>
      tpu.enqueue_dma source(%arg6 : memref<640xf32, #tpu.memory_space<vmem>>) target(%dma_start3A_321 : memref<640xf32, #tpu.memory_space<hbm>>) target_semaphore(%run_scoped3A_318 : memref<!tpu.dma_semaphore, #tpu.memory_space<semaphore_mem>>)
      %dma_wait3A = tpu.memref_slice %arg3[%arg0, %run_scoped3A, %mul3A_296] : memref<2x2x10240xf32, #tpu.memory_space<hbm>> -> memref<1x1x640xf32, #tpu.memory_space<hbm>>
      %dma_wait3A_322 = tpu.memref_squeeze %dma_wait3A : memref<1x1x640xf32, #tpu.memory_space<hbm>> -> memref<640xf32, #tpu.memory_space<hbm>>
      %dma_wait3A_323 = tpu.memref_slice %arg3[%arg0, %run_scoped3A, %mul3A_296] : memref<2x2x10240xf32, #tpu.memory_space<hbm>> -> memref<1x1x640xf32, #tpu.memory_space<hbm>>
      %dma_wait3A_324 = tpu.memref_squeeze %dma_wait3A_323 : memref<1x1x640xf32, #tpu.memory_space<hbm>> -> memref<640xf32, #tpu.memory_space<hbm>>
      tpu.wait_dma2 semaphore(%run_scoped3A_318 : memref<!tpu.dma_semaphore, #tpu.memory_space<semaphore_mem>>) src(%arg6 : memref<640xf32, #tpu.memory_space<vmem>>) dst(%dma_wait3A_324 : memref<640xf32, #tpu.memory_space<hbm>>)
      tpu.yield
    }) : () -> ()
    "tpu.region"() ({
      %run_scoped3A_318 = tpu.sem_alloc : memref<!tpu.dma_semaphore, #tpu.memory_space<semaphore_mem>>
      %dma_start3A = tpu.memref_slice %arg8[%mul3A_296] : memref<10240xf32, #tpu.memory_space<vmem_shared>> -> memref<640xf32, #tpu.memory_space<vmem_shared>>
      %dma_start3A_319 = tpu.memref_slice %arg8[%mul3A_296] : memref<10240xf32, #tpu.memory_space<vmem_shared>> -> memref<640xf32, #tpu.memory_space<vmem_shared>>
      tpu.enqueue_dma source(%dma_start3A_319 : memref<640xf32, #tpu.memory_space<vmem_shared>>) target(%arg6 : memref<640xf32, #tpu.memory_space<vmem>>) target_semaphore(%run_scoped3A_318 : memref<!tpu.dma_semaphore, #tpu.memory_space<semaphore_mem>>)
      %dma_wait3A = tpu.memref_slice %arg8[%mul3A_296] : memref<10240xf32, #tpu.memory_space<vmem_shared>> -> memref<640xf32, #tpu.memory_space<vmem_shared>>
      %dma_wait3A_320 = tpu.memref_slice %arg8[%mul3A_296] : memref<10240xf32, #tpu.memory_space<vmem_shared>> -> memref<640xf32, #tpu.memory_space<vmem_shared>>
      tpu.wait_dma2 semaphore(%run_scoped3A_318 : memref<!tpu.dma_semaphore, #tpu.memory_space<semaphore_mem>>) src(%dma_wait3A_320 : memref<640xf32, #tpu.memory_space<vmem_shared>>) dst(%arg6 : memref<640xf32, #tpu.memory_space<vmem>>)
      tpu.yield
    }) : () -> ()
    %run_scoped3A_317 = arith.constant 1 : i32
    "tpu.region"() ({
      %run_scoped3A_318 = tpu.sem_alloc : memref<!tpu.dma_semaphore, #tpu.memory_space<semaphore_mem>>
      %dma_start3A = tpu.memref_slice %arg3[%arg0, %run_scoped3A_317, %mul3A_296] : memref<2x2x10240xf32, #tpu.memory_space<hbm>> -> memref<1x1x640xf32, #tpu.memory_space<hbm>>
      %dma_start3A_319 = tpu.memref_squeeze %dma_start3A : memref<1x1x640xf32, #tpu.memory_space<hbm>> -> memref<640xf32, #tpu.memory_space<hbm>>
      %dma_start3A_320 = tpu.memref_slice %arg3[%arg0, %run_scoped3A_317, %mul3A_296] : memref<2x2x10240xf32, #tpu.memory_space<hbm>> -> memref<1x1x640xf32, #tpu.memory_space<hbm>>
      %dma_start3A_321 = tpu.memref_squeeze %dma_start3A_320 : memref<1x1x640xf32, #tpu.memory_space<hbm>> -> memref<640xf32, #tpu.memory_space<hbm>>
      tpu.enqueue_dma source(%arg6 : memref<640xf32, #tpu.memory_space<vmem>>) target(%dma_start3A_321 : memref<640xf32, #tpu.memory_space<hbm>>) target_semaphore(%run_scoped3A_318 : memref<!tpu.dma_semaphore, #tpu.memory_space<semaphore_mem>>)
      %dma_wait3A = tpu.memref_slice %arg3[%arg0, %run_scoped3A_317, %mul3A_296] : memref<2x2x10240xf32, #tpu.memory_space<hbm>> -> memref<1x1x640xf32, #tpu.memory_space<hbm>>
      %dma_wait3A_322 = tpu.memref_squeeze %dma_wait3A : memref<1x1x640xf32, #tpu.memory_space<hbm>> -> memref<640xf32, #tpu.memory_space<hbm>>
      %dma_wait3A_323 = tpu.memref_slice %arg3[%arg0, %run_scoped3A_317, %mul3A_296] : memref<2x2x10240xf32, #tpu.memory_space<hbm>> -> memref<1x1x640xf32, #tpu.memory_space<hbm>>
      %dma_wait3A_324 = tpu.memref_squeeze %dma_wait3A_323 : memref<1x1x640xf32, #tpu.memory_space<hbm>> -> memref<640xf32, #tpu.memory_space<hbm>>
      tpu.wait_dma2 semaphore(%run_scoped3A_318 : memref<!tpu.dma_semaphore, #tpu.memory_space<semaphore_mem>>) src(%arg6 : memref<640xf32, #tpu.memory_space<vmem>>) dst(%dma_wait3A_324 : memref<640xf32, #tpu.memory_space<hbm>>)
      tpu.yield
    }) : () -> ()
    return
  }
}

#map = affine_map<(d0, d1) -> (0, 0)>
#map1 = affine_map<(d0, d1) -> (0, 0, 0)>
module attributes {stable_mosaic.version = 14 : i64} {
  func.func @_sc_edge_agg(%arg0: i32, %arg1: i32, %arg2: memref<10000x128xf32, #tpu.memory_space<hbm>>, %arg3: memref<2548x2x128xi32, #tpu.memory_space<hbm>>, %arg4: memref<2x10240x128xf32, #tpu.memory_space<hbm>>, %arg5: memref<60x2x128xi32, #tpu.memory_space<vmem>>, %arg6: memref<128x128xf32, #tpu.memory_space<vmem>>, %arg7: memref<128x128xf32, #tpu.memory_space<vmem>>, %arg8: memref<10240x128xf32, #tpu.memory_space<vmem_shared>>, %arg9: memref<!tpu.dma_semaphore, #tpu.memory_space<semaphore_mem>>, %arg10: memref<!tpu.dma_semaphore, #tpu.memory_space<semaphore_mem>>) attributes {dimension_semantics = [#tpu.dimension_semantics<core_parallel>, #tpu.dimension_semantics<subcore_parallel>], iteration_bounds = array<i64: 2, 16>, scalar_prefetch = 0 : i64, scratch_operands = 6 : i64, tpu.core_type = #tpu.core_type<sc_vector_subcore>, window_params = [{transform_indices = #map}, {transform_indices = #map1}, {transform_indices = #map1}]} {
    %mul3A = arith.constant 2 : i32
    %mul3A_0 = arith.muli %arg1, %mul3A : i32
    %add3A = arith.addi %mul3A_0, %arg0 : i32
    %mul3A_1 = arith.constant 78 : i32
    %mul3A_2 = arith.muli %mul3A_1, %add3A : i32
    %sub3A = arith.constant 28 : i32
    %sub3A_3 = arith.subi %add3A, %sub3A : i32
    %max3A = arith.constant 0 : i32
    %max3A_4 = arith.maxsi %sub3A_3, %max3A : i32
    %add3A_5 = arith.addi %mul3A_2, %max3A_4 : i32
    %ge3A = arith.constant 28 : i32
    %ge3A_6 = arith.cmpi sge, %add3A, %ge3A : i32
    %convert_element_type3A = arith.extui %ge3A_6 : i1 to i32
    %add3A_7 = arith.constant 78 : i32
    %add3A_8 = arith.addi %add3A_7, %convert_element_type3A : i32
    %scan3A = arith.constant 0 : i32
    %scan3A_9 = arith.constant 0 : i32
    %scan3A_10 = arith.constant 128 : i32
    %scan3A_11 = arith.addi %scan3A_9, %scan3A_10 : i32
    %scan3A_12 = arith.constant 1 : i32
    scf.for %scan3A_151 = %scan3A_9 to %scan3A_11 step %scan3A_12  : i32 {
      %broadcast_in_dim3A = arith.constant 0.000000e+00 : f32
      %broadcast_in_dim3A_152 = vector.broadcast %broadcast_in_dim3A : f32 to vector<16xf32>
      %swap3A = arith.index_cast %scan3A_151 : i32 to index
      %swap3A_153 = arith.constant 0 : index
      %swap3A_154 = tpu.vector_load %arg6[%swap3A, %swap3A_153] {strides = array<i32>} : memref<128x128xf32, #tpu.memory_space<vmem>>, vector<1x16xf32>,
      %swap3A_155 = vector.shape_cast %swap3A_154 : vector<1x16xf32> to vector<16xf32>
      %swap3A_156 = vector.shape_cast %broadcast_in_dim3A_152 : vector<16xf32> to vector<1x16xf32>
      tpu.vector_store %arg6[%swap3A, %swap3A_153], %swap3A_156 {strides = array<i32>} : memref<128x128xf32, #tpu.memory_space<vmem>>, vector<1x16xf32>,
      %broadcast_in_dim3A_157 = arith.constant 0.000000e+00 : f32
      %broadcast_in_dim3A_158 = vector.broadcast %broadcast_in_dim3A_157 : f32 to vector<16xf32>
      %swap3A_159 = arith.index_cast %scan3A_151 : i32 to index
      %swap3A_160 = arith.constant 16 : index
      %swap3A_161 = tpu.vector_load %arg6[%swap3A_159, %swap3A_160] {strides = array<i32>} : memref<128x128xf32, #tpu.memory_space<vmem>>, vector<1x16xf32>,
      %swap3A_162 = vector.shape_cast %swap3A_161 : vector<1x16xf32> to vector<16xf32>
      %swap3A_163 = vector.shape_cast %broadcast_in_dim3A_158 : vector<16xf32> to vector<1x16xf32>
      tpu.vector_store %arg6[%swap3A_159, %swap3A_160], %swap3A_163 {strides = array<i32>} : memref<128x128xf32, #tpu.memory_space<vmem>>, vector<1x16xf32>,
      %broadcast_in_dim3A_164 = arith.constant 0.000000e+00 : f32
      %broadcast_in_dim3A_165 = vector.broadcast %broadcast_in_dim3A_164 : f32 to vector<16xf32>
      %swap3A_166 = arith.index_cast %scan3A_151 : i32 to index
      %swap3A_167 = arith.constant 32 : index
      %swap3A_168 = tpu.vector_load %arg6[%swap3A_166, %swap3A_167] {strides = array<i32>} : memref<128x128xf32, #tpu.memory_space<vmem>>, vector<1x16xf32>,
      %swap3A_169 = vector.shape_cast %swap3A_168 : vector<1x16xf32> to vector<16xf32>
      %swap3A_170 = vector.shape_cast %broadcast_in_dim3A_165 : vector<16xf32> to vector<1x16xf32>
      tpu.vector_store %arg6[%swap3A_166, %swap3A_167], %swap3A_170 {strides = array<i32>} : memref<128x128xf32, #tpu.memory_space<vmem>>, vector<1x16xf32>,
      %broadcast_in_dim3A_171 = arith.constant 0.000000e+00 : f32
      %broadcast_in_dim3A_172 = vector.broadcast %broadcast_in_dim3A_171 : f32 to vector<16xf32>
      %swap3A_173 = arith.index_cast %scan3A_151 : i32 to index
      %swap3A_174 = arith.constant 48 : index
      %swap3A_175 = tpu.vector_load %arg6[%swap3A_173, %swap3A_174] {strides = array<i32>} : memref<128x128xf32, #tpu.memory_space<vmem>>, vector<1x16xf32>,
      %swap3A_176 = vector.shape_cast %swap3A_175 : vector<1x16xf32> to vector<16xf32>
      %swap3A_177 = vector.shape_cast %broadcast_in_dim3A_172 : vector<16xf32> to vector<1x16xf32>
      tpu.vector_store %arg6[%swap3A_173, %swap3A_174], %swap3A_177 {strides = array<i32>} : memref<128x128xf32, #tpu.memory_space<vmem>>, vector<1x16xf32>,
      %broadcast_in_dim3A_178 = arith.constant 0.000000e+00 : f32
      %broadcast_in_dim3A_179 = vector.broadcast %broadcast_in_dim3A_178 : f32 to vector<16xf32>
      %swap3A_180 = arith.index_cast %scan3A_151 : i32 to index
      %swap3A_181 = arith.constant 64 : index
      %swap3A_182 = tpu.vector_load %arg6[%swap3A_180, %swap3A_181] {strides = array<i32>} : memref<128x128xf32, #tpu.memory_space<vmem>>, vector<1x16xf32>,
      %swap3A_183 = vector.shape_cast %swap3A_182 : vector<1x16xf32> to vector<16xf32>
      %swap3A_184 = vector.shape_cast %broadcast_in_dim3A_179 : vector<16xf32> to vector<1x16xf32>
      tpu.vector_store %arg6[%swap3A_180, %swap3A_181], %swap3A_184 {strides = array<i32>} : memref<128x128xf32, #tpu.memory_space<vmem>>, vector<1x16xf32>,
      %broadcast_in_dim3A_185 = arith.constant 0.000000e+00 : f32
      %broadcast_in_dim3A_186 = vector.broadcast %broadcast_in_dim3A_185 : f32 to vector<16xf32>
      %swap3A_187 = arith.index_cast %scan3A_151 : i32 to index
      %swap3A_188 = arith.constant 80 : index
      %swap3A_189 = tpu.vector_load %arg6[%swap3A_187, %swap3A_188] {strides = array<i32>} : memref<128x128xf32, #tpu.memory_space<vmem>>, vector<1x16xf32>,
      %swap3A_190 = vector.shape_cast %swap3A_189 : vector<1x16xf32> to vector<16xf32>
      %swap3A_191 = vector.shape_cast %broadcast_in_dim3A_186 : vector<16xf32> to vector<1x16xf32>
      tpu.vector_store %arg6[%swap3A_187, %swap3A_188], %swap3A_191 {strides = array<i32>} : memref<128x128xf32, #tpu.memory_space<vmem>>, vector<1x16xf32>,
      %broadcast_in_dim3A_192 = arith.constant 0.000000e+00 : f32
      %broadcast_in_dim3A_193 = vector.broadcast %broadcast_in_dim3A_192 : f32 to vector<16xf32>
      %swap3A_194 = arith.index_cast %scan3A_151 : i32 to index
      %swap3A_195 = arith.constant 96 : index
      %swap3A_196 = tpu.vector_load %arg6[%swap3A_194, %swap3A_195] {strides = array<i32>} : memref<128x128xf32, #tpu.memory_space<vmem>>, vector<1x16xf32>,
      %swap3A_197 = vector.shape_cast %swap3A_196 : vector<1x16xf32> to vector<16xf32>
      %swap3A_198 = vector.shape_cast %broadcast_in_dim3A_193 : vector<16xf32> to vector<1x16xf32>
      tpu.vector_store %arg6[%swap3A_194, %swap3A_195], %swap3A_198 {strides = array<i32>} : memref<128x128xf32, #tpu.memory_space<vmem>>, vector<1x16xf32>,
      %broadcast_in_dim3A_199 = arith.constant 0.000000e+00 : f32
      %broadcast_in_dim3A_200 = vector.broadcast %broadcast_in_dim3A_199 : f32 to vector<16xf32>
      %swap3A_201 = arith.index_cast %scan3A_151 : i32 to index
      %swap3A_202 = arith.constant 112 : index
      %swap3A_203 = tpu.vector_load %arg6[%swap3A_201, %swap3A_202] {strides = array<i32>} : memref<128x128xf32, #tpu.memory_space<vmem>>, vector<1x16xf32>,
      %swap3A_204 = vector.shape_cast %swap3A_203 : vector<1x16xf32> to vector<16xf32>
      %swap3A_205 = vector.shape_cast %broadcast_in_dim3A_200 : vector<16xf32> to vector<1x16xf32>
      tpu.vector_store %arg6[%swap3A_201, %swap3A_202], %swap3A_205 {strides = array<i32>} : memref<128x128xf32, #tpu.memory_space<vmem>>, vector<1x16xf32>,
    }
    %scan3A_13 = arith.constant 128 : i32
    %mul3A_14 = arith.constant 640 : i32
    %mul3A_15 = arith.muli %arg1, %mul3A_14 : i32
    %add3A_16 = arith.constant 0 : i32
    %add3A_17 = arith.addi %mul3A_15, %add3A_16 : i32
    %dma_start3A = arith.constant 0 : i32
    %dma_start3A_18 = tpu.memref_slice %arg8[%add3A_17, %dma_start3A] : memref<10240x128xf32, #tpu.memory_space<vmem_shared>> -> memref<128x128xf32, #tpu.memory_space<vmem_shared>>
    %dma_start3A_19 = arith.constant 0 : i32
    %dma_start3A_20 = tpu.memref_slice %arg8[%add3A_17, %dma_start3A_19] : memref<10240x128xf32, #tpu.memory_space<vmem_shared>> -> memref<128x128xf32, #tpu.memory_space<vmem_shared>>
    tpu.enqueue_dma source(%arg6 : memref<128x128xf32, #tpu.memory_space<vmem>>) target(%dma_start3A_20 : memref<128x128xf32, #tpu.memory_space<vmem_shared>>) target_semaphore(%arg9 : memref<!tpu.dma_semaphore, #tpu.memory_space<semaphore_mem>>)
    %add3A_21 = arith.constant 128 : i32
    %add3A_22 = arith.addi %mul3A_15, %add3A_21 : i32
    %dma_start3A_23 = arith.constant 0 : i32
    %dma_start3A_24 = tpu.memref_slice %arg8[%add3A_22, %dma_start3A_23] : memref<10240x128xf32, #tpu.memory_space<vmem_shared>> -> memref<128x128xf32, #tpu.memory_space<vmem_shared>>
    %dma_start3A_25 = arith.constant 0 : i32
    %dma_start3A_26 = tpu.memref_slice %arg8[%add3A_22, %dma_start3A_25] : memref<10240x128xf32, #tpu.memory_space<vmem_shared>> -> memref<128x128xf32, #tpu.memory_space<vmem_shared>>
    tpu.enqueue_dma source(%arg6 : memref<128x128xf32, #tpu.memory_space<vmem>>) target(%dma_start3A_26 : memref<128x128xf32, #tpu.memory_space<vmem_shared>>) target_semaphore(%arg9 : memref<!tpu.dma_semaphore, #tpu.memory_space<semaphore_mem>>)
    %add3A_27 = arith.constant 256 : i32
    %add3A_28 = arith.addi %mul3A_15, %add3A_27 : i32
    %dma_start3A_29 = arith.constant 0 : i32
    %dma_start3A_30 = tpu.memref_slice %arg8[%add3A_28, %dma_start3A_29] : memref<10240x128xf32, #tpu.memory_space<vmem_shared>> -> memref<128x128xf32, #tpu.memory_space<vmem_shared>>
    %dma_start3A_31 = arith.constant 0 : i32
    %dma_start3A_32 = tpu.memref_slice %arg8[%add3A_28, %dma_start3A_31] : memref<10240x128xf32, #tpu.memory_space<vmem_shared>> -> memref<128x128xf32, #tpu.memory_space<vmem_shared>>
    tpu.enqueue_dma source(%arg6 : memref<128x128xf32, #tpu.memory_space<vmem>>) target(%dma_start3A_32 : memref<128x128xf32, #tpu.memory_space<vmem_shared>>) target_semaphore(%arg9 : memref<!tpu.dma_semaphore, #tpu.memory_space<semaphore_mem>>)
    %add3A_33 = arith.constant 384 : i32
    %add3A_34 = arith.addi %mul3A_15, %add3A_33 : i32
    %dma_start3A_35 = arith.constant 0 : i32
    %dma_start3A_36 = tpu.memref_slice %arg8[%add3A_34, %dma_start3A_35] : memref<10240x128xf32, #tpu.memory_space<vmem_shared>> -> memref<128x128xf32, #tpu.memory_space<vmem_shared>>
    %dma_start3A_37 = arith.constant 0 : i32
    %dma_start3A_38 = tpu.memref_slice %arg8[%add3A_34, %dma_start3A_37] : memref<10240x128xf32, #tpu.memory_space<vmem_shared>> -> memref<128x128xf32, #tpu.memory_space<vmem_shared>>
    tpu.enqueue_dma source(%arg6 : memref<128x128xf32, #tpu.memory_space<vmem>>) target(%dma_start3A_38 : memref<128x128xf32, #tpu.memory_space<vmem_shared>>) target_semaphore(%arg9 : memref<!tpu.dma_semaphore, #tpu.memory_space<semaphore_mem>>)
    %add3A_39 = arith.constant 512 : i32
    %add3A_40 = arith.addi %mul3A_15, %add3A_39 : i32
    %dma_start3A_41 = arith.constant 0 : i32
    %dma_start3A_42 = tpu.memref_slice %arg8[%add3A_40, %dma_start3A_41] : memref<10240x128xf32, #tpu.memory_space<vmem_shared>> -> memref<128x128xf32, #tpu.memory_space<vmem_shared>>
    %dma_start3A_43 = arith.constant 0 : i32
    %dma_start3A_44 = tpu.memref_slice %arg8[%add3A_40, %dma_start3A_43] : memref<10240x128xf32, #tpu.memory_space<vmem_shared>> -> memref<128x128xf32, #tpu.memory_space<vmem_shared>>
    tpu.enqueue_dma source(%arg6 : memref<128x128xf32, #tpu.memory_space<vmem>>) target(%dma_start3A_44 : memref<128x128xf32, #tpu.memory_space<vmem_shared>>) target_semaphore(%arg9 : memref<!tpu.dma_semaphore, #tpu.memory_space<semaphore_mem>>)
    %dma_wait3A = arith.constant 0 : i32
    %dma_wait3A_45 = tpu.memref_slice %arg8[%mul3A_15, %dma_wait3A] : memref<10240x128xf32, #tpu.memory_space<vmem_shared>> -> memref<128x128xf32, #tpu.memory_space<vmem_shared>>
    %dma_wait3A_46 = arith.constant 0 : i32
    %dma_wait3A_47 = tpu.memref_slice %arg8[%mul3A_15, %dma_wait3A_46] : memref<10240x128xf32, #tpu.memory_space<vmem_shared>> -> memref<128x128xf32, #tpu.memory_space<vmem_shared>>
    tpu.wait_dma2 semaphore(%arg9 : memref<!tpu.dma_semaphore, #tpu.memory_space<semaphore_mem>>) src(%arg6 : memref<128x128xf32, #tpu.memory_space<vmem>>) dst(%dma_wait3A_47 : memref<128x128xf32, #tpu.memory_space<vmem_shared>>)
    %dma_wait3A_48 = arith.constant 0 : i32
    %dma_wait3A_49 = tpu.memref_slice %arg8[%mul3A_15, %dma_wait3A_48] : memref<10240x128xf32, #tpu.memory_space<vmem_shared>> -> memref<128x128xf32, #tpu.memory_space<vmem_shared>>
    %dma_wait3A_50 = arith.constant 0 : i32
    %dma_wait3A_51 = tpu.memref_slice %arg8[%mul3A_15, %dma_wait3A_50] : memref<10240x128xf32, #tpu.memory_space<vmem_shared>> -> memref<128x128xf32, #tpu.memory_space<vmem_shared>>
    tpu.wait_dma2 semaphore(%arg9 : memref<!tpu.dma_semaphore, #tpu.memory_space<semaphore_mem>>) src(%arg6 : memref<128x128xf32, #tpu.memory_space<vmem>>) dst(%dma_wait3A_51 : memref<128x128xf32, #tpu.memory_space<vmem_shared>>)
    %dma_wait3A_52 = arith.constant 0 : i32
    %dma_wait3A_53 = tpu.memref_slice %arg8[%mul3A_15, %dma_wait3A_52] : memref<10240x128xf32, #tpu.memory_space<vmem_shared>> -> memref<128x128xf32, #tpu.memory_space<vmem_shared>>
    %dma_wait3A_54 = arith.constant 0 : i32
    %dma_wait3A_55 = tpu.memref_slice %arg8[%mul3A_15, %dma_wait3A_54] : memref<10240x128xf32, #tpu.memory_space<vmem_shared>> -> memref<128x128xf32, #tpu.memory_space<vmem_shared>>
    tpu.wait_dma2 semaphore(%arg9 : memref<!tpu.dma_semaphore, #tpu.memory_space<semaphore_mem>>) src(%arg6 : memref<128x128xf32, #tpu.memory_space<vmem>>) dst(%dma_wait3A_55 : memref<128x128xf32, #tpu.memory_space<vmem_shared>>)
    %dma_wait3A_56 = arith.constant 0 : i32
    %dma_wait3A_57 = tpu.memref_slice %arg8[%mul3A_15, %dma_wait3A_56] : memref<10240x128xf32, #tpu.memory_space<vmem_shared>> -> memref<128x128xf32, #tpu.memory_space<vmem_shared>>
    %dma_wait3A_58 = arith.constant 0 : i32
    %dma_wait3A_59 = tpu.memref_slice %arg8[%mul3A_15, %dma_wait3A_58] : memref<10240x128xf32, #tpu.memory_space<vmem_shared>> -> memref<128x128xf32, #tpu.memory_space<vmem_shared>>
    tpu.wait_dma2 semaphore(%arg9 : memref<!tpu.dma_semaphore, #tpu.memory_space<semaphore_mem>>) src(%arg6 : memref<128x128xf32, #tpu.memory_space<vmem>>) dst(%dma_wait3A_59 : memref<128x128xf32, #tpu.memory_space<vmem_shared>>)
    %dma_wait3A_60 = arith.constant 0 : i32
    %dma_wait3A_61 = tpu.memref_slice %arg8[%mul3A_15, %dma_wait3A_60] : memref<10240x128xf32, #tpu.memory_space<vmem_shared>> -> memref<128x128xf32, #tpu.memory_space<vmem_shared>>
    %dma_wait3A_62 = arith.constant 0 : i32
    %dma_wait3A_63 = tpu.memref_slice %arg8[%mul3A_15, %dma_wait3A_62] : memref<10240x128xf32, #tpu.memory_space<vmem_shared>> -> memref<128x128xf32, #tpu.memory_space<vmem_shared>>
    tpu.wait_dma2 semaphore(%arg9 : memref<!tpu.dma_semaphore, #tpu.memory_space<semaphore_mem>>) src(%arg6 : memref<128x128xf32, #tpu.memory_space<vmem>>) dst(%dma_wait3A_63 : memref<128x128xf32, #tpu.memory_space<vmem_shared>>)
    %barrier3A = arith.constant 0 : index
    tpu.barrier barrier_id(%barrier3A)
    "tpu.region"() ({
      %run_scoped3A = tpu.sem_alloc : memref<!tpu.dma_semaphore, #tpu.memory_space<semaphore_mem>>
      %dma_start3A_151 = arith.constant 0 : i32
      %dma_start3A_152 = arith.constant 0 : i32
      %dma_start3A_153 = tpu.memref_slice %arg3[%add3A_5, %dma_start3A_151, %dma_start3A_152] : memref<2548x2x128xi32, #tpu.memory_space<hbm>> -> memref<60x2x128xi32, #tpu.memory_space<hbm>>
      %dma_start3A_154 = arith.constant 0 : i32
      %dma_start3A_155 = arith.constant 0 : i32
      %dma_start3A_156 = tpu.memref_slice %arg3[%add3A_5, %dma_start3A_154, %dma_start3A_155] : memref<2548x2x128xi32, #tpu.memory_space<hbm>> -> memref<60x2x128xi32, #tpu.memory_space<hbm>>
      tpu.enqueue_dma source(%dma_start3A_156 : memref<60x2x128xi32, #tpu.memory_space<hbm>>) target(%arg5 : memref<60x2x128xi32, #tpu.memory_space<vmem>>) target_semaphore(%run_scoped3A : memref<!tpu.dma_semaphore, #tpu.memory_space<semaphore_mem>>)
      %dma_wait3A_157 = arith.constant 0 : i32
      %dma_wait3A_158 = arith.constant 0 : i32
      %dma_wait3A_159 = tpu.memref_slice %arg3[%add3A_5, %dma_wait3A_157, %dma_wait3A_158] : memref<2548x2x128xi32, #tpu.memory_space<hbm>> -> memref<60x2x128xi32, #tpu.memory_space<hbm>>
      %dma_wait3A_160 = arith.constant 0 : i32
      %dma_wait3A_161 = arith.constant 0 : i32
      %dma_wait3A_162 = tpu.memref_slice %arg3[%add3A_5, %dma_wait3A_160, %dma_wait3A_161] : memref<2548x2x128xi32, #tpu.memory_space<hbm>> -> memref<60x2x128xi32, #tpu.memory_space<hbm>>
      tpu.wait_dma2 semaphore(%run_scoped3A : memref<!tpu.dma_semaphore, #tpu.memory_space<semaphore_mem>>) src(%dma_wait3A_162 : memref<60x2x128xi32, #tpu.memory_space<hbm>>) dst(%arg5 : memref<60x2x128xi32, #tpu.memory_space<vmem>>)
      tpu.yield
    }) : () -> ()
    %dma_start3A_64 = arith.constant 0 : i32
    %dma_start3A_65 = arith.constant 0 : i32
    %dma_start3A_66 = arith.constant 0 : i32
    %dma_start3A_67 = tpu.memref_slice %arg5[%dma_start3A_64, %dma_start3A_65, %dma_start3A_66] : memref<60x2x128xi32, #tpu.memory_space<vmem>> -> memref<1x1x128xi32, #tpu.memory_space<vmem>>
    %dma_start3A_68 = tpu.memref_squeeze %dma_start3A_67 : memref<1x1x128xi32, #tpu.memory_space<vmem>> -> memref<128xi32, #tpu.memory_space<vmem>>
    %dma_start3A_69 = arith.constant 0 : i32
    %dma_start3A_70 = arith.constant 0 : i32
    %dma_start3A_71 = tpu.memref_slice %arg2[%dma_start3A_69, %dma_start3A_70] : memref<10000x128xf32, #tpu.memory_space<hbm>> -> memref<10000x128xf32, #tpu.memory_space<hbm>>
    tpu.enqueue_indirect_dma source(%dma_start3A_71 : memref<10000x128xf32, #tpu.memory_space<hbm>>) target(%arg6 : memref<128x128xf32, #tpu.memory_space<vmem>>) offsets(%dma_start3A_68 : memref<128xi32, #tpu.memory_space<vmem>>) semaphore(%arg9 : memref<!tpu.dma_semaphore, #tpu.memory_space<semaphore_mem>>)
    %add3A_72 = arith.constant 60 : i32
    %add3A_73 = arith.constant 1 : i32
    %add3A_74 = arith.addi %add3A_72, %add3A_73 : i32
    %jit3A = arith.constant 2 : i32
    %div3A = arith.divsi %add3A_74, %jit3A : i32
    %sign3A = arith.constant 0 : i32
    %sign3A_75 = arith.cmpi sgt, %add3A_74, %sign3A : i32
    %sign3A_76 = arith.extui %sign3A_75 : i1 to i32
    %sign3A_77 = arith.constant 0 : i32
    %sign3A_78 = arith.cmpi slt, %add3A_74, %sign3A_77 : i32
    %sign3A_79 = arith.extui %sign3A_78 : i1 to i32
    %sign3A_80 = arith.subi %sign3A_76, %sign3A_79 : i32
    %sign3A_81 = arith.constant 0 : i32
    %sign3A_82 = arith.cmpi sgt, %jit3A, %sign3A_81 : i32
    %sign3A_83 = arith.extui %sign3A_82 : i1 to i32
    %sign3A_84 = arith.constant 0 : i32
    %sign3A_85 = arith.cmpi slt, %jit3A, %sign3A_84 : i32
    %sign3A_86 = arith.extui %sign3A_85 : i1 to i32
    %sign3A_87 = arith.subi %sign3A_83, %sign3A_86 : i32
    %ne3A = arith.cmpi ne, %sign3A_80, %sign3A_87 : i32
    %rem3A = arith.remsi %add3A_74, %jit3A : i32
    %ne3A_88 = arith.constant 0 : i32
    %ne3A_89 = arith.cmpi ne, %rem3A, %ne3A_88 : i32
    %and3A = arith.andi %ne3A, %ne3A_89 : i1
    %sub3A_90 = arith.constant 1 : i32
    %sub3A_91 = arith.subi %div3A, %sub3A_90 : i32
    %select_n3A = arith.select %and3A, %sub3A_91, %div3A : i32
    %while3A = arith.constant 0 : i32
    %while3A_92 = arith.constant 60 : i32
    %while3A_93 = arith.constant 0 : i32
    %while3A_94 = arith.subi %select_n3A, %while3A_93 : i32
    %while3A_95 = arith.addi %while3A_93, %while3A_94 : i32
    %while3A_96 = arith.constant 1 : i32
    %while3A_97 = arith.divsi %while3A_94, %while3A_96 : i32
    %while3A_98 = arith.muli %while3A_97, %while3A_96 : i32
    %while3A_99 = arith.addi %while3A_93, %while3A_98 : i32
    %while3A_100 = arith.constant 1 : i32
    scf.for %while3A_151 = %while3A_93 to %while3A_99 step %while3A_100  : i32 {
      %mul3A_152 = arith.constant 2 : i32
      %mul3A_153 = arith.muli %mul3A_152, %while3A_151 : i32
      %add3A_154 = arith.constant 1 : i32
      %add3A_155 = arith.addi %mul3A_153, %add3A_154 : i32
      %lt3A = arith.cmpi slt, %add3A_155, %while3A_92 : i32
      %convert_element_type3A_156 = arith.extui %lt3A : i1 to i32
      %cond3A = arith.constant 0 : i32
      %cond3A_157 = arith.cmpi ne, %convert_element_type3A_156, %cond3A : i32
      scf.if %cond3A_157 {
        %add3A_177 = arith.constant 1 : i32
        %add3A_178 = arith.addi %mul3A_153, %add3A_177 : i32
        %dma_start3A_179 = arith.constant 0 : i32
        %dma_start3A_180 = arith.constant 0 : i32
        %dma_start3A_181 = tpu.memref_slice %arg5[%add3A_178, %dma_start3A_179, %dma_start3A_180] : memref<60x2x128xi32, #tpu.memory_space<vmem>> -> memref<1x1x128xi32, #tpu.memory_space<vmem>>
        %dma_start3A_182 = tpu.memref_squeeze %dma_start3A_181 : memref<1x1x128xi32, #tpu.memory_space<vmem>> -> memref<128xi32, #tpu.memory_space<vmem>>
        %dma_start3A_183 = arith.constant 0 : i32
        %dma_start3A_184 = arith.constant 0 : i32
        %dma_start3A_185 = tpu.memref_slice %arg2[%dma_start3A_183, %dma_start3A_184] : memref<10000x128xf32, #tpu.memory_space<hbm>> -> memref<10000x128xf32, #tpu.memory_space<hbm>>
        tpu.enqueue_indirect_dma source(%dma_start3A_185 : memref<10000x128xf32, #tpu.memory_space<hbm>>) target(%arg7 : memref<128x128xf32, #tpu.memory_space<vmem>>) offsets(%dma_start3A_182 : memref<128xi32, #tpu.memory_space<vmem>>) semaphore(%arg10 : memref<!tpu.dma_semaphore, #tpu.memory_space<semaphore_mem>>)
      } else {
      }
      %dma_wait3A_158 = arith.constant 0 : i32
      %dma_wait3A_159 = arith.constant 0 : i32
      %dma_wait3A_160 = tpu.memref_slice %arg5[%mul3A_153, %dma_wait3A_158, %dma_wait3A_159] : memref<60x2x128xi32, #tpu.memory_space<vmem>> -> memref<1x1x128xi32, #tpu.memory_space<vmem>>
      %dma_wait3A_161 = tpu.memref_squeeze %dma_wait3A_160 : memref<1x1x128xi32, #tpu.memory_space<vmem>> -> memref<128xi32, #tpu.memory_space<vmem>>
      %dma_wait3A_162 = arith.constant 0 : i32
      %dma_wait3A_163 = arith.constant 0 : i32
      %dma_wait3A_164 = tpu.memref_slice %arg2[%dma_wait3A_162, %dma_wait3A_163] : memref<10000x128xf32, #tpu.memory_space<hbm>> -> memref<10000x128xf32, #tpu.memory_space<hbm>>
      tpu.wait_indirect_dma semaphore(%arg9 : memref<!tpu.dma_semaphore, #tpu.memory_space<semaphore_mem>>) src(%dma_wait3A_164 : memref<10000x128xf32, #tpu.memory_space<hbm>>) dst(%arg6 : memref<128x128xf32, #tpu.memory_space<vmem>>)
      %run_scoped3A = arith.constant 1 : i32
      "tpu.region"() ({
        %run_scoped3A_177 = tpu.sem_alloc : memref<!tpu.dma_semaphore, #tpu.memory_space<semaphore_mem>>
        %dma_start3A_178 = arith.constant 0 : i32
        %dma_start3A_179 = tpu.memref_slice %arg5[%mul3A_153, %run_scoped3A, %dma_start3A_178] : memref<60x2x128xi32, #tpu.memory_space<vmem>> -> memref<1x1x128xi32, #tpu.memory_space<vmem>>
        %dma_start3A_180 = tpu.memref_squeeze %dma_start3A_179 : memref<1x1x128xi32, #tpu.memory_space<vmem>> -> memref<128xi32, #tpu.memory_space<vmem>>
        %dma_start3A_181 = arith.constant 0 : i32
        %dma_start3A_182 = arith.constant 0 : i32
        %dma_start3A_183 = tpu.memref_slice %arg8[%dma_start3A_181, %dma_start3A_182] : memref<10240x128xf32, #tpu.memory_space<vmem_shared>> -> memref<10240x128xf32, #tpu.memory_space<vmem_shared>>
        tpu.enqueue_indirect_dma source(%arg6 : memref<128x128xf32, #tpu.memory_space<vmem>>) target(%dma_start3A_183 : memref<10240x128xf32, #tpu.memory_space<vmem_shared>>) offsets(%dma_start3A_180 : memref<128xi32, #tpu.memory_space<vmem>>) semaphore(%run_scoped3A_177 : memref<!tpu.dma_semaphore, #tpu.memory_space<semaphore_mem>>) {add = true}
        %dma_wait3A_184 = arith.constant 0 : i32
        %dma_wait3A_185 = tpu.memref_slice %arg5[%mul3A_153, %run_scoped3A, %dma_wait3A_184] : memref<60x2x128xi32, #tpu.memory_space<vmem>> -> memref<1x1x128xi32, #tpu.memory_space<vmem>>
        %dma_wait3A_186 = tpu.memref_squeeze %dma_wait3A_185 : memref<1x1x128xi32, #tpu.memory_space<vmem>> -> memref<128xi32, #tpu.memory_space<vmem>>
        %dma_wait3A_187 = arith.constant 0 : i32
        %dma_wait3A_188 = arith.constant 0 : i32
        %dma_wait3A_189 = tpu.memref_slice %arg8[%dma_wait3A_187, %dma_wait3A_188] : memref<10240x128xf32, #tpu.memory_space<vmem_shared>> -> memref<10240x128xf32, #tpu.memory_space<vmem_shared>>
        tpu.wait_indirect_dma semaphore(%run_scoped3A_177 : memref<!tpu.dma_semaphore, #tpu.memory_space<semaphore_mem>>) src(%arg6 : memref<128x128xf32, #tpu.memory_space<vmem>>) dst(%dma_wait3A_189 : memref<10240x128xf32, #tpu.memory_space<vmem_shared>>)
        tpu.yield
      }) : () -> ()
      %add3A_165 = arith.constant 2 : i32
      %add3A_166 = arith.addi %mul3A_153, %add3A_165 : i32
      %lt3A_167 = arith.cmpi slt, %add3A_166, %while3A_92 : i32
      %convert_element_type3A_168 = arith.extui %lt3A_167 : i1 to i32
      %cond3A_169 = arith.constant 0 : i32
      %cond3A_170 = arith.cmpi ne, %convert_element_type3A_168, %cond3A_169 : i32
      scf.if %cond3A_170 {
        %add3A_177 = arith.constant 2 : i32
        %add3A_178 = arith.addi %mul3A_153, %add3A_177 : i32
        %dma_start3A_179 = arith.constant 0 : i32
        %dma_start3A_180 = arith.constant 0 : i32
        %dma_start3A_181 = tpu.memref_slice %arg5[%add3A_178, %dma_start3A_179, %dma_start3A_180] : memref<60x2x128xi32, #tpu.memory_space<vmem>> -> memref<1x1x128xi32, #tpu.memory_space<vmem>>
        %dma_start3A_182 = tpu.memref_squeeze %dma_start3A_181 : memref<1x1x128xi32, #tpu.memory_space<vmem>> -> memref<128xi32, #tpu.memory_space<vmem>>
        %dma_start3A_183 = arith.constant 0 : i32
        %dma_start3A_184 = arith.constant 0 : i32
        %dma_start3A_185 = tpu.memref_slice %arg2[%dma_start3A_183, %dma_start3A_184] : memref<10000x128xf32, #tpu.memory_space<hbm>> -> memref<10000x128xf32, #tpu.memory_space<hbm>>
        tpu.enqueue_indirect_dma source(%dma_start3A_185 : memref<10000x128xf32, #tpu.memory_space<hbm>>) target(%arg6 : memref<128x128xf32, #tpu.memory_space<vmem>>) offsets(%dma_start3A_182 : memref<128xi32, #tpu.memory_space<vmem>>) semaphore(%arg9 : memref<!tpu.dma_semaphore, #tpu.memory_space<semaphore_mem>>)
      } else {
      }
      %add3A_171 = arith.constant 1 : i32
      %add3A_172 = arith.addi %mul3A_153, %add3A_171 : i32
      %lt3A_173 = arith.cmpi slt, %add3A_172, %while3A_92 : i32
      %convert_element_type3A_174 = arith.extui %lt3A_173 : i1 to i32
      %cond3A_175 = arith.constant 0 : i32
      %cond3A_176 = arith.cmpi ne, %convert_element_type3A_174, %cond3A_175 : i32
      scf.if %cond3A_176 {
        %add3A_177 = arith.constant 1 : i32
        %add3A_178 = arith.addi %mul3A_153, %add3A_177 : i32
        %dma_wait3A_179 = arith.constant 0 : i32
        %dma_wait3A_180 = arith.constant 0 : i32
        %dma_wait3A_181 = tpu.memref_slice %arg5[%add3A_178, %dma_wait3A_179, %dma_wait3A_180] : memref<60x2x128xi32, #tpu.memory_space<vmem>> -> memref<1x1x128xi32, #tpu.memory_space<vmem>>
        %dma_wait3A_182 = tpu.memref_squeeze %dma_wait3A_181 : memref<1x1x128xi32, #tpu.memory_space<vmem>> -> memref<128xi32, #tpu.memory_space<vmem>>
        %dma_wait3A_183 = arith.constant 0 : i32
        %dma_wait3A_184 = arith.constant 0 : i32
        %dma_wait3A_185 = tpu.memref_slice %arg2[%dma_wait3A_183, %dma_wait3A_184] : memref<10000x128xf32, #tpu.memory_space<hbm>> -> memref<10000x128xf32, #tpu.memory_space<hbm>>
        tpu.wait_indirect_dma semaphore(%arg10 : memref<!tpu.dma_semaphore, #tpu.memory_space<semaphore_mem>>) src(%dma_wait3A_185 : memref<10000x128xf32, #tpu.memory_space<hbm>>) dst(%arg7 : memref<128x128xf32, #tpu.memory_space<vmem>>)
        %add3A_186 = arith.constant 1 : i32
        %add3A_187 = arith.addi %mul3A_153, %add3A_186 : i32
        %run_scoped3A_188 = arith.constant 1 : i32
        "tpu.region"() ({
          %run_scoped3A_189 = tpu.sem_alloc : memref<!tpu.dma_semaphore, #tpu.memory_space<semaphore_mem>>
          %dma_start3A_190 = arith.constant 0 : i32
          %dma_start3A_191 = tpu.memref_slice %arg5[%add3A_187, %run_scoped3A_188, %dma_start3A_190] : memref<60x2x128xi32, #tpu.memory_space<vmem>> -> memref<1x1x128xi32, #tpu.memory_space<vmem>>
          %dma_start3A_192 = tpu.memref_squeeze %dma_start3A_191 : memref<1x1x128xi32, #tpu.memory_space<vmem>> -> memref<128xi32, #tpu.memory_space<vmem>>
          %dma_start3A_193 = arith.constant 0 : i32
          %dma_start3A_194 = arith.constant 0 : i32
          %dma_start3A_195 = tpu.memref_slice %arg8[%dma_start3A_193, %dma_start3A_194] : memref<10240x128xf32, #tpu.memory_space<vmem_shared>> -> memref<10240x128xf32, #tpu.memory_space<vmem_shared>>
          tpu.enqueue_indirect_dma source(%arg7 : memref<128x128xf32, #tpu.memory_space<vmem>>) target(%dma_start3A_195 : memref<10240x128xf32, #tpu.memory_space<vmem_shared>>) offsets(%dma_start3A_192 : memref<128xi32, #tpu.memory_space<vmem>>) semaphore(%run_scoped3A_189 : memref<!tpu.dma_semaphore, #tpu.memory_space<semaphore_mem>>) {add = true}
          %dma_wait3A_196 = arith.constant 0 : i32
          %dma_wait3A_197 = tpu.memref_slice %arg5[%add3A_187, %run_scoped3A_188, %dma_wait3A_196] : memref<60x2x128xi32, #tpu.memory_space<vmem>> -> memref<1x1x128xi32, #tpu.memory_space<vmem>>
          %dma_wait3A_198 = tpu.memref_squeeze %dma_wait3A_197 : memref<1x1x128xi32, #tpu.memory_space<vmem>> -> memref<128xi32, #tpu.memory_space<vmem>>
          %dma_wait3A_199 = arith.constant 0 : i32
          %dma_wait3A_200 = arith.constant 0 : i32
          %dma_wait3A_201 = tpu.memref_slice %arg8[%dma_wait3A_199, %dma_wait3A_200] : memref<10240x128xf32, #tpu.memory_space<vmem_shared>> -> memref<10240x128xf32, #tpu.memory_space<vmem_shared>>
          tpu.wait_indirect_dma semaphore(%run_scoped3A_189 : memref<!tpu.dma_semaphore, #tpu.memory_space<semaphore_mem>>) src(%arg7 : memref<128x128xf32, #tpu.memory_space<vmem>>) dst(%dma_wait3A_201 : memref<10240x128xf32, #tpu.memory_space<vmem_shared>>)
          tpu.yield
        }) : () -> ()
      } else {
      }
    }
    %while3A_101 = arith.constant 1 : i32
    scf.for %while3A_151 = %while3A_99 to %while3A_95 step %while3A_101  : i32 {
      %mul3A_152 = arith.constant 2 : i32
      %mul3A_153 = arith.muli %mul3A_152, %while3A_151 : i32
      %add3A_154 = arith.constant 1 : i32
      %add3A_155 = arith.addi %mul3A_153, %add3A_154 : i32
      %lt3A = arith.cmpi slt, %add3A_155, %while3A_92 : i32
      %convert_element_type3A_156 = arith.extui %lt3A : i1 to i32
      %cond3A = arith.constant 0 : i32
      %cond3A_157 = arith.cmpi ne, %convert_element_type3A_156, %cond3A : i32
      scf.if %cond3A_157 {
        %add3A_177 = arith.constant 1 : i32
        %add3A_178 = arith.addi %mul3A_153, %add3A_177 : i32
        %dma_start3A_179 = arith.constant 0 : i32
        %dma_start3A_180 = arith.constant 0 : i32
        %dma_start3A_181 = tpu.memref_slice %arg5[%add3A_178, %dma_start3A_179, %dma_start3A_180] : memref<60x2x128xi32, #tpu.memory_space<vmem>> -> memref<1x1x128xi32, #tpu.memory_space<vmem>>
        %dma_start3A_182 = tpu.memref_squeeze %dma_start3A_181 : memref<1x1x128xi32, #tpu.memory_space<vmem>> -> memref<128xi32, #tpu.memory_space<vmem>>
        %dma_start3A_183 = arith.constant 0 : i32
        %dma_start3A_184 = arith.constant 0 : i32
        %dma_start3A_185 = tpu.memref_slice %arg2[%dma_start3A_183, %dma_start3A_184] : memref<10000x128xf32, #tpu.memory_space<hbm>> -> memref<10000x128xf32, #tpu.memory_space<hbm>>
        tpu.enqueue_indirect_dma source(%dma_start3A_185 : memref<10000x128xf32, #tpu.memory_space<hbm>>) target(%arg7 : memref<128x128xf32, #tpu.memory_space<vmem>>) offsets(%dma_start3A_182 : memref<128xi32, #tpu.memory_space<vmem>>) semaphore(%arg10 : memref<!tpu.dma_semaphore, #tpu.memory_space<semaphore_mem>>)
      } else {
      }
      %dma_wait3A_158 = arith.constant 0 : i32
      %dma_wait3A_159 = arith.constant 0 : i32
      %dma_wait3A_160 = tpu.memref_slice %arg5[%mul3A_153, %dma_wait3A_158, %dma_wait3A_159] : memref<60x2x128xi32, #tpu.memory_space<vmem>> -> memref<1x1x128xi32, #tpu.memory_space<vmem>>
      %dma_wait3A_161 = tpu.memref_squeeze %dma_wait3A_160 : memref<1x1x128xi32, #tpu.memory_space<vmem>> -> memref<128xi32, #tpu.memory_space<vmem>>
      %dma_wait3A_162 = arith.constant 0 : i32
      %dma_wait3A_163 = arith.constant 0 : i32
      %dma_wait3A_164 = tpu.memref_slice %arg2[%dma_wait3A_162, %dma_wait3A_163] : memref<10000x128xf32, #tpu.memory_space<hbm>> -> memref<10000x128xf32, #tpu.memory_space<hbm>>
      tpu.wait_indirect_dma semaphore(%arg9 : memref<!tpu.dma_semaphore, #tpu.memory_space<semaphore_mem>>) src(%dma_wait3A_164 : memref<10000x128xf32, #tpu.memory_space<hbm>>) dst(%arg6 : memref<128x128xf32, #tpu.memory_space<vmem>>)
      %run_scoped3A = arith.constant 1 : i32
      "tpu.region"() ({
        %run_scoped3A_177 = tpu.sem_alloc : memref<!tpu.dma_semaphore, #tpu.memory_space<semaphore_mem>>
        %dma_start3A_178 = arith.constant 0 : i32
        %dma_start3A_179 = tpu.memref_slice %arg5[%mul3A_153, %run_scoped3A, %dma_start3A_178] : memref<60x2x128xi32, #tpu.memory_space<vmem>> -> memref<1x1x128xi32, #tpu.memory_space<vmem>>
        %dma_start3A_180 = tpu.memref_squeeze %dma_start3A_179 : memref<1x1x128xi32, #tpu.memory_space<vmem>> -> memref<128xi32, #tpu.memory_space<vmem>>
        %dma_start3A_181 = arith.constant 0 : i32
        %dma_start3A_182 = arith.constant 0 : i32
        %dma_start3A_183 = tpu.memref_slice %arg8[%dma_start3A_181, %dma_start3A_182] : memref<10240x128xf32, #tpu.memory_space<vmem_shared>> -> memref<10240x128xf32, #tpu.memory_space<vmem_shared>>
        tpu.enqueue_indirect_dma source(%arg6 : memref<128x128xf32, #tpu.memory_space<vmem>>) target(%dma_start3A_183 : memref<10240x128xf32, #tpu.memory_space<vmem_shared>>) offsets(%dma_start3A_180 : memref<128xi32, #tpu.memory_space<vmem>>) semaphore(%run_scoped3A_177 : memref<!tpu.dma_semaphore, #tpu.memory_space<semaphore_mem>>) {add = true}
        %dma_wait3A_184 = arith.constant 0 : i32
        %dma_wait3A_185 = tpu.memref_slice %arg5[%mul3A_153, %run_scoped3A, %dma_wait3A_184] : memref<60x2x128xi32, #tpu.memory_space<vmem>> -> memref<1x1x128xi32, #tpu.memory_space<vmem>>
        %dma_wait3A_186 = tpu.memref_squeeze %dma_wait3A_185 : memref<1x1x128xi32, #tpu.memory_space<vmem>> -> memref<128xi32, #tpu.memory_space<vmem>>
        %dma_wait3A_187 = arith.constant 0 : i32
        %dma_wait3A_188 = arith.constant 0 : i32
        %dma_wait3A_189 = tpu.memref_slice %arg8[%dma_wait3A_187, %dma_wait3A_188] : memref<10240x128xf32, #tpu.memory_space<vmem_shared>> -> memref<10240x128xf32, #tpu.memory_space<vmem_shared>>
        tpu.wait_indirect_dma semaphore(%run_scoped3A_177 : memref<!tpu.dma_semaphore, #tpu.memory_space<semaphore_mem>>) src(%arg6 : memref<128x128xf32, #tpu.memory_space<vmem>>) dst(%dma_wait3A_189 : memref<10240x128xf32, #tpu.memory_space<vmem_shared>>)
        tpu.yield
      }) : () -> ()
      %add3A_165 = arith.constant 2 : i32
      %add3A_166 = arith.addi %mul3A_153, %add3A_165 : i32
      %lt3A_167 = arith.cmpi slt, %add3A_166, %while3A_92 : i32
      %convert_element_type3A_168 = arith.extui %lt3A_167 : i1 to i32
      %cond3A_169 = arith.constant 0 : i32
      %cond3A_170 = arith.cmpi ne, %convert_element_type3A_168, %cond3A_169 : i32
      scf.if %cond3A_170 {
        %add3A_177 = arith.constant 2 : i32
        %add3A_178 = arith.addi %mul3A_153, %add3A_177 : i32
        %dma_start3A_179 = arith.constant 0 : i32
        %dma_start3A_180 = arith.constant 0 : i32
        %dma_start3A_181 = tpu.memref_slice %arg5[%add3A_178, %dma_start3A_179, %dma_start3A_180] : memref<60x2x128xi32, #tpu.memory_space<vmem>> -> memref<1x1x128xi32, #tpu.memory_space<vmem>>
        %dma_start3A_182 = tpu.memref_squeeze %dma_start3A_181 : memref<1x1x128xi32, #tpu.memory_space<vmem>> -> memref<128xi32, #tpu.memory_space<vmem>>
        %dma_start3A_183 = arith.constant 0 : i32
        %dma_start3A_184 = arith.constant 0 : i32
        %dma_start3A_185 = tpu.memref_slice %arg2[%dma_start3A_183, %dma_start3A_184] : memref<10000x128xf32, #tpu.memory_space<hbm>> -> memref<10000x128xf32, #tpu.memory_space<hbm>>
        tpu.enqueue_indirect_dma source(%dma_start3A_185 : memref<10000x128xf32, #tpu.memory_space<hbm>>) target(%arg6 : memref<128x128xf32, #tpu.memory_space<vmem>>) offsets(%dma_start3A_182 : memref<128xi32, #tpu.memory_space<vmem>>) semaphore(%arg9 : memref<!tpu.dma_semaphore, #tpu.memory_space<semaphore_mem>>)
      } else {
      }
      %add3A_171 = arith.constant 1 : i32
      %add3A_172 = arith.addi %mul3A_153, %add3A_171 : i32
      %lt3A_173 = arith.cmpi slt, %add3A_172, %while3A_92 : i32
      %convert_element_type3A_174 = arith.extui %lt3A_173 : i1 to i32
      %cond3A_175 = arith.constant 0 : i32
      %cond3A_176 = arith.cmpi ne, %convert_element_type3A_174, %cond3A_175 : i32
      scf.if %cond3A_176 {
        %add3A_177 = arith.constant 1 : i32
        %add3A_178 = arith.addi %mul3A_153, %add3A_177 : i32
        %dma_wait3A_179 = arith.constant 0 : i32
        %dma_wait3A_180 = arith.constant 0 : i32
        %dma_wait3A_181 = tpu.memref_slice %arg5[%add3A_178, %dma_wait3A_179, %dma_wait3A_180] : memref<60x2x128xi32, #tpu.memory_space<vmem>> -> memref<1x1x128xi32, #tpu.memory_space<vmem>>
        %dma_wait3A_182 = tpu.memref_squeeze %dma_wait3A_181 : memref<1x1x128xi32, #tpu.memory_space<vmem>> -> memref<128xi32, #tpu.memory_space<vmem>>
        %dma_wait3A_183 = arith.constant 0 : i32
        %dma_wait3A_184 = arith.constant 0 : i32
        %dma_wait3A_185 = tpu.memref_slice %arg2[%dma_wait3A_183, %dma_wait3A_184] : memref<10000x128xf32, #tpu.memory_space<hbm>> -> memref<10000x128xf32, #tpu.memory_space<hbm>>
        tpu.wait_indirect_dma semaphore(%arg10 : memref<!tpu.dma_semaphore, #tpu.memory_space<semaphore_mem>>) src(%dma_wait3A_185 : memref<10000x128xf32, #tpu.memory_space<hbm>>) dst(%arg7 : memref<128x128xf32, #tpu.memory_space<vmem>>)
        %add3A_186 = arith.constant 1 : i32
        %add3A_187 = arith.addi %mul3A_153, %add3A_186 : i32
        %run_scoped3A_188 = arith.constant 1 : i32
        "tpu.region"() ({
          %run_scoped3A_189 = tpu.sem_alloc : memref<!tpu.dma_semaphore, #tpu.memory_space<semaphore_mem>>
          %dma_start3A_190 = arith.constant 0 : i32
          %dma_start3A_191 = tpu.memref_slice %arg5[%add3A_187, %run_scoped3A_188, %dma_start3A_190] : memref<60x2x128xi32, #tpu.memory_space<vmem>> -> memref<1x1x128xi32, #tpu.memory_space<vmem>>
          %dma_start3A_192 = tpu.memref_squeeze %dma_start3A_191 : memref<1x1x128xi32, #tpu.memory_space<vmem>> -> memref<128xi32, #tpu.memory_space<vmem>>
          %dma_start3A_193 = arith.constant 0 : i32
          %dma_start3A_194 = arith.constant 0 : i32
          %dma_start3A_195 = tpu.memref_slice %arg8[%dma_start3A_193, %dma_start3A_194] : memref<10240x128xf32, #tpu.memory_space<vmem_shared>> -> memref<10240x128xf32, #tpu.memory_space<vmem_shared>>
          tpu.enqueue_indirect_dma source(%arg7 : memref<128x128xf32, #tpu.memory_space<vmem>>) target(%dma_start3A_195 : memref<10240x128xf32, #tpu.memory_space<vmem_shared>>) offsets(%dma_start3A_192 : memref<128xi32, #tpu.memory_space<vmem>>) semaphore(%run_scoped3A_189 : memref<!tpu.dma_semaphore, #tpu.memory_space<semaphore_mem>>) {add = true}
          %dma_wait3A_196 = arith.constant 0 : i32
          %dma_wait3A_197 = tpu.memref_slice %arg5[%add3A_187, %run_scoped3A_188, %dma_wait3A_196] : memref<60x2x128xi32, #tpu.memory_space<vmem>> -> memref<1x1x128xi32, #tpu.memory_space<vmem>>
          %dma_wait3A_198 = tpu.memref_squeeze %dma_wait3A_197 : memref<1x1x128xi32, #tpu.memory_space<vmem>> -> memref<128xi32, #tpu.memory_space<vmem>>
          %dma_wait3A_199 = arith.constant 0 : i32
          %dma_wait3A_200 = arith.constant 0 : i32
          %dma_wait3A_201 = tpu.memref_slice %arg8[%dma_wait3A_199, %dma_wait3A_200] : memref<10240x128xf32, #tpu.memory_space<vmem_shared>> -> memref<10240x128xf32, #tpu.memory_space<vmem_shared>>
          tpu.wait_indirect_dma semaphore(%run_scoped3A_189 : memref<!tpu.dma_semaphore, #tpu.memory_space<semaphore_mem>>) src(%arg7 : memref<128x128xf32, #tpu.memory_space<vmem>>) dst(%dma_wait3A_201 : memref<10240x128xf32, #tpu.memory_space<vmem_shared>>)
          tpu.yield
        }) : () -> ()
      } else {
      }
    }
    %add3A_102 = arith.constant 60 : i32
    %add3A_103 = arith.addi %add3A_5, %add3A_102 : i32
    %sub3A_104 = arith.constant 60 : i32
    %sub3A_105 = arith.subi %add3A_8, %sub3A_104 : i32
    "tpu.region"() ({
      %run_scoped3A = tpu.sem_alloc : memref<!tpu.dma_semaphore, #tpu.memory_space<semaphore_mem>>
      %dma_start3A_151 = arith.constant 0 : i32
      %dma_start3A_152 = arith.constant 0 : i32
      %dma_start3A_153 = tpu.memref_slice %arg3[%add3A_103, %dma_start3A_151, %dma_start3A_152] : memref<2548x2x128xi32, #tpu.memory_space<hbm>> -> memref<60x2x128xi32, #tpu.memory_space<hbm>>
      %dma_start3A_154 = arith.constant 0 : i32
      %dma_start3A_155 = arith.constant 0 : i32
      %dma_start3A_156 = tpu.memref_slice %arg3[%add3A_103, %dma_start3A_154, %dma_start3A_155] : memref<2548x2x128xi32, #tpu.memory_space<hbm>> -> memref<60x2x128xi32, #tpu.memory_space<hbm>>
      tpu.enqueue_dma source(%dma_start3A_156 : memref<60x2x128xi32, #tpu.memory_space<hbm>>) target(%arg5 : memref<60x2x128xi32, #tpu.memory_space<vmem>>) target_semaphore(%run_scoped3A : memref<!tpu.dma_semaphore, #tpu.memory_space<semaphore_mem>>)
      %dma_wait3A_157 = arith.constant 0 : i32
      %dma_wait3A_158 = arith.constant 0 : i32
      %dma_wait3A_159 = tpu.memref_slice %arg3[%add3A_103, %dma_wait3A_157, %dma_wait3A_158] : memref<2548x2x128xi32, #tpu.memory_space<hbm>> -> memref<60x2x128xi32, #tpu.memory_space<hbm>>
      %dma_wait3A_160 = arith.constant 0 : i32
      %dma_wait3A_161 = arith.constant 0 : i32
      %dma_wait3A_162 = tpu.memref_slice %arg3[%add3A_103, %dma_wait3A_160, %dma_wait3A_161] : memref<2548x2x128xi32, #tpu.memory_space<hbm>> -> memref<60x2x128xi32, #tpu.memory_space<hbm>>
      tpu.wait_dma2 semaphore(%run_scoped3A : memref<!tpu.dma_semaphore, #tpu.memory_space<semaphore_mem>>) src(%dma_wait3A_162 : memref<60x2x128xi32, #tpu.memory_space<hbm>>) dst(%arg5 : memref<60x2x128xi32, #tpu.memory_space<vmem>>)
      tpu.yield
    }) : () -> ()
    %dma_start3A_106 = arith.constant 0 : i32
    %dma_start3A_107 = arith.constant 0 : i32
    %dma_start3A_108 = arith.constant 0 : i32
    %dma_start3A_109 = tpu.memref_slice %arg5[%dma_start3A_106, %dma_start3A_107, %dma_start3A_108] : memref<60x2x128xi32, #tpu.memory_space<vmem>> -> memref<1x1x128xi32, #tpu.memory_space<vmem>>
    %dma_start3A_110 = tpu.memref_squeeze %dma_start3A_109 : memref<1x1x128xi32, #tpu.memory_space<vmem>> -> memref<128xi32, #tpu.memory_space<vmem>>
    %dma_start3A_111 = arith.constant 0 : i32
    %dma_start3A_112 = arith.constant 0 : i32
    %dma_start3A_113 = tpu.memref_slice %arg2[%dma_start3A_111, %dma_start3A_112] : memref<10000x128xf32, #tpu.memory_space<hbm>> -> memref<10000x128xf32, #tpu.memory_space<hbm>>
    tpu.enqueue_indirect_dma source(%dma_start3A_113 : memref<10000x128xf32, #tpu.memory_space<hbm>>) target(%arg6 : memref<128x128xf32, #tpu.memory_space<vmem>>) offsets(%dma_start3A_110 : memref<128xi32, #tpu.memory_space<vmem>>) semaphore(%arg9 : memref<!tpu.dma_semaphore, #tpu.memory_space<semaphore_mem>>)
    %add3A_114 = arith.constant 1 : i32
    %add3A_115 = arith.addi %sub3A_105, %add3A_114 : i32
    %jit3A_116 = arith.constant 2 : i32
    %div3A_117 = arith.divsi %add3A_115, %jit3A_116 : i32
    %sign3A_118 = arith.constant 0 : i32
    %sign3A_119 = arith.cmpi sgt, %add3A_115, %sign3A_118 : i32
    %sign3A_120 = arith.extui %sign3A_119 : i1 to i32
    %sign3A_121 = arith.constant 0 : i32
    %sign3A_122 = arith.cmpi slt, %add3A_115, %sign3A_121 : i32
    %sign3A_123 = arith.extui %sign3A_122 : i1 to i32
    %sign3A_124 = arith.subi %sign3A_120, %sign3A_123 : i32
    %sign3A_125 = arith.constant 0 : i32
    %sign3A_126 = arith.cmpi sgt, %jit3A_116, %sign3A_125 : i32
    %sign3A_127 = arith.extui %sign3A_126 : i1 to i32
    %sign3A_128 = arith.constant 0 : i32
    %sign3A_129 = arith.cmpi slt, %jit3A_116, %sign3A_128 : i32
    %sign3A_130 = arith.extui %sign3A_129 : i1 to i32
    %sign3A_131 = arith.subi %sign3A_127, %sign3A_130 : i32
    %ne3A_132 = arith.cmpi ne, %sign3A_124, %sign3A_131 : i32
    %rem3A_133 = arith.remsi %add3A_115, %jit3A_116 : i32
    %ne3A_134 = arith.constant 0 : i32
    %ne3A_135 = arith.cmpi ne, %rem3A_133, %ne3A_134 : i32
    %and3A_136 = arith.andi %ne3A_132, %ne3A_135 : i1
    %sub3A_137 = arith.constant 1 : i32
    %sub3A_138 = arith.subi %div3A_117, %sub3A_137 : i32
    %select_n3A_139 = arith.select %and3A_136, %sub3A_138, %div3A_117 : i32
    %while3A_140 = arith.constant 0 : i32
    %while3A_141 = arith.constant 0 : i32
    %while3A_142 = arith.subi %select_n3A_139, %while3A_141 : i32
    %while3A_143 = arith.addi %while3A_141, %while3A_142 : i32
    %while3A_144 = arith.constant 1 : i32
    %while3A_145 = arith.divsi %while3A_142, %while3A_144 : i32
    %while3A_146 = arith.muli %while3A_145, %while3A_144 : i32
    %while3A_147 = arith.addi %while3A_141, %while3A_146 : i32
    %while3A_148 = arith.constant 1 : i32
    scf.for %while3A_151 = %while3A_141 to %while3A_147 step %while3A_148  : i32 {
      %mul3A_152 = arith.constant 2 : i32
      %mul3A_153 = arith.muli %mul3A_152, %while3A_151 : i32
      %add3A_154 = arith.constant 1 : i32
      %add3A_155 = arith.addi %mul3A_153, %add3A_154 : i32
      %lt3A = arith.cmpi slt, %add3A_155, %sub3A_105 : i32
      %convert_element_type3A_156 = arith.extui %lt3A : i1 to i32
      %cond3A = arith.constant 0 : i32
      %cond3A_157 = arith.cmpi ne, %convert_element_type3A_156, %cond3A : i32
      scf.if %cond3A_157 {
        %add3A_177 = arith.constant 1 : i32
        %add3A_178 = arith.addi %mul3A_153, %add3A_177 : i32
        %dma_start3A_179 = arith.constant 0 : i32
        %dma_start3A_180 = arith.constant 0 : i32
        %dma_start3A_181 = tpu.memref_slice %arg5[%add3A_178, %dma_start3A_179, %dma_start3A_180] : memref<60x2x128xi32, #tpu.memory_space<vmem>> -> memref<1x1x128xi32, #tpu.memory_space<vmem>>
        %dma_start3A_182 = tpu.memref_squeeze %dma_start3A_181 : memref<1x1x128xi32, #tpu.memory_space<vmem>> -> memref<128xi32, #tpu.memory_space<vmem>>
        %dma_start3A_183 = arith.constant 0 : i32
        %dma_start3A_184 = arith.constant 0 : i32
        %dma_start3A_185 = tpu.memref_slice %arg2[%dma_start3A_183, %dma_start3A_184] : memref<10000x128xf32, #tpu.memory_space<hbm>> -> memref<10000x128xf32, #tpu.memory_space<hbm>>
        tpu.enqueue_indirect_dma source(%dma_start3A_185 : memref<10000x128xf32, #tpu.memory_space<hbm>>) target(%arg7 : memref<128x128xf32, #tpu.memory_space<vmem>>) offsets(%dma_start3A_182 : memref<128xi32, #tpu.memory_space<vmem>>) semaphore(%arg10 : memref<!tpu.dma_semaphore, #tpu.memory_space<semaphore_mem>>)
      } else {
      }
      %dma_wait3A_158 = arith.constant 0 : i32
      %dma_wait3A_159 = arith.constant 0 : i32
      %dma_wait3A_160 = tpu.memref_slice %arg5[%mul3A_153, %dma_wait3A_158, %dma_wait3A_159] : memref<60x2x128xi32, #tpu.memory_space<vmem>> -> memref<1x1x128xi32, #tpu.memory_space<vmem>>
      %dma_wait3A_161 = tpu.memref_squeeze %dma_wait3A_160 : memref<1x1x128xi32, #tpu.memory_space<vmem>> -> memref<128xi32, #tpu.memory_space<vmem>>
      %dma_wait3A_162 = arith.constant 0 : i32
      %dma_wait3A_163 = arith.constant 0 : i32
      %dma_wait3A_164 = tpu.memref_slice %arg2[%dma_wait3A_162, %dma_wait3A_163] : memref<10000x128xf32, #tpu.memory_space<hbm>> -> memref<10000x128xf32, #tpu.memory_space<hbm>>
      tpu.wait_indirect_dma semaphore(%arg9 : memref<!tpu.dma_semaphore, #tpu.memory_space<semaphore_mem>>) src(%dma_wait3A_164 : memref<10000x128xf32, #tpu.memory_space<hbm>>) dst(%arg6 : memref<128x128xf32, #tpu.memory_space<vmem>>)
      %run_scoped3A = arith.constant 1 : i32
      "tpu.region"() ({
        %run_scoped3A_177 = tpu.sem_alloc : memref<!tpu.dma_semaphore, #tpu.memory_space<semaphore_mem>>
        %dma_start3A_178 = arith.constant 0 : i32
        %dma_start3A_179 = tpu.memref_slice %arg5[%mul3A_153, %run_scoped3A, %dma_start3A_178] : memref<60x2x128xi32, #tpu.memory_space<vmem>> -> memref<1x1x128xi32, #tpu.memory_space<vmem>>
        %dma_start3A_180 = tpu.memref_squeeze %dma_start3A_179 : memref<1x1x128xi32, #tpu.memory_space<vmem>> -> memref<128xi32, #tpu.memory_space<vmem>>
        %dma_start3A_181 = arith.constant 0 : i32
        %dma_start3A_182 = arith.constant 0 : i32
        %dma_start3A_183 = tpu.memref_slice %arg8[%dma_start3A_181, %dma_start3A_182] : memref<10240x128xf32, #tpu.memory_space<vmem_shared>> -> memref<10240x128xf32, #tpu.memory_space<vmem_shared>>
        tpu.enqueue_indirect_dma source(%arg6 : memref<128x128xf32, #tpu.memory_space<vmem>>) target(%dma_start3A_183 : memref<10240x128xf32, #tpu.memory_space<vmem_shared>>) offsets(%dma_start3A_180 : memref<128xi32, #tpu.memory_space<vmem>>) semaphore(%run_scoped3A_177 : memref<!tpu.dma_semaphore, #tpu.memory_space<semaphore_mem>>) {add = true}
        %dma_wait3A_184 = arith.constant 0 : i32
        %dma_wait3A_185 = tpu.memref_slice %arg5[%mul3A_153, %run_scoped3A, %dma_wait3A_184] : memref<60x2x128xi32, #tpu.memory_space<vmem>> -> memref<1x1x128xi32, #tpu.memory_space<vmem>>
        %dma_wait3A_186 = tpu.memref_squeeze %dma_wait3A_185 : memref<1x1x128xi32, #tpu.memory_space<vmem>> -> memref<128xi32, #tpu.memory_space<vmem>>
        %dma_wait3A_187 = arith.constant 0 : i32
        %dma_wait3A_188 = arith.constant 0 : i32
        %dma_wait3A_189 = tpu.memref_slice %arg8[%dma_wait3A_187, %dma_wait3A_188] : memref<10240x128xf32, #tpu.memory_space<vmem_shared>> -> memref<10240x128xf32, #tpu.memory_space<vmem_shared>>
        tpu.wait_indirect_dma semaphore(%run_scoped3A_177 : memref<!tpu.dma_semaphore, #tpu.memory_space<semaphore_mem>>) src(%arg6 : memref<128x128xf32, #tpu.memory_space<vmem>>) dst(%dma_wait3A_189 : memref<10240x128xf32, #tpu.memory_space<vmem_shared>>)
        tpu.yield
      }) : () -> ()
      %add3A_165 = arith.constant 2 : i32
      %add3A_166 = arith.addi %mul3A_153, %add3A_165 : i32
      %lt3A_167 = arith.cmpi slt, %add3A_166, %sub3A_105 : i32
      %convert_element_type3A_168 = arith.extui %lt3A_167 : i1 to i32
      %cond3A_169 = arith.constant 0 : i32
      %cond3A_170 = arith.cmpi ne, %convert_element_type3A_168, %cond3A_169 : i32
      scf.if %cond3A_170 {
        %add3A_177 = arith.constant 2 : i32
        %add3A_178 = arith.addi %mul3A_153, %add3A_177 : i32
        %dma_start3A_179 = arith.constant 0 : i32
        %dma_start3A_180 = arith.constant 0 : i32
        %dma_start3A_181 = tpu.memref_slice %arg5[%add3A_178, %dma_start3A_179, %dma_start3A_180] : memref<60x2x128xi32, #tpu.memory_space<vmem>> -> memref<1x1x128xi32, #tpu.memory_space<vmem>>
        %dma_start3A_182 = tpu.memref_squeeze %dma_start3A_181 : memref<1x1x128xi32, #tpu.memory_space<vmem>> -> memref<128xi32, #tpu.memory_space<vmem>>
        %dma_start3A_183 = arith.constant 0 : i32
        %dma_start3A_184 = arith.constant 0 : i32
        %dma_start3A_185 = tpu.memref_slice %arg2[%dma_start3A_183, %dma_start3A_184] : memref<10000x128xf32, #tpu.memory_space<hbm>> -> memref<10000x128xf32, #tpu.memory_space<hbm>>
        tpu.enqueue_indirect_dma source(%dma_start3A_185 : memref<10000x128xf32, #tpu.memory_space<hbm>>) target(%arg6 : memref<128x128xf32, #tpu.memory_space<vmem>>) offsets(%dma_start3A_182 : memref<128xi32, #tpu.memory_space<vmem>>) semaphore(%arg9 : memref<!tpu.dma_semaphore, #tpu.memory_space<semaphore_mem>>)
      } else {
      }
      %add3A_171 = arith.constant 1 : i32
      %add3A_172 = arith.addi %mul3A_153, %add3A_171 : i32
      %lt3A_173 = arith.cmpi slt, %add3A_172, %sub3A_105 : i32
      %convert_element_type3A_174 = arith.extui %lt3A_173 : i1 to i32
      %cond3A_175 = arith.constant 0 : i32
      %cond3A_176 = arith.cmpi ne, %convert_element_type3A_174, %cond3A_175 : i32
      scf.if %cond3A_176 {
        %add3A_177 = arith.constant 1 : i32
        %add3A_178 = arith.addi %mul3A_153, %add3A_177 : i32
        %dma_wait3A_179 = arith.constant 0 : i32
        %dma_wait3A_180 = arith.constant 0 : i32
        %dma_wait3A_181 = tpu.memref_slice %arg5[%add3A_178, %dma_wait3A_179, %dma_wait3A_180] : memref<60x2x128xi32, #tpu.memory_space<vmem>> -> memref<1x1x128xi32, #tpu.memory_space<vmem>>
        %dma_wait3A_182 = tpu.memref_squeeze %dma_wait3A_181 : memref<1x1x128xi32, #tpu.memory_space<vmem>> -> memref<128xi32, #tpu.memory_space<vmem>>
        %dma_wait3A_183 = arith.constant 0 : i32
        %dma_wait3A_184 = arith.constant 0 : i32
        %dma_wait3A_185 = tpu.memref_slice %arg2[%dma_wait3A_183, %dma_wait3A_184] : memref<10000x128xf32, #tpu.memory_space<hbm>> -> memref<10000x128xf32, #tpu.memory_space<hbm>>
        tpu.wait_indirect_dma semaphore(%arg10 : memref<!tpu.dma_semaphore, #tpu.memory_space<semaphore_mem>>) src(%dma_wait3A_185 : memref<10000x128xf32, #tpu.memory_space<hbm>>) dst(%arg7 : memref<128x128xf32, #tpu.memory_space<vmem>>)
        %add3A_186 = arith.constant 1 : i32
        %add3A_187 = arith.addi %mul3A_153, %add3A_186 : i32
        %run_scoped3A_188 = arith.constant 1 : i32
        "tpu.region"() ({
          %run_scoped3A_189 = tpu.sem_alloc : memref<!tpu.dma_semaphore, #tpu.memory_space<semaphore_mem>>
          %dma_start3A_190 = arith.constant 0 : i32
          %dma_start3A_191 = tpu.memref_slice %arg5[%add3A_187, %run_scoped3A_188, %dma_start3A_190] : memref<60x2x128xi32, #tpu.memory_space<vmem>> -> memref<1x1x128xi32, #tpu.memory_space<vmem>>
          %dma_start3A_192 = tpu.memref_squeeze %dma_start3A_191 : memref<1x1x128xi32, #tpu.memory_space<vmem>> -> memref<128xi32, #tpu.memory_space<vmem>>
          %dma_start3A_193 = arith.constant 0 : i32
          %dma_start3A_194 = arith.constant 0 : i32
          %dma_start3A_195 = tpu.memref_slice %arg8[%dma_start3A_193, %dma_start3A_194] : memref<10240x128xf32, #tpu.memory_space<vmem_shared>> -> memref<10240x128xf32, #tpu.memory_space<vmem_shared>>
          tpu.enqueue_indirect_dma source(%arg7 : memref<128x128xf32, #tpu.memory_space<vmem>>) target(%dma_start3A_195 : memref<10240x128xf32, #tpu.memory_space<vmem_shared>>) offsets(%dma_start3A_192 : memref<128xi32, #tpu.memory_space<vmem>>) semaphore(%run_scoped3A_189 : memref<!tpu.dma_semaphore, #tpu.memory_space<semaphore_mem>>) {add = true}
          %dma_wait3A_196 = arith.constant 0 : i32
          %dma_wait3A_197 = tpu.memref_slice %arg5[%add3A_187, %run_scoped3A_188, %dma_wait3A_196] : memref<60x2x128xi32, #tpu.memory_space<vmem>> -> memref<1x1x128xi32, #tpu.memory_space<vmem>>
          %dma_wait3A_198 = tpu.memref_squeeze %dma_wait3A_197 : memref<1x1x128xi32, #tpu.memory_space<vmem>> -> memref<128xi32, #tpu.memory_space<vmem>>
          %dma_wait3A_199 = arith.constant 0 : i32
          %dma_wait3A_200 = arith.constant 0 : i32
          %dma_wait3A_201 = tpu.memref_slice %arg8[%dma_wait3A_199, %dma_wait3A_200] : memref<10240x128xf32, #tpu.memory_space<vmem_shared>> -> memref<10240x128xf32, #tpu.memory_space<vmem_shared>>
          tpu.wait_indirect_dma semaphore(%run_scoped3A_189 : memref<!tpu.dma_semaphore, #tpu.memory_space<semaphore_mem>>) src(%arg7 : memref<128x128xf32, #tpu.memory_space<vmem>>) dst(%dma_wait3A_201 : memref<10240x128xf32, #tpu.memory_space<vmem_shared>>)
          tpu.yield
        }) : () -> ()
      } else {
      }
    }
    %while3A_149 = arith.constant 1 : i32
    scf.for %while3A_151 = %while3A_147 to %while3A_143 step %while3A_149  : i32 {
      %mul3A_152 = arith.constant 2 : i32
      %mul3A_153 = arith.muli %mul3A_152, %while3A_151 : i32
      %add3A_154 = arith.constant 1 : i32
      %add3A_155 = arith.addi %mul3A_153, %add3A_154 : i32
      %lt3A = arith.cmpi slt, %add3A_155, %sub3A_105 : i32
      %convert_element_type3A_156 = arith.extui %lt3A : i1 to i32
      %cond3A = arith.constant 0 : i32
      %cond3A_157 = arith.cmpi ne, %convert_element_type3A_156, %cond3A : i32
      scf.if %cond3A_157 {
        %add3A_177 = arith.constant 1 : i32
        %add3A_178 = arith.addi %mul3A_153, %add3A_177 : i32
        %dma_start3A_179 = arith.constant 0 : i32
        %dma_start3A_180 = arith.constant 0 : i32
        %dma_start3A_181 = tpu.memref_slice %arg5[%add3A_178, %dma_start3A_179, %dma_start3A_180] : memref<60x2x128xi32, #tpu.memory_space<vmem>> -> memref<1x1x128xi32, #tpu.memory_space<vmem>>
        %dma_start3A_182 = tpu.memref_squeeze %dma_start3A_181 : memref<1x1x128xi32, #tpu.memory_space<vmem>> -> memref<128xi32, #tpu.memory_space<vmem>>
        %dma_start3A_183 = arith.constant 0 : i32
        %dma_start3A_184 = arith.constant 0 : i32
        %dma_start3A_185 = tpu.memref_slice %arg2[%dma_start3A_183, %dma_start3A_184] : memref<10000x128xf32, #tpu.memory_space<hbm>> -> memref<10000x128xf32, #tpu.memory_space<hbm>>
        tpu.enqueue_indirect_dma source(%dma_start3A_185 : memref<10000x128xf32, #tpu.memory_space<hbm>>) target(%arg7 : memref<128x128xf32, #tpu.memory_space<vmem>>) offsets(%dma_start3A_182 : memref<128xi32, #tpu.memory_space<vmem>>) semaphore(%arg10 : memref<!tpu.dma_semaphore, #tpu.memory_space<semaphore_mem>>)
      } else {
      }
      %dma_wait3A_158 = arith.constant 0 : i32
      %dma_wait3A_159 = arith.constant 0 : i32
      %dma_wait3A_160 = tpu.memref_slice %arg5[%mul3A_153, %dma_wait3A_158, %dma_wait3A_159] : memref<60x2x128xi32, #tpu.memory_space<vmem>> -> memref<1x1x128xi32, #tpu.memory_space<vmem>>
      %dma_wait3A_161 = tpu.memref_squeeze %dma_wait3A_160 : memref<1x1x128xi32, #tpu.memory_space<vmem>> -> memref<128xi32, #tpu.memory_space<vmem>>
      %dma_wait3A_162 = arith.constant 0 : i32
      %dma_wait3A_163 = arith.constant 0 : i32
      %dma_wait3A_164 = tpu.memref_slice %arg2[%dma_wait3A_162, %dma_wait3A_163] : memref<10000x128xf32, #tpu.memory_space<hbm>> -> memref<10000x128xf32, #tpu.memory_space<hbm>>
      tpu.wait_indirect_dma semaphore(%arg9 : memref<!tpu.dma_semaphore, #tpu.memory_space<semaphore_mem>>) src(%dma_wait3A_164 : memref<10000x128xf32, #tpu.memory_space<hbm>>) dst(%arg6 : memref<128x128xf32, #tpu.memory_space<vmem>>)
      %run_scoped3A = arith.constant 1 : i32
      "tpu.region"() ({
        %run_scoped3A_177 = tpu.sem_alloc : memref<!tpu.dma_semaphore, #tpu.memory_space<semaphore_mem>>
        %dma_start3A_178 = arith.constant 0 : i32
        %dma_start3A_179 = tpu.memref_slice %arg5[%mul3A_153, %run_scoped3A, %dma_start3A_178] : memref<60x2x128xi32, #tpu.memory_space<vmem>> -> memref<1x1x128xi32, #tpu.memory_space<vmem>>
        %dma_start3A_180 = tpu.memref_squeeze %dma_start3A_179 : memref<1x1x128xi32, #tpu.memory_space<vmem>> -> memref<128xi32, #tpu.memory_space<vmem>>
        %dma_start3A_181 = arith.constant 0 : i32
        %dma_start3A_182 = arith.constant 0 : i32
        %dma_start3A_183 = tpu.memref_slice %arg8[%dma_start3A_181, %dma_start3A_182] : memref<10240x128xf32, #tpu.memory_space<vmem_shared>> -> memref<10240x128xf32, #tpu.memory_space<vmem_shared>>
        tpu.enqueue_indirect_dma source(%arg6 : memref<128x128xf32, #tpu.memory_space<vmem>>) target(%dma_start3A_183 : memref<10240x128xf32, #tpu.memory_space<vmem_shared>>) offsets(%dma_start3A_180 : memref<128xi32, #tpu.memory_space<vmem>>) semaphore(%run_scoped3A_177 : memref<!tpu.dma_semaphore, #tpu.memory_space<semaphore_mem>>) {add = true}
        %dma_wait3A_184 = arith.constant 0 : i32
        %dma_wait3A_185 = tpu.memref_slice %arg5[%mul3A_153, %run_scoped3A, %dma_wait3A_184] : memref<60x2x128xi32, #tpu.memory_space<vmem>> -> memref<1x1x128xi32, #tpu.memory_space<vmem>>
        %dma_wait3A_186 = tpu.memref_squeeze %dma_wait3A_185 : memref<1x1x128xi32, #tpu.memory_space<vmem>> -> memref<128xi32, #tpu.memory_space<vmem>>
        %dma_wait3A_187 = arith.constant 0 : i32
        %dma_wait3A_188 = arith.constant 0 : i32
        %dma_wait3A_189 = tpu.memref_slice %arg8[%dma_wait3A_187, %dma_wait3A_188] : memref<10240x128xf32, #tpu.memory_space<vmem_shared>> -> memref<10240x128xf32, #tpu.memory_space<vmem_shared>>
        tpu.wait_indirect_dma semaphore(%run_scoped3A_177 : memref<!tpu.dma_semaphore, #tpu.memory_space<semaphore_mem>>) src(%arg6 : memref<128x128xf32, #tpu.memory_space<vmem>>) dst(%dma_wait3A_189 : memref<10240x128xf32, #tpu.memory_space<vmem_shared>>)
        tpu.yield
      }) : () -> ()
      %add3A_165 = arith.constant 2 : i32
      %add3A_166 = arith.addi %mul3A_153, %add3A_165 : i32
      %lt3A_167 = arith.cmpi slt, %add3A_166, %sub3A_105 : i32
      %convert_element_type3A_168 = arith.extui %lt3A_167 : i1 to i32
      %cond3A_169 = arith.constant 0 : i32
      %cond3A_170 = arith.cmpi ne, %convert_element_type3A_168, %cond3A_169 : i32
      scf.if %cond3A_170 {
        %add3A_177 = arith.constant 2 : i32
        %add3A_178 = arith.addi %mul3A_153, %add3A_177 : i32
        %dma_start3A_179 = arith.constant 0 : i32
        %dma_start3A_180 = arith.constant 0 : i32
        %dma_start3A_181 = tpu.memref_slice %arg5[%add3A_178, %dma_start3A_179, %dma_start3A_180] : memref<60x2x128xi32, #tpu.memory_space<vmem>> -> memref<1x1x128xi32, #tpu.memory_space<vmem>>
        %dma_start3A_182 = tpu.memref_squeeze %dma_start3A_181 : memref<1x1x128xi32, #tpu.memory_space<vmem>> -> memref<128xi32, #tpu.memory_space<vmem>>
        %dma_start3A_183 = arith.constant 0 : i32
        %dma_start3A_184 = arith.constant 0 : i32
        %dma_start3A_185 = tpu.memref_slice %arg2[%dma_start3A_183, %dma_start3A_184] : memref<10000x128xf32, #tpu.memory_space<hbm>> -> memref<10000x128xf32, #tpu.memory_space<hbm>>
        tpu.enqueue_indirect_dma source(%dma_start3A_185 : memref<10000x128xf32, #tpu.memory_space<hbm>>) target(%arg6 : memref<128x128xf32, #tpu.memory_space<vmem>>) offsets(%dma_start3A_182 : memref<128xi32, #tpu.memory_space<vmem>>) semaphore(%arg9 : memref<!tpu.dma_semaphore, #tpu.memory_space<semaphore_mem>>)
      } else {
      }
      %add3A_171 = arith.constant 1 : i32
      %add3A_172 = arith.addi %mul3A_153, %add3A_171 : i32
      %lt3A_173 = arith.cmpi slt, %add3A_172, %sub3A_105 : i32
      %convert_element_type3A_174 = arith.extui %lt3A_173 : i1 to i32
      %cond3A_175 = arith.constant 0 : i32
      %cond3A_176 = arith.cmpi ne, %convert_element_type3A_174, %cond3A_175 : i32
      scf.if %cond3A_176 {
        %add3A_177 = arith.constant 1 : i32
        %add3A_178 = arith.addi %mul3A_153, %add3A_177 : i32
        %dma_wait3A_179 = arith.constant 0 : i32
        %dma_wait3A_180 = arith.constant 0 : i32
        %dma_wait3A_181 = tpu.memref_slice %arg5[%add3A_178, %dma_wait3A_179, %dma_wait3A_180] : memref<60x2x128xi32, #tpu.memory_space<vmem>> -> memref<1x1x128xi32, #tpu.memory_space<vmem>>
        %dma_wait3A_182 = tpu.memref_squeeze %dma_wait3A_181 : memref<1x1x128xi32, #tpu.memory_space<vmem>> -> memref<128xi32, #tpu.memory_space<vmem>>
        %dma_wait3A_183 = arith.constant 0 : i32
        %dma_wait3A_184 = arith.constant 0 : i32
        %dma_wait3A_185 = tpu.memref_slice %arg2[%dma_wait3A_183, %dma_wait3A_184] : memref<10000x128xf32, #tpu.memory_space<hbm>> -> memref<10000x128xf32, #tpu.memory_space<hbm>>
        tpu.wait_indirect_dma semaphore(%arg10 : memref<!tpu.dma_semaphore, #tpu.memory_space<semaphore_mem>>) src(%dma_wait3A_185 : memref<10000x128xf32, #tpu.memory_space<hbm>>) dst(%arg7 : memref<128x128xf32, #tpu.memory_space<vmem>>)
        %add3A_186 = arith.constant 1 : i32
        %add3A_187 = arith.addi %mul3A_153, %add3A_186 : i32
        %run_scoped3A_188 = arith.constant 1 : i32
        "tpu.region"() ({
          %run_scoped3A_189 = tpu.sem_alloc : memref<!tpu.dma_semaphore, #tpu.memory_space<semaphore_mem>>
          %dma_start3A_190 = arith.constant 0 : i32
          %dma_start3A_191 = tpu.memref_slice %arg5[%add3A_187, %run_scoped3A_188, %dma_start3A_190] : memref<60x2x128xi32, #tpu.memory_space<vmem>> -> memref<1x1x128xi32, #tpu.memory_space<vmem>>
          %dma_start3A_192 = tpu.memref_squeeze %dma_start3A_191 : memref<1x1x128xi32, #tpu.memory_space<vmem>> -> memref<128xi32, #tpu.memory_space<vmem>>
          %dma_start3A_193 = arith.constant 0 : i32
          %dma_start3A_194 = arith.constant 0 : i32
          %dma_start3A_195 = tpu.memref_slice %arg8[%dma_start3A_193, %dma_start3A_194] : memref<10240x128xf32, #tpu.memory_space<vmem_shared>> -> memref<10240x128xf32, #tpu.memory_space<vmem_shared>>
          tpu.enqueue_indirect_dma source(%arg7 : memref<128x128xf32, #tpu.memory_space<vmem>>) target(%dma_start3A_195 : memref<10240x128xf32, #tpu.memory_space<vmem_shared>>) offsets(%dma_start3A_192 : memref<128xi32, #tpu.memory_space<vmem>>) semaphore(%run_scoped3A_189 : memref<!tpu.dma_semaphore, #tpu.memory_space<semaphore_mem>>) {add = true}
          %dma_wait3A_196 = arith.constant 0 : i32
          %dma_wait3A_197 = tpu.memref_slice %arg5[%add3A_187, %run_scoped3A_188, %dma_wait3A_196] : memref<60x2x128xi32, #tpu.memory_space<vmem>> -> memref<1x1x128xi32, #tpu.memory_space<vmem>>
          %dma_wait3A_198 = tpu.memref_squeeze %dma_wait3A_197 : memref<1x1x128xi32, #tpu.memory_space<vmem>> -> memref<128xi32, #tpu.memory_space<vmem>>
          %dma_wait3A_199 = arith.constant 0 : i32
          %dma_wait3A_200 = arith.constant 0 : i32
          %dma_wait3A_201 = tpu.memref_slice %arg8[%dma_wait3A_199, %dma_wait3A_200] : memref<10240x128xf32, #tpu.memory_space<vmem_shared>> -> memref<10240x128xf32, #tpu.memory_space<vmem_shared>>
          tpu.wait_indirect_dma semaphore(%run_scoped3A_189 : memref<!tpu.dma_semaphore, #tpu.memory_space<semaphore_mem>>) src(%arg7 : memref<128x128xf32, #tpu.memory_space<vmem>>) dst(%dma_wait3A_201 : memref<10240x128xf32, #tpu.memory_space<vmem_shared>>)
          tpu.yield
        }) : () -> ()
      } else {
      }
    }
    %barrier3A_150 = arith.constant 0 : index
    tpu.barrier barrier_id(%barrier3A_150)
    "tpu.region"() ({
      %run_scoped3A = tpu.sem_alloc : memref<!tpu.dma_semaphore, #tpu.memory_space<semaphore_mem>>
      %dma_start3A_151 = arith.constant 0 : i32
      %dma_start3A_152 = tpu.memref_slice %arg4[%arg0, %mul3A_15, %dma_start3A_151] : memref<2x10240x128xf32, #tpu.memory_space<hbm>> -> memref<1x640x128xf32, #tpu.memory_space<hbm>>
      %dma_start3A_153 = tpu.memref_squeeze %dma_start3A_152 : memref<1x640x128xf32, #tpu.memory_space<hbm>> -> memref<640x128xf32, #tpu.memory_space<hbm>>
      %dma_start3A_154 = arith.constant 0 : i32
      %dma_start3A_155 = tpu.memref_slice %arg8[%mul3A_15, %dma_start3A_154] : memref<10240x128xf32, #tpu.memory_space<vmem_shared>> -> memref<640x128xf32, #tpu.memory_space<vmem_shared>>
      tpu.enqueue_dma source(%dma_start3A_155 : memref<640x128xf32, #tpu.memory_space<vmem_shared>>) target(%dma_start3A_153 : memref<640x128xf32, #tpu.memory_space<hbm>>) target_semaphore(%run_scoped3A : memref<!tpu.dma_semaphore, #tpu.memory_space<semaphore_mem>>)
      %dma_wait3A_156 = arith.constant 0 : i32
      %dma_wait3A_157 = tpu.memref_slice %arg4[%arg0, %mul3A_15, %dma_wait3A_156] : memref<2x10240x128xf32, #tpu.memory_space<hbm>> -> memref<1x640x128xf32, #tpu.memory_space<hbm>>
      %dma_wait3A_158 = tpu.memref_squeeze %dma_wait3A_157 : memref<1x640x128xf32, #tpu.memory_space<hbm>> -> memref<640x128xf32, #tpu.memory_space<hbm>>
      %dma_wait3A_159 = arith.constant 0 : i32
      %dma_wait3A_160 = tpu.memref_slice %arg8[%mul3A_15, %dma_wait3A_159] : memref<10240x128xf32, #tpu.memory_space<vmem_shared>> -> memref<640x128xf32, #tpu.memory_space<vmem_shared>>
      tpu.wait_dma2 semaphore(%run_scoped3A : memref<!tpu.dma_semaphore, #tpu.memory_space<semaphore_mem>>) src(%dma_wait3A_160 : memref<640x128xf32, #tpu.memory_space<vmem_shared>>) dst(%dma_wait3A_158 : memref<640x128xf32, #tpu.memory_space<hbm>>)
      tpu.yield
    }) : () -> ()
    return
  }
}

module attributes {stable_mosaic.version = 14 : i64} {
  func.func @_inv_body(%arg0: memref<2x2x10240xf32, #tpu.memory_space<vmem>>, %arg1: memref<2x10240xf32, #tpu.memory_space<vmem>>) attributes {dimension_semantics = [], scalar_prefetch = 0 : i64, scratch_operands = 0 : i64, tpu.core_type = #tpu.core_type<tc>} {
    %get3A = arith.constant 0 : index
    %get3A_0 = arith.constant 0 : index
    %get3A_1 = arith.constant 0 : index
    %get3A_2 = vector.load %arg0[%get3A, %get3A_0, %get3A_1] : memref<2x2x10240xf32, #tpu.memory_space<vmem>>, vector<1x2x10240xf32>
    %get3A_3 = vector.shape_cast %get3A_2 : vector<1x2x10240xf32> to vector<2x10240xf32>
    %get3A_4 = arith.constant 1 : index
    %get3A_5 = arith.constant 0 : index
    %get3A_6 = arith.constant 0 : index
    %get3A_7 = vector.load %arg0[%get3A_4, %get3A_5, %get3A_6] : memref<2x2x10240xf32, #tpu.memory_space<vmem>>, vector<1x2x10240xf32>
    %get3A_8 = vector.shape_cast %get3A_7 : vector<1x2x10240xf32> to vector<2x10240xf32>
    %add3A = arith.addf %get3A_3, %get3A_8 : vector<2x10240xf32>
    %add3A_9 = arith.constant 1.000000e+00 : f32
    %add3A_10 = vector.broadcast %add3A_9 : f32 to vector<2x10240xf32>
    %add3A_11 = arith.addf %add3A, %add3A_10 : vector<2x10240xf32>
    %max3A = arith.constant 1.000000e+00 : f32
    %max3A_12 = vector.broadcast %max3A : f32 to vector<2x10240xf32>
    %max3A_13 = arith.maximumf %add3A_11, %max3A_12 : vector<2x10240xf32>
    %rsqrt3A = math.rsqrt %max3A_13 : vector<2x10240xf32>
    %swap3A = arith.constant 0 : index
    %swap3A_14 = arith.constant 0 : index
    %swap3A_15 = vector.load %arg1[%swap3A, %swap3A_14] : memref<2x10240xf32, #tpu.memory_space<vmem>>, vector<2x10240xf32>
    tpu.vector_store %arg1[%swap3A, %swap3A_14], %rsqrt3A {strides = array<i32>} : memref<2x10240xf32, #tpu.memory_space<vmem>>, vector<2x10240xf32>,
    return
  }
}

module attributes {stable_mosaic.version = 14 : i64} {
  func.func @_embed_mlp_body(%arg0: i32, %arg1: memref<2000x128xf32, #tpu.memory_space<vmem>>, %arg2: memref<128x128xf32, #tpu.memory_space<vmem>>, %arg3: memref<1x128xf32, #tpu.memory_space<vmem>>, %arg4: memref<128x128xf32, #tpu.memory_space<vmem>>, %arg5: memref<1x128xf32, #tpu.memory_space<vmem>>, %arg6: memref<2000x1xf32, #tpu.memory_space<vmem>>, %arg7: memref<2000x128xf32, #tpu.memory_space<vmem>>, %arg8: memref<2000x128xf32, #tpu.memory_space<vmem>>) attributes {dimension_semantics = [#tpu.dimension_semantics<arbitrary>], iteration_bounds = array<i64: 5>, scalar_prefetch = 0 : i64, scratch_operands = 0 : i64, tpu.core_type = #tpu.core_type<tc>, window_params = [{transform_indices = @transform_0, window_bounds = array<i64: 2000, 128>}, {pipeline_mode = #tpu.pipeline_mode<synchronous>, transform_indices = @transform_1, window_bounds = array<i64: 128, 128>}, {pipeline_mode = #tpu.pipeline_mode<synchronous>, transform_indices = @transform_2, window_bounds = array<i64: 1, 128>}, {pipeline_mode = #tpu.pipeline_mode<synchronous>, transform_indices = @transform_3, window_bounds = array<i64: 128, 128>}, {pipeline_mode = #tpu.pipeline_mode<synchronous>, transform_indices = @transform_4, window_bounds = array<i64: 1, 128>}, {transform_indices = @transform_5, window_bounds = array<i64: 2000, 1>}, {transform_indices = @transform_6, window_bounds = array<i64: 2000, 128>}, {transform_indices = @transform_7, window_bounds = array<i64: 2000, 128>}]} {
    %get3A = arith.constant 0 : index
    %get3A_0 = arith.constant 0 : index
    %get3A_1 = vector.load %arg1[%get3A, %get3A_0] : memref<2000x128xf32, #tpu.memory_space<vmem>>, vector<2000x128xf32>
    %get3A_2 = arith.constant 0 : index
    %get3A_3 = arith.constant 0 : index
    %get3A_4 = vector.load %arg2[%get3A_2, %get3A_3] : memref<128x128xf32, #tpu.memory_space<vmem>>, vector<128x128xf32>
    %dot_general3A = arith.constant dense<0.000000e+00> : vector<2000x128xf32>
    %dot_general3A_5 = tpu.matmul %get3A_1, %get3A_4, %dot_general3A {dimension_numbers = #tpu.dot_dimension_numbers<[1], [0], [0], [1], [0, 0, 1, 1], [], []>, transpose_lhs_hint = false} : vector<2000x128xf32>, vector<128x128xf32>, vector<2000x128xf32> -> vector<2000x128xf32>
    %get3A_6 = arith.constant 0 : index
    %get3A_7 = arith.constant 0 : index
    %get3A_8 = vector.load %arg3[%get3A_6, %get3A_7] : memref<1x128xf32, #tpu.memory_space<vmem>>, vector<1x128xf32>
    %add3A = vector.broadcast %get3A_8 : vector<1x128xf32> to vector<2000x128xf32>
    %add3A_9 = arith.addf %dot_general3A_5, %add3A : vector<2000x128xf32>
    %swap3A = arith.constant 0 : index
    %swap3A_10 = arith.constant 0 : index
    %swap3A_11 = vector.load %arg7[%swap3A, %swap3A_10] : memref<2000x128xf32, #tpu.memory_space<vmem>>, vector<2000x128xf32>
    tpu.vector_store %arg7[%swap3A, %swap3A_10], %add3A_9 {strides = array<i32>} : memref<2000x128xf32, #tpu.memory_space<vmem>>, vector<2000x128xf32>,
    %get3A_12 = arith.constant 0 : index
    %get3A_13 = arith.constant 0 : index
    %get3A_14 = vector.load %arg4[%get3A_12, %get3A_13] : memref<128x128xf32, #tpu.memory_space<vmem>>, vector<128x128xf32>
    %dot_general3A_15 = arith.constant dense<0.000000e+00> : vector<2000x128xf32>
    %dot_general3A_16 = tpu.matmul %add3A_9, %get3A_14, %dot_general3A_15 {dimension_numbers = #tpu.dot_dimension_numbers<[1], [0], [0], [1], [0, 0, 1, 1], [], []>, transpose_lhs_hint = false} : vector<2000x128xf32>, vector<128x128xf32>, vector<2000x128xf32> -> vector<2000x128xf32>
    %get3A_17 = arith.constant 0 : index
    %get3A_18 = arith.constant 0 : index
    %get3A_19 = vector.load %arg5[%get3A_17, %get3A_18] : memref<1x128xf32, #tpu.memory_space<vmem>>, vector<1x128xf32>
    %add3A_20 = vector.broadcast %get3A_19 : vector<1x128xf32> to vector<2000x128xf32>
    %add3A_21 = arith.addf %dot_general3A_16, %add3A_20 : vector<2000x128xf32>
    %max3A = arith.constant 0.000000e+00 : f32
    %max3A_22 = vector.broadcast %max3A : f32 to vector<2000x128xf32>
    %max3A_23 = arith.maximumf %add3A_21, %max3A_22 : vector<2000x128xf32>
    %get3A_24 = arith.constant 0 : index
    %get3A_25 = arith.constant 0 : index
    %get3A_26 = vector.load %arg6[%get3A_24, %get3A_25] : memref<2000x1xf32, #tpu.memory_space<vmem>>, vector<2000x1xf32>
    %mul3A = vector.broadcast %get3A_26 : vector<2000x1xf32> to vector<2000x128xf32>
    %mul3A_27 = arith.mulf %max3A_23, %mul3A : vector<2000x128xf32>
    %swap3A_28 = arith.constant 0 : index
    %swap3A_29 = arith.constant 0 : index
    %swap3A_30 = vector.load %arg8[%swap3A_28, %swap3A_29] : memref<2000x128xf32, #tpu.memory_space<vmem>>, vector<2000x128xf32>
    tpu.vector_store %arg8[%swap3A_28, %swap3A_29], %mul3A_27 {strides = array<i32>} : memref<2000x128xf32, #tpu.memory_space<vmem>>, vector<2000x128xf32>,
    return
  }
  func.func @transform_0(%arg0: i32) -> (i32, i32) {
    %c0_i32 = arith.constant 0 : i32
    %c0_i32_0 = arith.constant 0 : i32
    return %arg0, %c0_i32 : i32, i32
  }
  func.func @transform_1(%arg0: i32) -> (i32, i32) {
    %c0_i32 = arith.constant 0 : i32
    %c0_i32_0 = arith.constant 0 : i32
    %c0_i32_1 = arith.constant 0 : i32
    return %c0_i32, %c0_i32_0 : i32, i32
  }
  func.func @transform_2(%arg0: i32) -> (i32, i32) {
    %c0_i32 = arith.constant 0 : i32
    %c0_i32_0 = arith.constant 0 : i32
    %c0_i32_1 = arith.constant 0 : i32
    return %c0_i32, %c0_i32_0 : i32, i32
  }
  func.func @transform_3(%arg0: i32) -> (i32, i32) {
    %c0_i32 = arith.constant 0 : i32
    %c0_i32_0 = arith.constant 0 : i32
    %c0_i32_1 = arith.constant 0 : i32
    return %c0_i32, %c0_i32_0 : i32, i32
  }
  func.func @transform_4(%arg0: i32) -> (i32, i32) {
    %c0_i32 = arith.constant 0 : i32
    %c0_i32_0 = arith.constant 0 : i32
    %c0_i32_1 = arith.constant 0 : i32
    return %c0_i32, %c0_i32_0 : i32, i32
  }
  func.func @transform_5(%arg0: i32) -> (i32, i32) {
    %c0_i32 = arith.constant 0 : i32
    %c0_i32_0 = arith.constant 0 : i32
    return %arg0, %c0_i32 : i32, i32
  }
  func.func @transform_6(%arg0: i32) -> (i32, i32) {
    %c0_i32 = arith.constant 0 : i32
    %c0_i32_0 = arith.constant 0 : i32
    return %arg0, %c0_i32 : i32, i32
  }
  func.func @transform_7(%arg0: i32) -> (i32, i32) {
    %c0_i32 = arith.constant 0 : i32
    %c0_i32_0 = arith.constant 0 : i32
    return %arg0, %c0_i32 : i32, i32
  }
}

module attributes {stable_mosaic.version = 14 : i64} {
  func.func @_post_mlp_body(%arg0: i32, %arg1: memref<2x2000x128xf32, #tpu.memory_space<vmem>>, %arg2: memref<2000x128xf32, #tpu.memory_space<vmem>>, %arg3: memref<2000x128xf32, #tpu.memory_space<vmem>>, %arg4: memref<2000x1xf32, #tpu.memory_space<vmem>>, %arg5: memref<1x128xf32, #tpu.memory_space<vmem>>, %arg6: memref<1x128xf32, #tpu.memory_space<vmem>>, %arg7: memref<128x128xf32, #tpu.memory_space<vmem>>, %arg8: memref<1x128xf32, #tpu.memory_space<vmem>>, %arg9: memref<2000x1xf32, #tpu.memory_space<vmem>>, %arg10: memref<2000x128xf32, #tpu.memory_space<vmem>>, %arg11: memref<2000x128xf32, #tpu.memory_space<vmem>>) attributes {dimension_semantics = [#tpu.dimension_semantics<arbitrary>], iteration_bounds = array<i64: 5>, scalar_prefetch = 0 : i64, scratch_operands = 0 : i64, tpu.core_type = #tpu.core_type<tc>, window_params = [{transform_indices = @transform_0, window_bounds = array<i64: 2, 2000, 128>}, {transform_indices = @transform_1, window_bounds = array<i64: 2000, 128>}, {transform_indices = @transform_2, window_bounds = array<i64: 2000, 128>}, {transform_indices = @transform_3, window_bounds = array<i64: 2000, 1>}, {pipeline_mode = #tpu.pipeline_mode<synchronous>, transform_indices = @transform_4, window_bounds = array<i64: 1, 128>}, {pipeline_mode = #tpu.pipeline_mode<synchronous>, transform_indices = @transform_5, window_bounds = array<i64: 1, 128>}, {pipeline_mode = #tpu.pipeline_mode<synchronous>, transform_indices = @transform_6, window_bounds = array<i64: 128, 128>}, {pipeline_mode = #tpu.pipeline_mode<synchronous>, transform_indices = @transform_7, window_bounds = array<i64: 1, 128>}, {transform_indices = @transform_8, window_bounds = array<i64: 2000, 1>}, {transform_indices = @transform_9, window_bounds = array<i64: 2000, 128>}, {transform_indices = @transform_10, window_bounds = array<i64: 2000, 128>}]} {
    %get3A = arith.constant 0 : index
    %get3A_0 = arith.constant 0 : index
    %get3A_1 = arith.constant 0 : index
    %get3A_2 = vector.load %arg1[%get3A, %get3A_0, %get3A_1] : memref<2x2000x128xf32, #tpu.memory_space<vmem>>, vector<1x2000x128xf32>
    %get3A_3 = vector.shape_cast %get3A_2 : vector<1x2000x128xf32> to vector<2000x128xf32>
    %get3A_4 = arith.constant 1 : index
    %get3A_5 = arith.constant 0 : index
    %get3A_6 = arith.constant 0 : index
    %get3A_7 = vector.load %arg1[%get3A_4, %get3A_5, %get3A_6] : memref<2x2000x128xf32, #tpu.memory_space<vmem>>, vector<1x2000x128xf32>
    %get3A_8 = vector.shape_cast %get3A_7 : vector<1x2000x128xf32> to vector<2000x128xf32>
    %add3A = arith.addf %get3A_3, %get3A_8 : vector<2000x128xf32>
    %get3A_9 = arith.constant 0 : index
    %get3A_10 = arith.constant 0 : index
    %get3A_11 = vector.load %arg2[%get3A_9, %get3A_10] : memref<2000x128xf32, #tpu.memory_space<vmem>>, vector<2000x128xf32>
    %add3A_12 = arith.addf %add3A, %get3A_11 : vector<2000x128xf32>
    %get3A_13 = arith.constant 0 : index
    %get3A_14 = arith.constant 0 : index
    %get3A_15 = vector.load %arg4[%get3A_13, %get3A_14] : memref<2000x1xf32, #tpu.memory_space<vmem>>, vector<2000x1xf32>
    %mul3A = vector.broadcast %get3A_15 : vector<2000x1xf32> to vector<2000x128xf32>
    %mul3A_16 = arith.mulf %add3A_12, %mul3A : vector<2000x128xf32>
    %get3A_17 = arith.constant 0 : index
    %get3A_18 = arith.constant 0 : index
    %get3A_19 = vector.load %arg3[%get3A_17, %get3A_18] : memref<2000x128xf32, #tpu.memory_space<vmem>>, vector<2000x128xf32>
    %add3A_20 = arith.addf %mul3A_16, %get3A_19 : vector<2000x128xf32>
    %get3A_21 = arith.constant 0 : index
    %get3A_22 = arith.constant 0 : index
    %get3A_23 = vector.load %arg5[%get3A_21, %get3A_22] : memref<1x128xf32, #tpu.memory_space<vmem>>, vector<1x128xf32>
    %get3A_24 = arith.constant 0 : index
    %get3A_25 = arith.constant 0 : index
    %get3A_26 = vector.load %arg6[%get3A_24, %get3A_25] : memref<1x128xf32, #tpu.memory_space<vmem>>, vector<1x128xf32>
    %reduce_sum3A = arith.constant dense<0.000000e+00> : vector<2000xf32>
    %reduce_sum3A_27 = vector.multi_reduction <add>, %add3A_20, %reduce_sum3A [1] : vector<2000x128xf32> to vector<2000xf32>
    %broadcast_in_dim3A = vector.shape_cast %reduce_sum3A_27 : vector<2000xf32> to vector<2000x1xf32>
    %div3A = arith.constant 1.280000e+02 : f32
    %div3A_28 = vector.broadcast %div3A : f32 to vector<2000x1xf32>
    %div3A_29 = arith.divf %broadcast_in_dim3A, %div3A_28 : vector<2000x1xf32>
    %sub3A = vector.broadcast %div3A_29 : vector<2000x1xf32> to vector<2000x128xf32>
    %sub3A_30 = arith.subf %add3A_20, %sub3A : vector<2000x128xf32>
    %square3A = arith.mulf %sub3A_30, %sub3A_30 : vector<2000x128xf32>
    %reduce_sum3A_31 = arith.constant dense<0.000000e+00> : vector<2000xf32>
    %reduce_sum3A_32 = vector.multi_reduction <add>, %square3A, %reduce_sum3A_31 [1] : vector<2000x128xf32> to vector<2000xf32>
    %broadcast_in_dim3A_33 = vector.shape_cast %reduce_sum3A_32 : vector<2000xf32> to vector<2000x1xf32>
    %div3A_34 = arith.constant 1.280000e+02 : f32
    %div3A_35 = vector.broadcast %div3A_34 : f32 to vector<2000x1xf32>
    %div3A_36 = arith.divf %broadcast_in_dim3A_33, %div3A_35 : vector<2000x1xf32>
    %sub3A_37 = vector.broadcast %div3A_29 : vector<2000x1xf32> to vector<2000x128xf32>
    %sub3A_38 = arith.subf %add3A_20, %sub3A_37 : vector<2000x128xf32>
    %add3A_39 = arith.constant 9.99999997E-7 : f32
    %add3A_40 = vector.broadcast %add3A_39 : f32 to vector<2000x1xf32>
    %add3A_41 = arith.addf %div3A_36, %add3A_40 : vector<2000x1xf32>
    %rsqrt3A = math.rsqrt %add3A_41 : vector<2000x1xf32>
    %mul3A_42 = vector.broadcast %rsqrt3A : vector<2000x1xf32> to vector<2000x128xf32>
    %mul3A_43 = arith.mulf %sub3A_38, %mul3A_42 : vector<2000x128xf32>
    %mul3A_44 = vector.broadcast %get3A_23 : vector<1x128xf32> to vector<2000x128xf32>
    %mul3A_45 = arith.mulf %mul3A_43, %mul3A_44 : vector<2000x128xf32>
    %add3A_46 = vector.broadcast %get3A_26 : vector<1x128xf32> to vector<2000x128xf32>
    %add3A_47 = arith.addf %mul3A_45, %add3A_46 : vector<2000x128xf32>
    %swap3A = arith.constant 0 : index
    %swap3A_48 = arith.constant 0 : index
    %swap3A_49 = vector.load %arg10[%swap3A, %swap3A_48] : memref<2000x128xf32, #tpu.memory_space<vmem>>, vector<2000x128xf32>
    tpu.vector_store %arg10[%swap3A, %swap3A_48], %add3A_47 {strides = array<i32>} : memref<2000x128xf32, #tpu.memory_space<vmem>>, vector<2000x128xf32>,
    %get3A_50 = arith.constant 0 : index
    %get3A_51 = arith.constant 0 : index
    %get3A_52 = vector.load %arg7[%get3A_50, %get3A_51] : memref<128x128xf32, #tpu.memory_space<vmem>>, vector<128x128xf32>
    %dot_general3A = arith.constant dense<0.000000e+00> : vector<2000x128xf32>
    %dot_general3A_53 = tpu.matmul %add3A_47, %get3A_52, %dot_general3A {dimension_numbers = #tpu.dot_dimension_numbers<[1], [0], [0], [1], [0, 0, 1, 1], [], []>, transpose_lhs_hint = false} : vector<2000x128xf32>, vector<128x128xf32>, vector<2000x128xf32> -> vector<2000x128xf32>
    %get3A_54 = arith.constant 0 : index
    %get3A_55 = arith.constant 0 : index
    %get3A_56 = vector.load %arg8[%get3A_54, %get3A_55] : memref<1x128xf32, #tpu.memory_space<vmem>>, vector<1x128xf32>
    %add3A_57 = vector.broadcast %get3A_56 : vector<1x128xf32> to vector<2000x128xf32>
    %add3A_58 = arith.addf %dot_general3A_53, %add3A_57 : vector<2000x128xf32>
    %max3A = arith.constant 0.000000e+00 : f32
    %max3A_59 = vector.broadcast %max3A : f32 to vector<2000x128xf32>
    %max3A_60 = arith.maximumf %add3A_58, %max3A_59 : vector<2000x128xf32>
    %get3A_61 = arith.constant 0 : index
    %get3A_62 = arith.constant 0 : index
    %get3A_63 = vector.load %arg9[%get3A_61, %get3A_62] : memref<2000x1xf32, #tpu.memory_space<vmem>>, vector<2000x1xf32>
    %mul3A_64 = vector.broadcast %get3A_63 : vector<2000x1xf32> to vector<2000x128xf32>
    %mul3A_65 = arith.mulf %max3A_60, %mul3A_64 : vector<2000x128xf32>
    %swap3A_66 = arith.constant 0 : index
    %swap3A_67 = arith.constant 0 : index
    %swap3A_68 = vector.load %arg11[%swap3A_66, %swap3A_67] : memref<2000x128xf32, #tpu.memory_space<vmem>>, vector<2000x128xf32>
    tpu.vector_store %arg11[%swap3A_66, %swap3A_67], %mul3A_65 {strides = array<i32>} : memref<2000x128xf32, #tpu.memory_space<vmem>>, vector<2000x128xf32>,
    return
  }
  func.func @transform_0(%arg0: i32) -> (i32, i32, i32) {
    %c0_i32 = arith.constant 0 : i32
    %c0_i32_0 = arith.constant 0 : i32
    %c0_i32_1 = arith.constant 0 : i32
    return %c0_i32, %arg0, %c0_i32_0 : i32, i32, i32
  }
  func.func @transform_1(%arg0: i32) -> (i32, i32) {
    %c0_i32 = arith.constant 0 : i32
    %c0_i32_0 = arith.constant 0 : i32
    return %arg0, %c0_i32 : i32, i32
  }
  func.func @transform_2(%arg0: i32) -> (i32, i32) {
    %c0_i32 = arith.constant 0 : i32
    %c0_i32_0 = arith.constant 0 : i32
    return %arg0, %c0_i32 : i32, i32
  }
  func.func @transform_3(%arg0: i32) -> (i32, i32) {
    %c0_i32 = arith.constant 0 : i32
    %c0_i32_0 = arith.constant 0 : i32
    return %arg0, %c0_i32 : i32, i32
  }
  func.func @transform_4(%arg0: i32) -> (i32, i32) {
    %c0_i32 = arith.constant 0 : i32
    %c0_i32_0 = arith.constant 0 : i32
    %c0_i32_1 = arith.constant 0 : i32
    return %c0_i32, %c0_i32_0 : i32, i32
  }
  func.func @transform_5(%arg0: i32) -> (i32, i32) {
    %c0_i32 = arith.constant 0 : i32
    %c0_i32_0 = arith.constant 0 : i32
    %c0_i32_1 = arith.constant 0 : i32
    return %c0_i32, %c0_i32_0 : i32, i32
  }
  func.func @transform_6(%arg0: i32) -> (i32, i32) {
    %c0_i32 = arith.constant 0 : i32
    %c0_i32_0 = arith.constant 0 : i32
    %c0_i32_1 = arith.constant 0 : i32
    return %c0_i32, %c0_i32_0 : i32, i32
  }
  func.func @transform_7(%arg0: i32) -> (i32, i32) {
    %c0_i32 = arith.constant 0 : i32
    %c0_i32_0 = arith.constant 0 : i32
    %c0_i32_1 = arith.constant 0 : i32
    return %c0_i32, %c0_i32_0 : i32, i32
  }
  func.func @transform_8(%arg0: i32) -> (i32, i32) {
    %c0_i32 = arith.constant 0 : i32
    %c0_i32_0 = arith.constant 0 : i32
    return %arg0, %c0_i32 : i32, i32
  }
  func.func @transform_9(%arg0: i32) -> (i32, i32) {
    %c0_i32 = arith.constant 0 : i32
    %c0_i32_0 = arith.constant 0 : i32
    return %arg0, %c0_i32 : i32, i32
  }
  func.func @transform_10(%arg0: i32) -> (i32, i32) {
    %c0_i32 = arith.constant 0 : i32
    %c0_i32_0 = arith.constant 0 : i32
    return %arg0, %c0_i32 : i32, i32
  }
}

module attributes {stable_mosaic.version = 14 : i64} {
  func.func @_post_pool_body(%arg0: i32, %arg1: memref<2x2000x128xf32, #tpu.memory_space<vmem>>, %arg2: memref<2000x128xf32, #tpu.memory_space<vmem>>, %arg3: memref<2000x128xf32, #tpu.memory_space<vmem>>, %arg4: memref<2000x1xf32, #tpu.memory_space<vmem>>, %arg5: memref<1x128xf32, #tpu.memory_space<vmem>>, %arg6: memref<1x128xf32, #tpu.memory_space<vmem>>, %arg7: memref<2000x16xf32, #tpu.memory_space<vmem>>, %arg8: memref<16x1xf32, #tpu.memory_space<vmem>>, %arg9: memref<128x128xf32, #tpu.memory_space<vmem>>, %arg10: memref<1x128xf32, #tpu.memory_space<vmem>>, %arg11: memref<16x128xf32, #tpu.memory_space<vmem>>, %arg12: memref<16x128xf32, #tpu.memory_space<vmem>>) attributes {dimension_semantics = [#tpu.dimension_semantics<arbitrary>], iteration_bounds = array<i64: 5>, scalar_prefetch = 0 : i64, scratch_operands = 1 : i64, tpu.core_type = #tpu.core_type<tc>, window_params = [{transform_indices = @transform_0, window_bounds = array<i64: 2, 2000, 128>}, {transform_indices = @transform_1, window_bounds = array<i64: 2000, 128>}, {transform_indices = @transform_2, window_bounds = array<i64: 2000, 128>}, {transform_indices = @transform_3, window_bounds = array<i64: 2000, 1>}, {pipeline_mode = #tpu.pipeline_mode<synchronous>, transform_indices = @transform_4, window_bounds = array<i64: 1, 128>}, {pipeline_mode = #tpu.pipeline_mode<synchronous>, transform_indices = @transform_5, window_bounds = array<i64: 1, 128>}, {transform_indices = @transform_6, window_bounds = array<i64: 2000, 16>}, {pipeline_mode = #tpu.pipeline_mode<synchronous>, transform_indices = @transform_7, window_bounds = array<i64: 16, 1>}, {pipeline_mode = #tpu.pipeline_mode<synchronous>, transform_indices = @transform_8, window_bounds = array<i64: 128, 128>}, {pipeline_mode = #tpu.pipeline_mode<synchronous>, transform_indices = @transform_9, window_bounds = array<i64: 1, 128>}, {pipeline_mode = #tpu.pipeline_mode<synchronous>, transform_indices = @transform_10, window_bounds = array<i64: 16, 128>}]} {
    %get3A = arith.constant 0 : index
    %get3A_0 = arith.constant 0 : index
    %get3A_1 = arith.constant 0 : index
    %get3A_2 = vector.load %arg1[%get3A, %get3A_0, %get3A_1] : memref<2x2000x128xf32, #tpu.memory_space<vmem>>, vector<1x2000x128xf32>
    %get3A_3 = vector.shape_cast %get3A_2 : vector<1x2000x128xf32> to vector<2000x128xf32>
    %get3A_4 = arith.constant 1 : index
    %get3A_5 = arith.constant 0 : index
    %get3A_6 = arith.constant 0 : index
    %get3A_7 = vector.load %arg1[%get3A_4, %get3A_5, %get3A_6] : memref<2x2000x128xf32, #tpu.memory_space<vmem>>, vector<1x2000x128xf32>
    %get3A_8 = vector.shape_cast %get3A_7 : vector<1x2000x128xf32> to vector<2000x128xf32>
    %add3A = arith.addf %get3A_3, %get3A_8 : vector<2000x128xf32>
    %get3A_9 = arith.constant 0 : index
    %get3A_10 = arith.constant 0 : index
    %get3A_11 = vector.load %arg2[%get3A_9, %get3A_10] : memref<2000x128xf32, #tpu.memory_space<vmem>>, vector<2000x128xf32>
    %add3A_12 = arith.addf %add3A, %get3A_11 : vector<2000x128xf32>
    %get3A_13 = arith.constant 0 : index
    %get3A_14 = arith.constant 0 : index
    %get3A_15 = vector.load %arg4[%get3A_13, %get3A_14] : memref<2000x1xf32, #tpu.memory_space<vmem>>, vector<2000x1xf32>
    %mul3A = vector.broadcast %get3A_15 : vector<2000x1xf32> to vector<2000x128xf32>
    %mul3A_16 = arith.mulf %add3A_12, %mul3A : vector<2000x128xf32>
    %get3A_17 = arith.constant 0 : index
    %get3A_18 = arith.constant 0 : index
    %get3A_19 = vector.load %arg3[%get3A_17, %get3A_18] : memref<2000x128xf32, #tpu.memory_space<vmem>>, vector<2000x128xf32>
    %add3A_20 = arith.addf %mul3A_16, %get3A_19 : vector<2000x128xf32>
    %get3A_21 = arith.constant 0 : index
    %get3A_22 = arith.constant 0 : index
    %get3A_23 = vector.load %arg5[%get3A_21, %get3A_22] : memref<1x128xf32, #tpu.memory_space<vmem>>, vector<1x128xf32>
    %get3A_24 = arith.constant 0 : index
    %get3A_25 = arith.constant 0 : index
    %get3A_26 = vector.load %arg6[%get3A_24, %get3A_25] : memref<1x128xf32, #tpu.memory_space<vmem>>, vector<1x128xf32>
    %reduce_sum3A = arith.constant dense<0.000000e+00> : vector<2000xf32>
    %reduce_sum3A_27 = vector.multi_reduction <add>, %add3A_20, %reduce_sum3A [1] : vector<2000x128xf32> to vector<2000xf32>
    %broadcast_in_dim3A = vector.shape_cast %reduce_sum3A_27 : vector<2000xf32> to vector<2000x1xf32>
    %div3A = arith.constant 1.280000e+02 : f32
    %div3A_28 = vector.broadcast %div3A : f32 to vector<2000x1xf32>
    %div3A_29 = arith.divf %broadcast_in_dim3A, %div3A_28 : vector<2000x1xf32>
    %sub3A = vector.broadcast %div3A_29 : vector<2000x1xf32> to vector<2000x128xf32>
    %sub3A_30 = arith.subf %add3A_20, %sub3A : vector<2000x128xf32>
    %square3A = arith.mulf %sub3A_30, %sub3A_30 : vector<2000x128xf32>
    %reduce_sum3A_31 = arith.constant dense<0.000000e+00> : vector<2000xf32>
    %reduce_sum3A_32 = vector.multi_reduction <add>, %square3A, %reduce_sum3A_31 [1] : vector<2000x128xf32> to vector<2000xf32>
    %broadcast_in_dim3A_33 = vector.shape_cast %reduce_sum3A_32 : vector<2000xf32> to vector<2000x1xf32>
    %div3A_34 = arith.constant 1.280000e+02 : f32
    %div3A_35 = vector.broadcast %div3A_34 : f32 to vector<2000x1xf32>
    %div3A_36 = arith.divf %broadcast_in_dim3A_33, %div3A_35 : vector<2000x1xf32>
    %sub3A_37 = vector.broadcast %div3A_29 : vector<2000x1xf32> to vector<2000x128xf32>
    %sub3A_38 = arith.subf %add3A_20, %sub3A_37 : vector<2000x128xf32>
    %add3A_39 = arith.constant 9.99999997E-7 : f32
    %add3A_40 = vector.broadcast %add3A_39 : f32 to vector<2000x1xf32>
    %add3A_41 = arith.addf %div3A_36, %add3A_40 : vector<2000x1xf32>
    %rsqrt3A = math.rsqrt %add3A_41 : vector<2000x1xf32>
    %mul3A_42 = vector.broadcast %rsqrt3A : vector<2000x1xf32> to vector<2000x128xf32>
    %mul3A_43 = arith.mulf %sub3A_38, %mul3A_42 : vector<2000x128xf32>
    %mul3A_44 = vector.broadcast %get3A_23 : vector<1x128xf32> to vector<2000x128xf32>
    %mul3A_45 = arith.mulf %mul3A_43, %mul3A_44 : vector<2000x128xf32>
    %add3A_46 = vector.broadcast %get3A_26 : vector<1x128xf32> to vector<2000x128xf32>
    %add3A_47 = arith.addf %mul3A_45, %add3A_46 : vector<2000x128xf32>
    %get3A_48 = arith.constant 0 : index
    %get3A_49 = arith.constant 0 : index
    %get3A_50 = vector.load %arg7[%get3A_48, %get3A_49] : memref<2000x16xf32, #tpu.memory_space<vmem>>, vector<2000x16xf32>
    %dot_general3A = arith.constant dense<0.000000e+00> : vector<16x128xf32>
    %dot_general3A_51 = tpu.matmul %get3A_50, %add3A_47, %dot_general3A {dimension_numbers = #tpu.dot_dimension_numbers<[0], [0], [1], [1], [0, 1, 1, 1], [], []>, transpose_lhs_hint = false} : vector<2000x16xf32>, vector<2000x128xf32>, vector<16x128xf32> -> vector<16x128xf32>
    %eq3A = arith.constant 0 : i32
    %eq3A_52 = arith.cmpi eq, %arg0, %eq3A : i32
    %convert_element_type3A = arith.extui %eq3A_52 : i1 to i32
    %cond3A = arith.constant 0 : i32
    %cond3A_53 = arith.cmpi ne, %convert_element_type3A, %cond3A : i32
    scf.if %cond3A_53 {
      %swap3A = arith.constant 0 : index
      %swap3A_63 = arith.constant 0 : index
      %swap3A_64 = vector.load %arg12[%swap3A, %swap3A_63] : memref<16x128xf32, #tpu.memory_space<vmem>>, vector<16x128xf32>
      tpu.vector_store %arg12[%swap3A, %swap3A_63], %dot_general3A_51 {strides = array<i32>} : memref<16x128xf32, #tpu.memory_space<vmem>>, vector<16x128xf32>,
    } else {
    }
    %gt3A = arith.constant 0 : i32
    %gt3A_54 = arith.cmpi sgt, %arg0, %gt3A : i32
    %convert_element_type3A_55 = arith.extui %gt3A_54 : i1 to i32
    %cond3A_56 = arith.constant 0 : i32
    %cond3A_57 = arith.cmpi ne, %convert_element_type3A_55, %cond3A_56 : i32
    scf.if %cond3A_57 {
      %get3A_63 = arith.constant 0 : index
      %get3A_64 = arith.constant 0 : index
      %get3A_65 = vector.load %arg12[%get3A_63, %get3A_64] : memref<16x128xf32, #tpu.memory_space<vmem>>, vector<16x128xf32>
      %add3A_66 = arith.addf %get3A_65, %dot_general3A_51 : vector<16x128xf32>
      %swap3A = arith.constant 0 : index
      %swap3A_67 = arith.constant 0 : index
      %swap3A_68 = vector.load %arg12[%swap3A, %swap3A_67] : memref<16x128xf32, #tpu.memory_space<vmem>>, vector<16x128xf32>
      tpu.vector_store %arg12[%swap3A, %swap3A_67], %add3A_66 {strides = array<i32>} : memref<16x128xf32, #tpu.memory_space<vmem>>, vector<16x128xf32>,
    } else {
    }
    %eq3A_58 = arith.constant 4 : i32
    %eq3A_59 = arith.cmpi eq, %arg0, %eq3A_58 : i32
    %convert_element_type3A_60 = arith.extui %eq3A_59 : i1 to i32
    %cond3A_61 = arith.constant 0 : i32
    %cond3A_62 = arith.cmpi ne, %convert_element_type3A_60, %cond3A_61 : i32
    scf.if %cond3A_62 {
      %get3A_63 = arith.constant 0 : index
      %get3A_64 = arith.constant 0 : index
      %get3A_65 = vector.load %arg12[%get3A_63, %get3A_64] : memref<16x128xf32, #tpu.memory_space<vmem>>, vector<16x128xf32>
      %get3A_66 = arith.constant 0 : index
      %get3A_67 = arith.constant 0 : index
      %get3A_68 = vector.load %arg8[%get3A_66, %get3A_67] : memref<16x1xf32, #tpu.memory_space<vmem>>, vector<16x1xf32>
      %div3A_69 = vector.broadcast %get3A_68 : vector<16x1xf32> to vector<16x128xf32>
      %div3A_70 = arith.divf %get3A_65, %div3A_69 : vector<16x128xf32>
      %get3A_71 = arith.constant 0 : index
      %get3A_72 = arith.constant 0 : index
      %get3A_73 = vector.load %arg9[%get3A_71, %get3A_72] : memref<128x128xf32, #tpu.memory_space<vmem>>, vector<128x128xf32>
      %dot_general3A_74 = arith.constant dense<0.000000e+00> : vector<16x128xf32>
      %dot_general3A_75 = tpu.matmul %div3A_70, %get3A_73, %dot_general3A_74 {dimension_numbers = #tpu.dot_dimension_numbers<[1], [0], [0], [1], [0, 0, 1, 1], [], []>, transpose_lhs_hint = false} : vector<16x128xf32>, vector<128x128xf32>, vector<16x128xf32> -> vector<16x128xf32>
      %get3A_76 = arith.constant 0 : index
      %get3A_77 = arith.constant 0 : index
      %get3A_78 = vector.load %arg10[%get3A_76, %get3A_77] : memref<1x128xf32, #tpu.memory_space<vmem>>, vector<1x128xf32>
      %add3A_79 = vector.broadcast %get3A_78 : vector<1x128xf32> to vector<16x128xf32>
      %add3A_80 = arith.addf %dot_general3A_75, %add3A_79 : vector<16x128xf32>
      %swap3A = arith.constant 0 : index
      %swap3A_81 = arith.constant 0 : index
      %swap3A_82 = vector.load %arg11[%swap3A, %swap3A_81] : memref<16x128xf32, #tpu.memory_space<vmem>>, vector<16x128xf32>
      tpu.vector_store %arg11[%swap3A, %swap3A_81], %add3A_80 {strides = array<i32>} : memref<16x128xf32, #tpu.memory_space<vmem>>, vector<16x128xf32>,
    } else {
    }
    return
  }
  func.func @transform_0(%arg0: i32) -> (i32, i32, i32) {
    %c0_i32 = arith.constant 0 : i32
    %c0_i32_0 = arith.constant 0 : i32
    %c0_i32_1 = arith.constant 0 : i32
    return %c0_i32, %arg0, %c0_i32_0 : i32, i32, i32
  }
  func.func @transform_1(%arg0: i32) -> (i32, i32) {
    %c0_i32 = arith.constant 0 : i32
    %c0_i32_0 = arith.constant 0 : i32
    return %arg0, %c0_i32 : i32, i32
  }
  func.func @transform_2(%arg0: i32) -> (i32, i32) {
    %c0_i32 = arith.constant 0 : i32
    %c0_i32_0 = arith.constant 0 : i32
    return %arg0, %c0_i32 : i32, i32
  }
  func.func @transform_3(%arg0: i32) -> (i32, i32) {
    %c0_i32 = arith.constant 0 : i32
    %c0_i32_0 = arith.constant 0 : i32
    return %arg0, %c0_i32 : i32, i32
  }
  func.func @transform_4(%arg0: i32) -> (i32, i32) {
    %c0_i32 = arith.constant 0 : i32
    %c0_i32_0 = arith.constant 0 : i32
    %c0_i32_1 = arith.constant 0 : i32
    return %c0_i32, %c0_i32_0 : i32, i32
  }
  func.func @transform_5(%arg0: i32) -> (i32, i32) {
    %c0_i32 = arith.constant 0 : i32
    %c0_i32_0 = arith.constant 0 : i32
    %c0_i32_1 = arith.constant 0 : i32
    return %c0_i32, %c0_i32_0 : i32, i32
  }
  func.func @transform_6(%arg0: i32) -> (i32, i32) {
    %c0_i32 = arith.constant 0 : i32
    %c0_i32_0 = arith.constant 0 : i32
    return %arg0, %c0_i32 : i32, i32
  }
  func.func @transform_7(%arg0: i32) -> (i32, i32) {
    %c0_i32 = arith.constant 0 : i32
    %c0_i32_0 = arith.constant 0 : i32
    %c0_i32_1 = arith.constant 0 : i32
    return %c0_i32, %c0_i32_0 : i32, i32
  }
  func.func @transform_8(%arg0: i32) -> (i32, i32) {
    %c0_i32 = arith.constant 0 : i32
    %c0_i32_0 = arith.constant 0 : i32
    %c0_i32_1 = arith.constant 0 : i32
    return %c0_i32, %c0_i32_0 : i32, i32
  }
  func.func @transform_9(%arg0: i32) -> (i32, i32) {
    %c0_i32 = arith.constant 0 : i32
    %c0_i32_0 = arith.constant 0 : i32
    %c0_i32_1 = arith.constant 0 : i32
    return %c0_i32, %c0_i32_0 : i32, i32
  }
  func.func @transform_10(%arg0: i32) -> (i32, i32) {
    %c0_i32 = arith.constant 0 : i32
    %c0_i32_0 = arith.constant 0 : i32
    %c0_i32_1 = arith.constant 0 : i32
    return %c0_i32, %c0_i32_0 : i32, i32
  }
}

</mosaic_0001>

<sc_bundles>
// kernel: kernel.12.cloned.1.call-start
scs
__scs_entry_jumppad:
0x0: {  	(pc) =	sbr.rel $0x88, $3  }
0x1: {  	(tag) =	ssettag $0x0;
	lr =	simm.s32 $0x1  }
0x2: {  	[smem:$0x3F95] =	sst lr;
	_ =	strace $0xD0000000  }
0x3: {  	_ = 	snop  }
0x4: {  	_ = 	snop  }
0x5: {  	_ = 	snop  }
0x6: {  	_ = 	snop  }
0x7: {  	_ = 	snop  }
__scs_overlays_trampoline_lowered:
0x8: {  	[smem:$0x3FA4] =	sst s0  }
0x9: {  	[smem:$0x3FA5] =	sst s1  }
0xa: {  	[smem:$0x3FA6] =	sst s2  }
0xb: {  	[smem:$0x3FA7] =	sst s3  }
0xc: {  	[smem:$0x3FA8] =	sst s4  }
0xd: {  	[smem:$0x3FA9] =	sst s5  }
0xe: {  	[smem:$0x3FAA] =	sst s6  }
0xf: {  	[smem:$0x3FAB] =	sst s7  }
0x10: {  	[smem:$0x3FAC] =	sst s8  }
0x11: {  	[smem:$0x3FAD] =	sst s9;
	s0 =	simm.s32 @!p0 $0x0  }
0x12: {  	s1 =	sld [smem:$0x3F93];
	s0 =	simm.s32 @p0 $0x1  }
0x13: {  	[smem:$0x3FAE] =	sst s0;
	s0 =	simm.s32 @!p1 $0x0  }
0x14: {  	s2 =	sld [smem:$0x3F92];
	s0 =	simm.s32 @p1 $0x1  }
0x15: {  	[smem:$0x3FAF] =	sst s0;
	s0 =	simm.s32 @!p2 $0x0  }
0x16: {  	s3 =	sld [smem:$0x3FDB];
	s0 =	simm.s32 @p2 $0x1  }
0x17: {  	s4 =	simm.s32 $0x1BF5;
	[smem:$0x3FB1] =	sst s0  }
0x18: {  	s0 =	sld [smem:$0x3F94];
	_ =	swait.ge [sflag:s4], $0x0  }
0x19: {  	s7 =	sld [smem:$0x3F95]  }
0x1a: {  	s8 =	sadd.s32 $0xFFFFE003, lr  }
0x1b: {  	s9 =	sadd.s32 $0xFFFFFEF7, lr;
	s5 =	simm.s32 $0xFFFFFFFF;
	p2 =	slt.u32 s8, $0xFFFFF086  }
0x1c: {  	p1 =	slt.u32 s9, $0xF7A;
	s5 =	simm.s32 @!p2 $0x0  }
0x1d: {  	s5 =	simm.s32 @p1 $0x1;
	p0 =	seq.s32 s7, s2  }
0x1e: {  	s7 =	smul.u32 @!p0 $0xF7A, s2;
	p2 =	seq.s32 @!p0 s5, $0x0  }
0x1f: {  	s9 =	smul.u32 $0xF7A, s1;
	s8 =	simm.s32 @!p0 $0x1BF5;
	p2 =	por !p2, p0  }
0x20: {  	[sflag:s8] =	ssyncset.s32 @!p0 $0xFFFFF086;
	s6 =	sadd.s32 @!p0 s3, s7;
	s7 =	simm.s32 @!p0 $0x108  }
0x21: {  	s3 =	sadd.s32 s3, s9;
	s6 =	sadd.s32 @!p0 $0x88, s6;
	s7 =	simm.s32 @p2 $0x1082  }
0x22: {  	[simem:s7], [sflag:s8] =	dma.local @!p0 [hbm:s6], $0xF7A  }
0x23: {  	s9 =	sor.u32 $0xD0000000, s2;
	s6 =	simm.s32 $0x108;
	_ =	swait.ge @!p0 [sflag:s8], $0x0  }
0x24: {  	s3 =	sadd.s32 $0x88, s3;
	s6 =	simm.s32 @!p1 $0x1082;
	[sflag:s4] =	ssyncset.s32 $0xFFFFF086  }
0x25: {  	[simem:s6], [sflag:s4] =	dma.local [hbm:s3], $0xF7A  }
0x26: {  	[smem:$0x3F95] =	sst s1;
	(tag) =	ssettag s2;
	_ =	strace s9  }
0x27: {  	s1 =	sld [smem:$0x3FA5]  }
0x28: {  	s2 =	sld [smem:$0x3FA6]  }
0x29: {  	s4 =	sld [smem:$0x3FA8]  }
0x2a: {  	p0 =	seq.s32 s5, $0x0;
	s5 =	sld [smem:$0x3FA9]  }
0x2b: {  	s6 =	sld [smem:$0x3FAA]  }
0x2c: {  	s7 =	sld [smem:$0x3FAB]  }
0x2d: {  	s3 =	simm.s32 $0x108;
	s8 =	sld [smem:$0x3FAC]  }
0x2e: {  	s3 =	simm.s32 @!p0 $0x1082;
	s9 =	sld [smem:$0x3FAD]  }
0x2f: {  	lr =	sadd.s32 s0, s3;
	s0 =	sld [smem:$0x3FA4]  }
0x30: {  	s3 =	sld [smem:$0x3FA7]  }
0x31: {  	[smem:$0x3FB0] =	sst s10  }
0x32: {  	s10 =	sld [smem:$0x3FAE];
	_ =	sdelay $0x3  }
0x33: {  	p0 =	seq.s32 s10, $0x1;
	s10 =	sld [smem:$0x3FB0];
	_ =	sdelay $0x3  }
0x34: {  	[smem:$0x3FB0] =	sst s10  }
0x35: {  	s10 =	sld [smem:$0x3FAF];
	_ =	sdelay $0x3  }
0x36: {  	p1 =	seq.s32 s10, $0x1;
	s10 =	sld [smem:$0x3FB0];
	_ =	sdelay $0x3  }
0x37: {  	[smem:$0x3FB0] =	sst s10  }
0x38: {  	s10 =	sld [smem:$0x3FB1]  }
0x39: {  	_ = 	snop;
	(pc) =	sbr.ind lr, $3  }
0x3a: {  	_ = 	snop  }
0x3b: {  	_ = 	snop  }
0x3c: {  	p2 =	seq.s32 s10, $0x1;
	s10 =	sld [smem:$0x3FB0]  }
0x3d: {  	_ =	shalt  }
0x3e: {  	_ =	shalt  }
0x3f: {  	_ =	shalt  }
0x40: {  	_ =	shalt  }
0x41: {  	_ =	shalt  }
0x42: {  	_ =	shalt  }
0x43: {  	_ =	shalt  }
0x44: {  	_ =	shalt  }
0x45: {  	_ =	shalt  }
0x46: {  	_ =	shalt  }
0x47: {  	_ =	shalt  }
0x48: {  	_ =	shalt  }
0x49: {  	_ =	shalt  }
0x4a: {  	_ =	shalt  }
0x4b: {  	_ =	shalt  }
0x4c: {  	_ =	shalt  }
0x4d: {  	_ =	shalt  }
0x4e: {  	_ =	shalt  }
0x4f: {  	_ =	shalt  }
0x50: {  	_ =	shalt  }
0x51: {  	_ =	shalt  }
0x52: {  	_ =	shalt  }
0x53: {  	_ =	shalt  }
0x54: {  	_ =	shalt  }
0x55: {  	_ =	shalt  }
0x56: {  	_ =	shalt  }
0x57: {  	_ =	shalt  }
0x58: {  	_ =	shalt  }
0x59: {  	_ =	shalt  }
0x5a: {  	_ =	shalt  }
0x5b: {  	_ =	shalt  }
0x5c: {  	_ =	shalt  }
0x5d: {  	_ =	shalt  }
0x5e: {  	_ =	shalt  }
0x5f: {  	_ =	shalt  }
0x60: {  	_ =	shalt  }
0x61: {  	_ =	shalt  }
0x62: {  	_ =	shalt  }
0x63: {  	_ =	shalt  }
0x64: {  	_ =	shalt  }
0x65: {  	_ =	shalt  }
0x66: {  	_ =	shalt  }
0x67: {  	_ =	shalt  }
0x68: {  	_ =	shalt  }
0x69: {  	_ =	shalt  }
0x6a: {  	_ =	shalt  }
0x6b: {  	_ =	shalt  }
0x6c: {  	_ =	shalt  }
0x6d: {  	_ =	shalt  }
0x6e: {  	_ =	shalt  }
0x6f: {  	_ =	shalt  }
0x70: {  	_ =	shalt  }
0x71: {  	_ =	shalt  }
0x72: {  	_ =	shalt  }
0x73: {  	_ =	shalt  }
0x74: {  	_ =	shalt  }
0x75: {  	_ =	shalt  }
0x76: {  	_ =	shalt  }
0x77: {  	_ =	shalt  }
0x78: {  	_ =	shalt  }
0x79: {  	_ =	shalt  }
0x7a: {  	_ =	shalt  }
0x7b: {  	_ =	shalt  }
0x7c: {  	_ =	shalt  }
0x7d: {  	_ =	shalt  }
0x7e: {  	_ =	shalt  }
0x7f: {  	_ =	shalt  }
0x80: {  	_ =	shalt  }
0x81: {  	_ =	shalt  }
0x82: {  	_ =	shalt  }
0x83: {  	_ =	shalt  }
0x84: {  	_ =	shalt  }
0x85: {  	_ =	shalt  }
0x86: {  	_ =	shalt  }
0x87: {  	_ =	shalt  }
.Lfunc_end0:
.L_simem_size_0:
called_computation.1_lowered:
.L_overlay_start_0:
0x88: {  	s2 =	sld [smem:$0x3FD9]  }
0x89: {  	s3 =	sld [smem:$0x3FFE];
	_ =	sdelay $0x1  }
0x8a: {  	s1 =	srdreg.scid  }
0x8b: {  	s0 =	sand.u32 $0x1, s1  }
0x8c: {  	s16 =	sshll.u32 s0, $0xA;
	s2 =	sadd.s32 s3, s2  }
0x8d: {  	s2 =	sadd.s32 s2, s16  }
0x8e: {  	[smem:$0x3FBC] =	sst s2  }
0x8f: {  	_ = 	snop  }
0x90: {  	(tm) =	ssettm $0x1  }
0x91: {  	s17 =	sld [smem:$0x3FFB];
	_ =	sdelay $0x3  }
0x92: {  	_ =	strace s17  }
0x93: {  	s2 =	sld [smem:$0x3FFC];
	_ =	sdelay $0x3  }
0x94: {  	_ =	strace s2  }
0x95: {  	s2 =	sld [smem:$0x3FFD];
	_ =	sdelay $0x3  }
0x96: {  	_ =	strace s2  }
0x97: {  	_ =	strace $0x8FFFFFFF  }
0x98: {  	s18 =	sld [smem:$0x3FDB];
	_ =	sdelay $0x1  }
0x99: {  	s19 =	simm.s32 $_scs_section_size  }
0x9a: {  	s4 =	simm.s32 $_size__tile_overlayer_lowered;
	s5 =	simm.s32 $_tile_overlayer_lowered  }
0x9b: {  	s22 =	simm.s32 $0x1BFF;
	s21 =	sshll.u32 s5, $0x1;
	s2 =	sadd.s32 s19, s18  }
0x9c: {  	s6 =	simm.s32 $0x0;
	s20 =	sshll.u32 s4, $0x1;
	s4 =	sadd.s32 s21, s2  }
0x9d: {  	[timem:s6], [sflag:s22] =	dma.local [hbm:s4], s20  }
0x9e: {  	_ =	swait.ge [sflag:s22], s20  }
0x9f: {  	s3 =	ssub.s32 $0x0, s20;
	[sflag:s22] =	ssyncset.done $0x0  }
0xa0: {  	[sflag:s22] =	ssyncadd.s32 s3;
	_ =	sdelay $0x1  }
0xa1: {  	s23 =	simm.s32 $0x1B8B  }
0xa2: {  	_ =	swait.ge [sflag:s23], $0x1  }
0xa3: {  	[sflag:s23] =	ssyncset.done $0x0  }
0xa4: {  	s25 =	simm.s32 $0x1B8E;
	s24 =	sld [smem:$0x3FFE];
	[sflag:s23] =	ssyncadd.s32 $0xFFFFFFFF  }
0xa5: {  	s26 =	simm.s32 $execute0_lowered;
	[smem:$0x3FD2] =	sst s25  }
0xa6: {  	s4 =	sshll.u32 s26, $0x1;
	_ =	strace $0x80000049;
	[dreg:$0x1] =	wrdreg $0xFFFFFFFF  }
0xa7: {  	s28 =	simm.s32 $_size_execute0_lowered;
	s2 =	sadd.s32 s2, s4;
	[dreg:$0x0] =	wrdreg $0x0  }
0xa8: {  	s4 =	sshll.u32 s28, $0x1;
	[dreg:$0x2] =	wrdreg s2  }
0xa9: {  	[dreg:$0x3] =	wrdreg s4  }
0xaa: {  	[dreg:$0x4] =	wrdreg $0xC0  }
0xab: {  	_ =	task [dreg:s6], $0x5FFFF  }
0xac: {  	[dreg:$0x1] =	wrdreg $0xFFFFFFFF  }
0xad: {  	[dreg:$0x0] =	wrdreg $0x60  }
0xae: {  	[dreg:$0x2] =	wrdreg s24  }
0xaf: {  	[dreg:$0x3] =	wrdreg $0xBC000  }
0xb0: {  	[dreg:$0x4] =	wrdreg $0x9  }
0xb1: {  	_ =	task.clear_ibuf [dreg:s6], $0x5FFFF;
	_ =	strace $0x90000049  }
0xb2: {  	s29 =	simm.s32 $0x9;
	_ =	strace $0x8000004B  }
0xb3: {  	_ =	swait.ge [sflag:s29], $0x1  }
0xb4: {  	[sflag:s29] =	ssyncadd.s32 $0xFFFFFFFF  }
0xb5: {  	_ =	strace $0x9000004B  }
0xb6: {  	_ =	sfence  }
0xb7: {  	s30 =	sld [smem:$0x0];
	_ =	sdelay $0x2  }
0xb8: {  	s31 =	sshll.u32 s1, $0xD;
	s1 =	sshrl.u32 s1, $0x2  }
0xb9: {  	s3 =	sand.u32 $0x4000, s31;
	s1 =	sadd.s32 s1, s30  }
0xba: {  	s0 =	sor.u32 s3, s0;
	s1 =	sshll.u32 s1, $0x11  }
0xbb: {  	s0 =	sor.u32 s1, s0  }
0xbc: {  	s0 =	sadd.s32 $0x8F2B, s0  }
0xbd: {  	[sflag:s0] =	ssyncadd.remote.s32 $0x1  }
0xbe: {  	_ =	sfence.sel $0xFFFF  }
0xbf: {  	[dreg:$0x0] =	wrdreg $0xFFFFFFFF;
	(pc) =	sbr.abs _section_cstart, $3  }
0xc0: {  	[dreg:$0x1] =	wrdreg $0xFFFFFFFF  }
0xc1: {  	_ =	task.clear_ibuf [dreg:s6], $0x2FFFF;
	_ =	strace $0x9FFFFFFF  }
0xc2: {  	(tm) =	ssettm $0x7FFFFFFF  }
0xc3: {  	_ =	shalt  }
tec
execute0_lowered:
.L_overlay_start_1:
0x0: {  	(tag) =	ssettag $0x1  }
0x1: {  	s0 =	rddreg [dreg:$0x0]  }
0x2: {  	s1 =	rddreg [dreg:$0x1];
	s2 =	srdreg.scid  }
0x3: {  	s3 =	simm.s32 $0x0;
	s26 =	stileid.u32;
	s12 =	simm.s32 $0x14  }
0x4: {  	s16 =	simm.s32 $0x3C00;
	s17 =	simm.s32 $0x1;
	s18 =	simm.s32 $0x3  }
0x5: {  	s19 =	simm.s32 $0x80;
	s20 =	simm.s32 $0x7C00;
	s21 =	simm.s32 $0x4  }
0x6: {  	s22 =	simm.s32 $0x2;
	s5 =	sand.u32 $0x1, s2;
	s7 =	smul.u32 $0x14000, s26  }
0x7: {  	[smem:$0x7FF] =	sst s3;
	s4 =	sshll.u32 s26, $0x1;
	s9 =	smul.u32 $0x50000, s26  }
0x8: {  	p0 =	sgt.u32 s26, $0xD;
	s26 =	simm.s32 $0x0;
	s6 =	smul.u32 $0x140000, s5  }
0x9: {  	_ =	strace $0x8000004A;
	s8 =	sor.u32 s5, s4;
	s4 =	sadd.s32 $0x40200, s0  }
0xa: {  	s5 =	ssub.s32 $0x2, s5;
	s12 =	simm.s32 @!p0 $0x12;
	s28 =	smul.u32 $0x4E, s8  }
0xb: {  	s29 =	sshrl.u32 s5, $0x1;
	s8 =	smax.u32 s8, $0x1C;
	s31 =	sshrl.u32 s9, $0x2  }
0xc: {  	s6 =	sadd.s32 s7, s6;
	s15 =	ssub.s32 s5, s29;
	s5 =	sadd.s32 s31, s1  }
0xd: {  	s6 =	sshrl.u32 s6, $0x3;
	s30 =	sadd.s32 s28, s8;
	s7 =	sadd.s32 $0x8000, s5  }
0xe: {  	s8 =	sadd.s32 $0xC000, s5;
	s9 =	sadd.s32 $0x10000, s5;
	s15 =	smax.u32 s15, $0x1  }
0xf: {  	s14 =	sadd.s32 s6, s0;
	s10 =	sshll.u32 s30, $0x5;
	s6 =	sadd.s32 $0x4000, s5  }
0x10: {  	s0 =	sadd.s32 s0, s10;
	s10 =	simm.s32 $0x13;
	s14 =	sadd.s32 $0x67400, s14  }
0x11: {  	v0 =	vimm.f32 $0.0e+00;
	s11 =	sadd.s32 $0x3E80, s0;
	s10 =	simm.s32 @!p0 $0x12;
	s13 =	sadd.s32 $0x4600, s0  }
.LBB2_1:
0x12: {  	s28 =	simm.s32 $0x0;
	s29 =	simm.s32 $0x200  }
.LBB2_2:
0x13: {  	p0 =	sne.s32 s29, $0xFE00;
	[tilespmem:s28+$0x3C70] =	vst v0  }
0x14: {  	[tilespmem:s28+$0x3C00] =	vst v0  }
0x15: {  	[tilespmem:s28+$0x3C10] =	vst v0  }
.Ltmp0:
0x16: {  	[tilespmem:s28+$0x3C20] =	vst v0;
	(pc) =	sbr.rel @p0 .LBB2_2-.Ltmp0, $4  }
0x17: {  	[tilespmem:s28+$0x3C30] =	vst v0  }
0x18: {  	[tilespmem:s28+$0x3C40] =	vst v0  }
0x19: {  	[tilespmem:s28+$0x3C50] =	vst v0  }
0x1a: {  	[tilespmem:s28+$0x3C60] =	vst v0;
	s28 =	sshra.s32 s29, $0x2;
	s29 =	sadd.s32 $0x200, s29  }
0x1b: {  	[tilespmem:s28+$0x3C70] =	vst v0  }
0x1c: {  	[tilespmem:s28+$0x3C00] =	vst v0  }
0x1d: {  	[tilespmem:s28+$0x3C10] =	vst v0  }
0x1e: {  	[tilespmem:s28+$0x3C20] =	vst v0  }
0x1f: {  	[tilespmem:s28+$0x3C30] =	vst v0  }
0x20: {  	[tilespmem:s28+$0x3C40] =	vst v0  }
0x21: {  	[tilespmem:s28+$0x3C50] =	vst v0  }
0x22: {  	[tilespmem:s28+$0x3C60] =	vst v0  }
0x23: {  	[spmem:s5] =	stream.linear.scatter [tilespmem:s16], [sflag:$0x1], $0x4000, $0x38;
	[tilespmem:$0x1FC00] =	vst v63  }
0x24: {  	_ = 	snop  }
0x25: {  	[spmem:s6] =	stream.linear.scatter [tilespmem:s16], [sflag:$0x1], $0x4000, $0x38;
	[tilespmem:$0x1FC00] =	vst v63  }
0x26: {  	_ = 	snop  }
0x27: {  	[spmem:s7] =	stream.linear.scatter [tilespmem:s16], [sflag:$0x1], $0x4000, $0x38;
	[tilespmem:$0x1FC00] =	vst v63  }
0x28: {  	_ = 	snop  }
0x29: {  	[spmem:s8] =	stream.linear.scatter [tilespmem:s16], [sflag:$0x1], $0x4000, $0x38;
	[tilespmem:$0x1FC00] =	vst v63  }
0x2a: {  	_ = 	snop  }
0x2b: {  	[spmem:s9] =	stream.linear.scatter [tilespmem:s16], [sflag:$0x1], $0x4000, $0x38;
	[tilespmem:$0x1FC00] =	vst v63  }
0x2c: {  	_ =	swait.ge [sflag:s17], $0x4000  }
0x2d: {  	[sflag:s17] =	ssyncset.done $0x0  }
0x2e: {  	[sflag:s17] =	ssyncadd.s32 $0xFFFFC000  }
0x2f: {  	_ =	swait.ge [sflag:s17], $0x4000  }
0x30: {  	[sflag:s17] =	ssyncset.done $0x0  }
0x31: {  	[sflag:s17] =	ssyncadd.s32 $0xFFFFC000  }
0x32: {  	_ =	swait.ge [sflag:s17], $0x4000  }
0x33: {  	[sflag:s17] =	ssyncset.done $0x0  }
0x34: {  	[sflag:s17] =	ssyncadd.s32 $0xFFFFC000  }
0x35: {  	_ =	swait.ge [sflag:s17], $0x4000  }
0x36: {  	[sflag:s17] =	ssyncset.done $0x0  }
0x37: {  	[sflag:s17] =	ssyncadd.s32 $0xFFFFC000  }
0x38: {  	_ =	swait.ge [sflag:s17], $0x4000  }
0x39: {  	[sflag:s17] =	ssyncset.done $0x0  }
0x3a: {  	[sflag:s17] =	ssyncadd.s32 $0xFFFFC000  }
0x3b: {  	[bflag:$0x0] =	sbarrier.arrive $0xFFFF  }
0x3c: {  	[tilespmem:s3], [sflag:$0x3] =	stream.linear.gather [hbm4b:s11+s3], $0x3C00, $0x38;
	[tilespmem:$0x1FC00] =	vst v63  }
0x3d: {  	_ =	swait.ge [sflag:s18], $0x3C00  }
0x3e: {  	[sflag:s18] =	ssyncset.done $0x0  }
0x3f: {  	[sflag:s18] =	ssyncadd.s32 $0xFFFFC400  }
0x40: {  	[tilespmem:s16], [sflag:$0x1] =	stream.indirect.gather [hbm4b:s4+s19], $0x80, s3, s19, $0xb8;
	[tilespmem:$0x1FC00] =	vst v63  }
0x41: {  	s0 =	simm.s32 $0x100  }
0x42: {  	[tilespmem:s20], [sflag:$0x2] =	stream.indirect.gather [hbm4b:s4+s19], $0x80, s0, s19, $0xb8;
	[tilespmem:$0x1FC00] =	vst v63  }
0x43: {  	_ =	swait.ge [sflag:s17], $0x4000  }
0x44: {  	[sflag:s17] =	ssyncset.done $0x0  }
0x45: {  	s29 =	simm.s32 $0x80;
	[sflag:s17] =	ssyncadd.s32 $0xFFFFC000  }
0x46: {  	[spmem:s1] =	stream.indirect.scatter.add.f32 [tilespmem:s16], [sflag:$0x4], $0x80, s29, s19, $0xb8;
	[tilespmem:$0x1FC00] =	vst v63  }
0x47: {  	_ =	swait.ge [sflag:s21], $0x4000  }
0x48: {  	[sflag:s21] =	ssyncset.done $0x0  }
0x49: {  	s30 =	simm.s32 $0x200;
	[sflag:s21] =	ssyncadd.s32 $0xFFFFC000  }
0x4a: {  	[tilespmem:s16], [sflag:$0x1] =	stream.indirect.gather [hbm4b:s4+s19], $0x80, s30, s19, $0xb8;
	[tilespmem:$0x1FC00] =	vst v63  }
0x4b: {  	_ =	swait.ge [sflag:s22], $0x4000  }
0x4c: {  	[sflag:s22] =	ssyncset.done $0x0  }
0x4d: {  	s31 =	simm.s32 $0x180;
	[sflag:s22] =	ssyncadd.s32 $0xFFFFC000  }
0x4e: {  	[spmem:s1] =	stream.indirect.scatter.add.f32 [tilespmem:s20], [sflag:$0x3], $0x80, s31, s19, $0xb8;
	[tilespmem:$0x1FC00] =	vst v63  }
0x4f: {  	_ =	swait.ge [sflag:s18], $0x4000  }
0x50: {  	s28 =	simm.s32 $0xFFFFC800;
	s0 =	simm.s32 $0xFFFF2800;
	[sflag:s18] =	ssyncset.done $0x0  }
.LBB2_4:
0x51: {  	s29 =	sadd.s32 $0x3B00, s28  }
0x52: {  	[sflag:s18] =	ssyncadd.s32 $0xFFFFC000;
	s30 =	smov.u32 s0;
	s31 =	sadd.s32 $0x800, s0  }
0x53: {  	[tilespmem:s20], [sflag:$0x2] =	stream.indirect.gather [hbm4b:s4+s19], $0x80, s29, s19, $0xb8;
	[tilespmem:$0x1FC00] =	vst v63  }
0x54: {  	p0 =	sne.s32 s0, $0xFFFFF800;
	_ =	swait.ge [sflag:s17], $0x4000  }
0x55: {  	[sflag:s17] =	ssyncset.done $0x0  }
0x56: {  	s0 =	sadd.s32 $0x3A80, s28;
	[sflag:s17] =	ssyncadd.s32 $0xFFFFC000  }
0x57: {  	[spmem:s1] =	stream.indirect.scatter.add.f32 [tilespmem:s16], [sflag:$0x4], $0x80, s0, s19, $0xb8;
	[tilespmem:$0x1FC00] =	vst v63  }
0x58: {  	_ =	swait.ge [sflag:s21], $0x4000  }
0x59: {  	[sflag:s21] =	ssyncset.done $0x0  }
0x5a: {  	s0 =	sadd.s32 $0x3C00, s28;
	[sflag:s21] =	ssyncadd.s32 $0xFFFFC000  }
0x5b: {  	[tilespmem:s16], [sflag:$0x1] =	stream.indirect.gather [hbm4b:s4+s19], $0x80, s0, s19, $0xb8;
	[tilespmem:$0x1FC00] =	vst v63  }
0x5c: {  	_ =	swait.ge [sflag:s22], $0x4000  }
.Ltmp1:
0x5d: {  	[sflag:s22] =	ssyncset.done $0x0;
	(pc) =	sbr.rel @p0 .LBB2_4-.Ltmp1, $4  }
0x5e: {  	s0 =	sadd.s32 $0x3B80, s28;
	[sflag:s22] =	ssyncadd.s32 $0xFFFFC000  }
0x5f: {  	[spmem:s1] =	stream.indirect.scatter.add.f32 [tilespmem:s20], [sflag:$0x3], $0x80, s0, s19, $0xb8;
	[tilespmem:$0x1FC00] =	vst v63  }
0x60: {  	_ =	swait.ge [sflag:s18], $0x4000  }
0x61: {  	s28 =	sshra.s32 s30, $0x2;
	s0 =	smov.u32 s31;
	[sflag:s18] =	ssyncset.done $0x0  }
0x62: {  	s0 =	sadd.s32 $0x3B00, s28;
	[sflag:s18] =	ssyncadd.s32 $0xFFFFC000  }
0x63: {  	[tilespmem:s20], [sflag:$0x2] =	stream.indirect.gather [hbm4b:s4+s19], $0x80, s0, s19, $0xb8;
	[tilespmem:$0x1FC00] =	vst v63  }
0x64: {  	_ =	swait.ge [sflag:s17], $0x4000  }
0x65: {  	[sflag:s17] =	ssyncset.done $0x0  }
0x66: {  	s31 =	sadd.s32 $0x3A80, s28;
	[sflag:s17] =	ssyncadd.s32 $0xFFFFC000  }
0x67: {  	[spmem:s1] =	stream.indirect.scatter.add.f32 [tilespmem:s16], [sflag:$0x4], $0x80, s31, s19, $0xb8;
	[tilespmem:$0x1FC00] =	vst v63  }
0x68: {  	_ =	swait.ge [sflag:s21], $0x4000  }
0x69: {  	[sflag:s21] =	ssyncset.done $0x0  }
0x6a: {  	s2 =	sadd.s32 $0x3C00, s28;
	[sflag:s21] =	ssyncadd.s32 $0xFFFFC000  }
0x6b: {  	[tilespmem:s16], [sflag:$0x1] =	stream.indirect.gather [hbm4b:s4+s19], $0x80, s2, s19, $0xb8;
	[tilespmem:$0x1FC00] =	vst v63  }
0x6c: {  	_ =	swait.ge [sflag:s22], $0x4000  }
0x6d: {  	[sflag:s22] =	ssyncset.done $0x0  }
0x6e: {  	s23 =	sadd.s32 $0x3B80, s28;
	[sflag:s22] =	ssyncadd.s32 $0xFFFFC000  }
0x6f: {  	[spmem:s1] =	stream.indirect.scatter.add.f32 [tilespmem:s20], [sflag:$0x3], $0x80, s23, s19, $0xb8;
	[tilespmem:$0x1FC00] =	vst v63  }
0x70: {  	_ =	swait.ge [sflag:s18], $0x4000  }
0x71: {  	[sflag:s18] =	ssyncset.done $0x0  }
0x72: {  	s24 =	simm.s32 $0x3B00;
	[sflag:s18] =	ssyncadd.s32 $0xFFFFC000  }
0x73: {  	[tilespmem:s20], [sflag:$0x2] =	stream.indirect.gather [hbm4b:s4+s19], $0x80, s24, s19, $0xb8;
	[tilespmem:$0x1FC00] =	vst v63  }
0x74: {  	_ =	swait.ge [sflag:s17], $0x4000  }
0x75: {  	[sflag:s17] =	ssyncset.done $0x0  }
0x76: {  	s25 =	simm.s32 $0x3A80;
	[sflag:s17] =	ssyncadd.s32 $0xFFFFC000  }
0x77: {  	[spmem:s1] =	stream.indirect.scatter.add.f32 [tilespmem:s16], [sflag:$0x4], $0x80, s25, s19, $0xb8;
	[tilespmem:$0x1FC00] =	vst v63  }
0x78: {  	_ =	swait.ge [sflag:s21], $0x4000  }
0x79: {  	[sflag:s21] =	ssyncset.done $0x0  }
0x7a: {  	[sflag:s21] =	ssyncadd.s32 $0xFFFFC000  }
0x7b: {  	_ =	swait.ge [sflag:s22], $0x4000  }
0x7c: {  	[sflag:s22] =	ssyncset.done $0x0  }
0x7d: {  	s30 =	simm.s32 $0x3B80;
	[sflag:s22] =	ssyncadd.s32 $0xFFFFC000  }
0x7e: {  	[spmem:s1] =	stream.indirect.scatter.add.f32 [tilespmem:s20], [sflag:$0x3], $0x80, s30, s19, $0xb8;
	[tilespmem:$0x1FC00] =	vst v63  }
0x7f: {  	_ =	swait.ge [sflag:s18], $0x4000  }
0x80: {  	[sflag:s18] =	ssyncset.done $0x0  }
0x81: {  	p0 =	sne.s32 s12, $0x2;
	s31 =	simm.s32 $0x0;
	[sflag:s18] =	ssyncadd.s32 $0xFFFFC000  }
0x82: {  	[tilespmem:s31], [sflag:$0x3] =	stream.linear.gather [hbm4b:s13+s31], $0x3C00, $0x38;
	[tilespmem:$0x1FC00] =	vst v63  }
.Ltmp2:
0x83: {  	_ = 	snop;
	(pc) =	sbr.rel @!p0 .LBB2_6-.Ltmp2, $4  }
0x84: {  	_ =	swait.ge [sflag:s18], $0x3C00  }
0x85: {  	s28 =	simm.s32 $0x200;
	s29 =	simm.s32 $0x2;
	[sflag:s18] =	ssyncset.done $0x0  }
0x86: {  	p1 =	por $0x0, $0x0;
	s0 =	simm.s32 $0x1;
	[sflag:s18] =	ssyncadd.s32 $0xFFFFC400  }
0x87: {  	[tilespmem:s16], [sflag:$0x1] =	stream.indirect.gather [hbm4b:s4+s19], $0x80, s31, s19, $0xb8;
	[tilespmem:$0x1FC00] =	vst v63  }
0x88: {  	p0 =	sle.u32 s10, $0x1  }
0x89: {  	s0 =	simm.s32 @!p0 $0x100  }
0x8a: {  	s30 =	simm.s32 @!p0 $0x80;
	s23 =	simm.s32 @!p0 $0x7C00;
	p0 =	por p0, p0  }
0x8b: {  	[tilespmem:s23], [sflag:$0x2] =	stream.indirect.gather @!p0 [hbm4b:s4+s30], $0x80, s0, s30, $0xb8;
	[tilespmem:$0x1FC00] =	vst v63  }
0x8c: {  	_ =	swait.ge [sflag:s17], $0x4000  }
0x8d: {  	[sflag:s17] =	ssyncset.done $0x0  }
0x8e: {  	s25 =	simm.s32 $0x80;
	[sflag:s17] =	ssyncadd.s32 $0xFFFFC000  }
0x8f: {  	[spmem:s1] =	stream.indirect.scatter.add.f32 [tilespmem:s16], [sflag:$0x4], $0x80, s25, s19, $0xb8;
	[tilespmem:$0x1FC00] =	vst v63  }
0x90: {  	p1 =	sle.u32 s10, $0x2;
	_ =	swait.ge [sflag:s21], $0x4000  }
0x91: {  	p2 =	sne.s32 s12, $0x4;
	s29 =	simm.s32 @!p1 $0x3C00;
	[sflag:s21] =	ssyncset.done $0x0  }
0x92: {  	s0 =	simm.s32 @!p1 $0x80;
	s24 =	simm.s32 @!p0 $0x2;
	[sflag:s21] =	ssyncadd.s32 $0xFFFFC000  }
0x93: {  	[tilespmem:s29], [sflag:$0x1] =	stream.indirect.gather @!p1 [hbm4b:s4+s0], $0x80, s28, s0, $0xb8;
	[tilespmem:$0x1FC00] =	vst v63  }
.Ltmp3:
0x94: {  	s31 =	simm.s32 @!p0 $0x3;
	_ =	swait.ge @!p0 [sflag:s24], $0x4000;
	(pc) =	sbr.rel @!p2 .LBB2_9-.Ltmp3, $4  }
0x95: {  	s29 =	simm.s32 $0x4;
	s0 =	simm.s32 @!p0 $0x180;
	[sflag:s24] =	ssyncset.done @!p0 $0x0  }
0x96: {  	s28 =	simm.s32 $0x400;
	p1 =	por $0x1, $0x1;
	[sflag:s24] =	ssyncadd.s32 @!p0 $0xFFFFC000  }
0x97: {  	[spmem:s1] =	stream.indirect.scatter.add.f32 @!p0 [tilespmem:s23], [sflag:$0x3], $0x80, s0, s30, $0xb8;
	[tilespmem:$0x1FC00] =	vst v63  }
0x98: {  	s0 =	simm.s32 $0x3;
	s30 =	simm.s32 $0x4;
	_ =	swait.ge @!p0 [sflag:s31], $0x4000  }
.LBB2_8:
0x99: {  	p3 =	sge.u32 s0, s10  }
0x9a: {  	[sflag:s31] =	ssyncset.done @!p0 $0x0;
	s0 =	smov.u32 s30;
	s30 =	sadd.s32 $0x2, s30  }
0x9b: {  	s23 =	sadd.s32 @!p3 $0xFFFFFF00, s28;
	s24 =	simm.s32 @!p3 $0x80;
	s25 =	simm.s32 @!p3 $0x7C00  }
0x9c: {  	p2 =	sne.s32 s12, s30;
	[sflag:s31] =	ssyncadd.s32 @!p0 $0xFFFFC000;
	p0 =	por p3, p3  }
0x9d: {  	[tilespmem:s25], [sflag:$0x2] =	stream.indirect.gather @!p0 [hbm4b:s4+s24], $0x80, s23, s24, $0xb8;
	[tilespmem:$0x1FC00] =	vst v63  }
0x9e: {  	_ =	swait.ge [sflag:s17], $0x4000  }
0x9f: {  	s23 =	sadd.s32 $0xFFFFFE80, s28;
	[sflag:s17] =	ssyncset.done $0x0  }
0xa0: {  	[sflag:s17] =	ssyncadd.s32 $0xFFFFC000  }
0xa1: {  	[spmem:s1] =	stream.indirect.scatter.add.f32 [tilespmem:s16], [sflag:$0x4], $0x80, s23, s19, $0xb8;
	[tilespmem:$0x1FC00] =	vst v63  }
0xa2: {  	p3 =	sge.u32 s29, s10;
	s29 =	smov.u32 s30;
	_ =	swait.ge [sflag:s21], $0x4000  }
0xa3: {  	s2 =	simm.s32 @!p0 $0x2;
	s23 =	simm.s32 @!p3 $0x80;
	[sflag:s21] =	ssyncset.done $0x0  }
0xa4: {  	s31 =	simm.s32 @!p3 $0x3C00;
	[sflag:s21] =	ssyncadd.s32 $0xFFFFC000  }
0xa5: {  	[tilespmem:s31], [sflag:$0x1] =	stream.indirect.gather @!p3 [hbm4b:s4+s23], $0x80, s28, s23, $0xb8;
	[tilespmem:$0x1FC00] =	vst v63  }
.Ltmp4:
0xa6: {  	_ =	swait.ge @!p0 [sflag:s2], $0x4000;
	(pc) =	sbr.rel @p2 .LBB2_8-.Ltmp4, $4  }
0xa7: {  	s23 =	sadd.s32 @!p0 $0xFFFFFF80, s28;
	s31 =	simm.s32 @!p0 $0x3;
	[sflag:s2] =	ssyncset.done @!p0 $0x0  }
0xa8: {  	[sflag:s2] =	ssyncadd.s32 @!p0 $0xFFFFC000  }
0xa9: {  	[spmem:s1] =	stream.indirect.scatter.add.f32 @!p0 [tilespmem:s25], [sflag:$0x3], $0x80, s23, s24, $0xb8;
	[tilespmem:$0x1FC00] =	vst v63  }
0xaa: {  	s0 =	sadd.s32 $0x1, s0;
	s28 =	sadd.s32 $0x200, s28;
	_ =	swait.ge @!p0 [sflag:s31], $0x4000  }
.LBB2_9:
0xab: {  	p2 =	sge.u32 s0, s10;
	p0 =	por p0, !p1  }
0xac: {  	[sflag:s31] =	ssyncset.done @!p0 $0x0;
	s0 =	sadd.s32 @!p2 $0xFFFFFF00, s28;
	s2 =	simm.s32 @!p2 $0x80  }
0xad: {  	s23 =	simm.s32 @!p2 $0x7C00;
	[sflag:s31] =	ssyncadd.s32 @!p0 $0xFFFFC000;
	p0 =	por p2, p2  }
0xae: {  	[tilespmem:s23], [sflag:$0x2] =	stream.indirect.gather @!p0 [hbm4b:s4+s2], $0x80, s0, s2, $0xb8;
	[tilespmem:$0x1FC00] =	vst v63  }
0xaf: {  	_ =	swait.ge [sflag:s17], $0x4000  }
0xb0: {  	[sflag:s17] =	ssyncset.done $0x0  }
0xb1: {  	s25 =	sadd.s32 $0xFFFFFE80, s28;
	[sflag:s17] =	ssyncadd.s32 $0xFFFFC000  }
0xb2: {  	[spmem:s1] =	stream.indirect.scatter.add.f32 [tilespmem:s16], [sflag:$0x4], $0x80, s25, s19, $0xb8;
	[tilespmem:$0x1FC00] =	vst v63  }
0xb3: {  	p1 =	sge.u32 s29, s10;
	_ =	swait.ge [sflag:s21], $0x4000  }
0xb4: {  	s0 =	simm.s32 @!p1 $0x80;
	[sflag:s21] =	ssyncset.done $0x0  }
0xb5: {  	s24 =	simm.s32 @!p0 $0x2;
	s25 =	simm.s32 @!p1 $0x3C00;
	[sflag:s21] =	ssyncadd.s32 $0xFFFFC000  }
0xb6: {  	[tilespmem:s25], [sflag:$0x1] =	stream.indirect.gather @!p1 [hbm4b:s4+s0], $0x80, s28, s0, $0xb8;
	[tilespmem:$0x1FC00] =	vst v63  }
0xb7: {  	_ =	swait.ge @!p0 [sflag:s24], $0x4000  }
0xb8: {  	[sflag:s24] =	ssyncset.done @!p0 $0x0  }
0xb9: {  	s0 =	sadd.s32 @!p0 $0xFFFFFF80, s28;
	s25 =	simm.s32 @!p0 $0x3;
	[sflag:s24] =	ssyncadd.s32 @!p0 $0xFFFFC000  }
0xba: {  	[spmem:s1] =	stream.indirect.scatter.add.f32 @!p0 [tilespmem:s23], [sflag:$0x3], $0x80, s0, s2, $0xb8;
	[tilespmem:$0x1FC00] =	vst v63  }
0xbb: {  	_ =	swait.ge @!p0 [sflag:s25], $0x4000  }
0xbc: {  	s30 =	stileid.u32;
	s26 =	sadd.s32 $0x1, s26;
	[sflag:s25] =	ssyncset.done @!p0 $0x0  }
0xbd: {  	s31 =	sshrl.u32 s5, $0x3;
	s0 =	sshll.u32 s30, $0x6;
	[sflag:s25] =	ssyncadd.s32 @!p0 $0xFFFFC000  }
0xbe: {  	s0 =	sor.u32 $0x1C03, s0;
	p0 =	sne.s32 s26, s15;
	[bflag:$0x0] =	sbarrier.arrive $0xFFFF  }
0xbf: {  	[hbm:s14], [sflag:s0] =	dma.local [spmem:s31], $0x2800  }
.Ltmp5:
0xc0: {  	_ = 	snop;
	(pc) =	sbr.rel @p0 .LBB2_1-.Ltmp5, $4  }
.Ltmp6:
0xc1: {  	_ = 	snop;
	(pc) =	sbr.rel @!p0 .LBB2_10-.Ltmp6, $4  }
0xc2: {  	_ =	swait.ge [sflag:s18], $0x2800  }
0xc3: {  	[sflag:s18] =	ssyncset.done $0x0  }
0xc4: {  	[sflag:s18] =	ssyncadd.s32 $0xFFFFD800  }
0xc5: {  	_ = 	snop  }
.LBB2_6:
.Ltmp7:
0xc6: {  	(pc) =	sbr.rel .LBB2_9-.Ltmp7, $2  }
0xc7: {  	_ =	sdelay $0x2  }
0xc8: {  	_ = 	snop  }
.LBB2_10:
0xc9: {  	_ =	sfence.sel $0x180000  }
0xca: {  	[bflag:$0x0] =	sbarrier.arrive $0xFFFF  }
0xcb: {  	_ =	strace $0x9000004A  }
0xcc: {  	s0 =	stileid.u32;
	[bflag:$0x2] =	sbarrier.arrive $0xFFFF  }
0xcd: {  	p0 =	sne.s32 s0, $0x0;
	s0 =	rddreg [dreg:$0x2]  }
0xce: {  	s0 =	sadd.s32 @!p0 $0x100000, s0  }
0xcf: {  	[sflag:s0] =	ssyncadd.tile.s32 @!p0 $0x1;
	_ =	shalt  }
.Lfunc_end2:
_tile_overlayer_lowered:
.L_overlay_start_2:
0xd0: {  	(tag) =	ssettag $0x2  }
0xd1: {  	s0 =	rddreg [dreg:$0x0];
	s2 =	stileid.u32  }
0xd2: {  	s1 =	rddreg [dreg:$0x1];
	p0 =	sne.s32 s2, $0x0  }
0xd3: {  	s3 =	rddreg [dreg:$0x2];
	[bflag:$0x3] =	sbarrier.arrive $0xFFFF;
	s2 =	simm.s32 @!p0 $0x1C03  }
0xd4: {  	[timem:s3], [sflag:s2] =	dma.local @!p0 [hbm:s0], s1  }
0xd5: {  	s0 =	simm.s32 @!p0 $0x3  }
0xd6: {  	_ =	swait.ge @!p0 [sflag:s0], s1  }
0xd7: {  	s1 =	ssub.s32 @!p0 $0x0, s1;
	[sflag:s0] =	ssyncset.done @!p0 $0x0  }
0xd8: {  	[sflag:s0] =	ssyncadd.s32 @!p0 s1  }
0xd9: {  	[bflag:$0x3] =	sbarrier.arrive $0xFFFF  }
0xda: {  	_ =	shalt  }

// kernel: kernel.15.cloned.1.call-start
scs
__scs_entry_jumppad:
0x0: {  	(pc) =	sbr.rel $0x88, $3  }
0x1: {  	(tag) =	ssettag $0x0;
	lr =	simm.s32 $0x1  }
0x2: {  	[smem:$0x3F95] =	sst lr;
	_ =	strace $0xD0000000  }
0x3: {  	_ = 	snop  }
0x4: {  	_ = 	snop  }
0x5: {  	_ = 	snop  }
0x6: {  	_ = 	snop  }
0x7: {  	_ = 	snop  }
__scs_overlays_trampoline_lowered:
0x8: {  	[smem:$0x3FA4] =	sst s0  }
0x9: {  	[smem:$0x3FA5] =	sst s1  }
0xa: {  	[smem:$0x3FA6] =	sst s2  }
0xb: {  	[smem:$0x3FA7] =	sst s3  }
0xc: {  	[smem:$0x3FA8] =	sst s4  }
0xd: {  	[smem:$0x3FA9] =	sst s5  }
0xe: {  	[smem:$0x3FAA] =	sst s6  }
0xf: {  	[smem:$0x3FAB] =	sst s7  }
0x10: {  	[smem:$0x3FAC] =	sst s8  }
0x11: {  	[smem:$0x3FAD] =	sst s9;
	s0 =	simm.s32 @!p0 $0x0  }
0x12: {  	s1 =	sld [smem:$0x3F93];
	s0 =	simm.s32 @p0 $0x1  }
0x13: {  	[smem:$0x3FAE] =	sst s0;
	s0 =	simm.s32 @!p1 $0x0  }
0x14: {  	s2 =	sld [smem:$0x3F92];
	s0 =	simm.s32 @p1 $0x1  }
0x15: {  	[smem:$0x3FAF] =	sst s0;
	s0 =	simm.s32 @!p2 $0x0  }
0x16: {  	s3 =	sld [smem:$0x3FDB];
	s0 =	simm.s32 @p2 $0x1  }
0x17: {  	s4 =	simm.s32 $0x1BF5;
	[smem:$0x3FB1] =	sst s0  }
0x18: {  	s0 =	sld [smem:$0x3F94];
	_ =	swait.ge [sflag:s4], $0x0  }
0x19: {  	s7 =	sld [smem:$0x3F95]  }
0x1a: {  	s8 =	sadd.s32 $0xFFFFE003, lr  }
0x1b: {  	s9 =	sadd.s32 $0xFFFFFEF7, lr;
	s5 =	simm.s32 $0xFFFFFFFF;
	p2 =	slt.u32 s8, $0xFFFFF086  }
0x1c: {  	p1 =	slt.u32 s9, $0xF7A;
	s5 =	simm.s32 @!p2 $0x0  }
0x1d: {  	s5 =	simm.s32 @p1 $0x1;
	p0 =	seq.s32 s7, s2  }
0x1e: {  	s7 =	smul.u32 @!p0 $0xF7A, s2;
	p2 =	seq.s32 @!p0 s5, $0x0  }
0x1f: {  	s9 =	smul.u32 $0xF7A, s1;
	s8 =	simm.s32 @!p0 $0x1BF5;
	p2 =	por !p2, p0  }
0x20: {  	[sflag:s8] =	ssyncset.s32 @!p0 $0xFFFFF086;
	s6 =	sadd.s32 @!p0 s3, s7;
	s7 =	simm.s32 @!p0 $0x108  }
0x21: {  	s3 =	sadd.s32 s3, s9;
	s6 =	sadd.s32 @!p0 $0x88, s6;
	s7 =	simm.s32 @p2 $0x1082  }
0x22: {  	[simem:s7], [sflag:s8] =	dma.local @!p0 [hbm:s6], $0xF7A  }
0x23: {  	s9 =	sor.u32 $0xD0000000, s2;
	s6 =	simm.s32 $0x108;
	_ =	swait.ge @!p0 [sflag:s8], $0x0  }
0x24: {  	s3 =	sadd.s32 $0x88, s3;
	s6 =	simm.s32 @!p1 $0x1082;
	[sflag:s4] =	ssyncset.s32 $0xFFFFF086  }
0x25: {  	[simem:s6], [sflag:s4] =	dma.local [hbm:s3], $0xF7A  }
0x26: {  	[smem:$0x3F95] =	sst s1;
	(tag) =	ssettag s2;
	_ =	strace s9  }
0x27: {  	s1 =	sld [smem:$0x3FA5]  }
0x28: {  	s2 =	sld [smem:$0x3FA6]  }
0x29: {  	s4 =	sld [smem:$0x3FA8]  }
0x2a: {  	p0 =	seq.s32 s5, $0x0;
	s5 =	sld [smem:$0x3FA9]  }
0x2b: {  	s6 =	sld [smem:$0x3FAA]  }
0x2c: {  	s7 =	sld [smem:$0x3FAB]  }
0x2d: {  	s3 =	simm.s32 $0x108;
	s8 =	sld [smem:$0x3FAC]  }
0x2e: {  	s3 =	simm.s32 @!p0 $0x1082;
	s9 =	sld [smem:$0x3FAD]  }
0x2f: {  	lr =	sadd.s32 s0, s3;
	s0 =	sld [smem:$0x3FA4]  }
0x30: {  	s3 =	sld [smem:$0x3FA7]  }
0x31: {  	[smem:$0x3FB0] =	sst s10  }
0x32: {  	s10 =	sld [smem:$0x3FAE];
	_ =	sdelay $0x3  }
0x33: {  	p0 =	seq.s32 s10, $0x1;
	s10 =	sld [smem:$0x3FB0];
	_ =	sdelay $0x3  }
0x34: {  	[smem:$0x3FB0] =	sst s10  }
0x35: {  	s10 =	sld [smem:$0x3FAF];
	_ =	sdelay $0x3  }
0x36: {  	p1 =	seq.s32 s10, $0x1;
	s10 =	sld [smem:$0x3FB0];
	_ =	sdelay $0x3  }
0x37: {  	[smem:$0x3FB0] =	sst s10  }
0x38: {  	s10 =	sld [smem:$0x3FB1]  }
0x39: {  	_ = 	snop;
	(pc) =	sbr.ind lr, $3  }
0x3a: {  	_ = 	snop  }
0x3b: {  	_ = 	snop  }
0x3c: {  	p2 =	seq.s32 s10, $0x1;
	s10 =	sld [smem:$0x3FB0]  }
0x3d: {  	_ =	shalt  }
0x3e: {  	_ =	shalt  }
0x3f: {  	_ =	shalt  }
0x40: {  	_ =	shalt  }
0x41: {  	_ =	shalt  }
0x42: {  	_ =	shalt  }
0x43: {  	_ =	shalt  }
0x44: {  	_ =	shalt  }
0x45: {  	_ =	shalt  }
0x46: {  	_ =	shalt  }
0x47: {  	_ =	shalt  }
0x48: {  	_ =	shalt  }
0x49: {  	_ =	shalt  }
0x4a: {  	_ =	shalt  }
0x4b: {  	_ =	shalt  }
0x4c: {  	_ =	shalt  }
0x4d: {  	_ =	shalt  }
0x4e: {  	_ =	shalt  }
0x4f: {  	_ =	shalt  }
0x50: {  	_ =	shalt  }
0x51: {  	_ =	shalt  }
0x52: {  	_ =	shalt  }
0x53: {  	_ =	shalt  }
0x54: {  	_ =	shalt  }
0x55: {  	_ =	shalt  }
0x56: {  	_ =	shalt  }
0x57: {  	_ =	shalt  }
0x58: {  	_ =	shalt  }
0x59: {  	_ =	shalt  }
0x5a: {  	_ =	shalt  }
0x5b: {  	_ =	shalt  }
0x5c: {  	_ =	shalt  }
0x5d: {  	_ =	shalt  }
0x5e: {  	_ =	shalt  }
0x5f: {  	_ =	shalt  }
0x60: {  	_ =	shalt  }
0x61: {  	_ =	shalt  }
0x62: {  	_ =	shalt  }
0x63: {  	_ =	shalt  }
0x64: {  	_ =	shalt  }
0x65: {  	_ =	shalt  }
0x66: {  	_ =	shalt  }
0x67: {  	_ =	shalt  }
0x68: {  	_ =	shalt  }
0x69: {  	_ =	shalt  }
0x6a: {  	_ =	shalt  }
0x6b: {  	_ =	shalt  }
0x6c: {  	_ =	shalt  }
0x6d: {  	_ =	shalt  }
0x6e: {  	_ =	shalt  }
0x6f: {  	_ =	shalt  }
0x70: {  	_ =	shalt  }
0x71: {  	_ =	shalt  }
0x72: {  	_ =	shalt  }
0x73: {  	_ =	shalt  }
0x74: {  	_ =	shalt  }
0x75: {  	_ =	shalt  }
0x76: {  	_ =	shalt  }
0x77: {  	_ =	shalt  }
0x78: {  	_ =	shalt  }
0x79: {  	_ =	shalt  }
0x7a: {  	_ =	shalt  }
0x7b: {  	_ =	shalt  }
0x7c: {  	_ =	shalt  }
0x7d: {  	_ =	shalt  }
0x7e: {  	_ =	shalt  }
0x7f: {  	_ =	shalt  }
0x80: {  	_ =	shalt  }
0x81: {  	_ =	shalt  }
0x82: {  	_ =	shalt  }
0x83: {  	_ =	shalt  }
0x84: {  	_ =	shalt  }
0x85: {  	_ =	shalt  }
0x86: {  	_ =	shalt  }
0x87: {  	_ =	shalt  }
.Lfunc_end0:
.L_simem_size_0:
called_computation.2_lowered:
.L_overlay_start_0:
0x88: {  	s2 =	sld [smem:$0x3FD9]  }
0x89: {  	s3 =	sld [smem:$0x3FFE];
	_ =	sdelay $0x1  }
0x8a: {  	s1 =	srdreg.scid  }
0x8b: {  	s0 =	sand.u32 $0x1, s1  }
0x8c: {  	s16 =	sshll.u32 s0, $0xA;
	s2 =	sadd.s32 s3, s2  }
0x8d: {  	s2 =	sadd.s32 s2, s16  }
0x8e: {  	[smem:$0x3FBC] =	sst s2  }
0x8f: {  	_ = 	snop  }
0x90: {  	(tm) =	ssettm $0x1  }
0x91: {  	s17 =	sld [smem:$0x3FFB];
	_ =	sdelay $0x3  }
0x92: {  	_ =	strace s17  }
0x93: {  	s2 =	sld [smem:$0x3FFC];
	_ =	sdelay $0x3  }
0x94: {  	_ =	strace s2  }
0x95: {  	s2 =	sld [smem:$0x3FFD];
	_ =	sdelay $0x3  }
0x96: {  	_ =	strace s2  }
0x97: {  	_ =	strace $0x8FFFFFFF  }
0x98: {  	s18 =	sld [smem:$0x3FDB];
	_ =	sdelay $0x1  }
0x99: {  	s19 =	simm.s32 $_scs_section_size  }
0x9a: {  	s4 =	simm.s32 $_size__tile_overlayer_lowered;
	s5 =	simm.s32 $_tile_overlayer_lowered  }
0x9b: {  	s22 =	simm.s32 $0x1BFF;
	s21 =	sshll.u32 s5, $0x1;
	s2 =	sadd.s32 s19, s18  }
0x9c: {  	s6 =	simm.s32 $0x0;
	s20 =	sshll.u32 s4, $0x1;
	s4 =	sadd.s32 s21, s2  }
0x9d: {  	[timem:s6], [sflag:s22] =	dma.local [hbm:s4], s20  }
0x9e: {  	_ =	swait.ge [sflag:s22], s20  }
0x9f: {  	s3 =	ssub.s32 $0x0, s20;
	[sflag:s22] =	ssyncset.done $0x0  }
0xa0: {  	[sflag:s22] =	ssyncadd.s32 s3;
	_ =	sdelay $0x1  }
0xa1: {  	s23 =	simm.s32 $0x1B8B  }
0xa2: {  	_ =	swait.ge [sflag:s23], $0x1  }
0xa3: {  	[sflag:s23] =	ssyncset.done $0x0  }
0xa4: {  	s25 =	simm.s32 $0x1B8E;
	s24 =	sld [smem:$0x3FFE];
	[sflag:s23] =	ssyncadd.s32 $0xFFFFFFFF  }
0xa5: {  	s26 =	simm.s32 $execute0_lowered;
	[smem:$0x3FD2] =	sst s25  }
0xa6: {  	s4 =	sshll.u32 s26, $0x1;
	_ =	strace $0x8000004C;
	[dreg:$0x1] =	wrdreg $0xFFFFFFFF  }
0xa7: {  	s28 =	simm.s32 $_size_execute0_lowered;
	s2 =	sadd.s32 s2, s4;
	[dreg:$0x0] =	wrdreg $0x0  }
0xa8: {  	s4 =	sshll.u32 s28, $0x1;
	[dreg:$0x2] =	wrdreg s2  }
0xa9: {  	[dreg:$0x3] =	wrdreg s4  }
0xaa: {  	[dreg:$0x4] =	wrdreg $0xC0  }
0xab: {  	_ =	task [dreg:s6], $0x5FFFF  }
0xac: {  	[dreg:$0x1] =	wrdreg $0xFFFFFFFF  }
0xad: {  	[dreg:$0x0] =	wrdreg $0x60  }
0xae: {  	[dreg:$0x2] =	wrdreg s24  }
0xaf: {  	[dreg:$0x3] =	wrdreg $0xBC000  }
0xb0: {  	[dreg:$0x4] =	wrdreg $0x9  }
0xb1: {  	_ =	task.clear_ibuf [dreg:s6], $0x5FFFF;
	_ =	strace $0x9000004C  }
0xb2: {  	s29 =	simm.s32 $0x9;
	_ =	strace $0x8000004E  }
0xb3: {  	_ =	swait.ge [sflag:s29], $0x1  }
0xb4: {  	[sflag:s29] =	ssyncadd.s32 $0xFFFFFFFF  }
0xb5: {  	_ =	strace $0x9000004E  }
0xb6: {  	_ =	sfence  }
0xb7: {  	s30 =	sld [smem:$0x0];
	_ =	sdelay $0x2  }
0xb8: {  	s31 =	sshll.u32 s1, $0xD;
	s1 =	sshrl.u32 s1, $0x2  }
0xb9: {  	s3 =	sand.u32 $0x4000, s31;
	s1 =	sadd.s32 s1, s30  }
0xba: {  	s0 =	sor.u32 s3, s0;
	s1 =	sshll.u32 s1, $0x11  }
0xbb: {  	s0 =	sor.u32 s1, s0  }
0xbc: {  	s0 =	sadd.s32 $0x8F2B, s0  }
0xbd: {  	[sflag:s0] =	ssyncadd.remote.s32 $0x1  }
0xbe: {  	_ =	sfence.sel $0xFFFF  }
0xbf: {  	[dreg:$0x0] =	wrdreg $0xFFFFFFFF;
	(pc) =	sbr.abs _section_cstart, $3  }
0xc0: {  	[dreg:$0x1] =	wrdreg $0xFFFFFFFF  }
0xc1: {  	_ =	task.clear_ibuf [dreg:s6], $0x2FFFF;
	_ =	strace $0x9FFFFFFF  }
0xc2: {  	(tm) =	ssettm $0x7FFFFFFF  }
0xc3: {  	_ =	shalt  }
tec
execute0_lowered:
.L_overlay_start_1:
0x0: {  	(tag) =	ssettag $0x1  }
0x1: {  	s0 =	rddreg [dreg:$0x0]  }
0x2: {  	s1 =	rddreg [dreg:$0x1];
	s2 =	srdreg.scid  }
0x3: {  	s3 =	simm.s32 $0x0;
	s26 =	stileid.u32;
	s12 =	simm.s32 $0x14  }
0x4: {  	s16 =	simm.s32 $0x3C00;
	s17 =	simm.s32 $0x1;
	s18 =	simm.s32 $0x3  }
0x5: {  	s19 =	simm.s32 $0x80;
	s20 =	simm.s32 $0x7C00;
	s21 =	simm.s32 $0x4  }
0x6: {  	s22 =	simm.s32 $0x2;
	s5 =	sand.u32 $0x1, s2;
	s7 =	smul.u32 $0x14000, s26  }
0x7: {  	[smem:$0x7FF] =	sst s3;
	s4 =	sshll.u32 s26, $0x1;
	s9 =	smul.u32 $0x50000, s26  }
0x8: {  	p0 =	sgt.u32 s26, $0xD;
	s26 =	simm.s32 $0x0;
	s6 =	smul.u32 $0x140000, s5  }
0x9: {  	_ =	strace $0x8000004D;
	s8 =	sor.u32 s5, s4;
	s4 =	sadd.s32 $0x18200, s0  }
0xa: {  	s5 =	ssub.s32 $0x2, s5;
	s12 =	simm.s32 @!p0 $0x12;
	s28 =	smul.u32 $0x4E, s8  }
0xb: {  	s29 =	sshrl.u32 s5, $0x1;
	s8 =	smax.u32 s8, $0x1C;
	s31 =	sshrl.u32 s9, $0x2  }
0xc: {  	s6 =	sadd.s32 s7, s6;
	s15 =	ssub.s32 s5, s29;
	s5 =	sadd.s32 s31, s1  }
0xd: {  	s6 =	sshrl.u32 s6, $0x3;
	s30 =	sadd.s32 s28, s8;
	s7 =	sadd.s32 $0x8000, s5  }
0xe: {  	s8 =	sadd.s32 $0xC000, s5;
	s9 =	sadd.s32 $0x10000, s5;
	s15 =	smax.u32 s15, $0x1  }
0xf: {  	s14 =	sadd.s32 s6, s0;
	s10 =	sshll.u32 s30, $0x5;
	s6 =	sadd.s32 $0x4000, s5  }
0x10: {  	s0 =	sadd.s32 s0, s10;
	s10 =	simm.s32 $0x13;
	s14 =	sadd.s32 $0x3F400, s14  }
0x11: {  	v0 =	vimm.f32 $0.0e+00;
	s11 =	sadd.s32 $0x3E80, s0;
	s10 =	simm.s32 @!p0 $0x12;
	s13 =	sadd.s32 $0x4600, s0  }
.LBB2_1:
0x12: {  	s28 =	simm.s32 $0x0;
	s29 =	simm.s32 $0x200  }
.LBB2_2:
0x13: {  	p0 =	sne.s32 s29, $0xFE00;
	[tilespmem:s28+$0x3C70] =	vst v0  }
0x14: {  	[tilespmem:s28+$0x3C00] =	vst v0  }
0x15: {  	[tilespmem:s28+$0x3C10] =	vst v0  }
.Ltmp0:
0x16: {  	[tilespmem:s28+$0x3C20] =	vst v0;
	(pc) =	sbr.rel @p0 .LBB2_2-.Ltmp0, $4  }
0x17: {  	[tilespmem:s28+$0x3C30] =	vst v0  }
0x18: {  	[tilespmem:s28+$0x3C40] =	vst v0  }
0x19: {  	[tilespmem:s28+$0x3C50] =	vst v0  }
0x1a: {  	[tilespmem:s28+$0x3C60] =	vst v0;
	s28 =	sshra.s32 s29, $0x2;
	s29 =	sadd.s32 $0x200, s29  }
0x1b: {  	[tilespmem:s28+$0x3C70] =	vst v0  }
0x1c: {  	[tilespmem:s28+$0x3C00] =	vst v0  }
0x1d: {  	[tilespmem:s28+$0x3C10] =	vst v0  }
0x1e: {  	[tilespmem:s28+$0x3C20] =	vst v0  }
0x1f: {  	[tilespmem:s28+$0x3C30] =	vst v0  }
0x20: {  	[tilespmem:s28+$0x3C40] =	vst v0  }
0x21: {  	[tilespmem:s28+$0x3C50] =	vst v0  }
0x22: {  	[tilespmem:s28+$0x3C60] =	vst v0  }
0x23: {  	[spmem:s5] =	stream.linear.scatter [tilespmem:s16], [sflag:$0x1], $0x4000, $0x38;
	[tilespmem:$0x1FC00] =	vst v63  }
0x24: {  	_ = 	snop  }
0x25: {  	[spmem:s6] =	stream.linear.scatter [tilespmem:s16], [sflag:$0x1], $0x4000, $0x38;
	[tilespmem:$0x1FC00] =	vst v63  }
0x26: {  	_ = 	snop  }
0x27: {  	[spmem:s7] =	stream.linear.scatter [tilespmem:s16], [sflag:$0x1], $0x4000, $0x38;
	[tilespmem:$0x1FC00] =	vst v63  }
0x28: {  	_ = 	snop  }
0x29: {  	[spmem:s8] =	stream.linear.scatter [tilespmem:s16], [sflag:$0x1], $0x4000, $0x38;
	[tilespmem:$0x1FC00] =	vst v63  }
0x2a: {  	_ = 	snop  }
0x2b: {  	[spmem:s9] =	stream.linear.scatter [tilespmem:s16], [sflag:$0x1], $0x4000, $0x38;
	[tilespmem:$0x1FC00] =	vst v63  }
0x2c: {  	_ =	swait.ge [sflag:s17], $0x4000  }
0x2d: {  	[sflag:s17] =	ssyncset.done $0x0  }
0x2e: {  	[sflag:s17] =	ssyncadd.s32 $0xFFFFC000  }
0x2f: {  	_ =	swait.ge [sflag:s17], $0x4000  }
0x30: {  	[sflag:s17] =	ssyncset.done $0x0  }
0x31: {  	[sflag:s17] =	ssyncadd.s32 $0xFFFFC000  }
0x32: {  	_ =	swait.ge [sflag:s17], $0x4000  }
0x33: {  	[sflag:s17] =	ssyncset.done $0x0  }
0x34: {  	[sflag:s17] =	ssyncadd.s32 $0xFFFFC000  }
0x35: {  	_ =	swait.ge [sflag:s17], $0x4000  }
0x36: {  	[sflag:s17] =	ssyncset.done $0x0  }
0x37: {  	[sflag:s17] =	ssyncadd.s32 $0xFFFFC000  }
0x38: {  	_ =	swait.ge [sflag:s17], $0x4000  }
0x39: {  	[sflag:s17] =	ssyncset.done $0x0  }
0x3a: {  	[sflag:s17] =	ssyncadd.s32 $0xFFFFC000  }
0x3b: {  	[bflag:$0x0] =	sbarrier.arrive $0xFFFF  }
0x3c: {  	[tilespmem:s3], [sflag:$0x3] =	stream.linear.gather [hbm4b:s11+s3], $0x3C00, $0x38;
	[tilespmem:$0x1FC00] =	vst v63  }
0x3d: {  	_ =	swait.ge [sflag:s18], $0x3C00  }
0x3e: {  	[sflag:s18] =	ssyncset.done $0x0  }
0x3f: {  	[sflag:s18] =	ssyncadd.s32 $0xFFFFC400  }
0x40: {  	[tilespmem:s16], [sflag:$0x1] =	stream.indirect.gather [hbm4b:s4+s19], $0x80, s3, s19, $0xb8;
	[tilespmem:$0x1FC00] =	vst v63  }
0x41: {  	s0 =	simm.s32 $0x100  }
0x42: {  	[tilespmem:s20], [sflag:$0x2] =	stream.indirect.gather [hbm4b:s4+s19], $0x80, s0, s19, $0xb8;
	[tilespmem:$0x1FC00] =	vst v63  }
0x43: {  	_ =	swait.ge [sflag:s17], $0x4000  }
0x44: {  	[sflag:s17] =	ssyncset.done $0x0  }
0x45: {  	s29 =	simm.s32 $0x80;
	[sflag:s17] =	ssyncadd.s32 $0xFFFFC000  }
0x46: {  	[spmem:s1] =	stream.indirect.scatter.add.f32 [tilespmem:s16], [sflag:$0x4], $0x80, s29, s19, $0xb8;
	[tilespmem:$0x1FC00] =	vst v63  }
0x47: {  	_ =	swait.ge [sflag:s21], $0x4000  }
0x48: {  	[sflag:s21] =	ssyncset.done $0x0  }
0x49: {  	s30 =	simm.s32 $0x200;
	[sflag:s21] =	ssyncadd.s32 $0xFFFFC000  }
0x4a: {  	[tilespmem:s16], [sflag:$0x1] =	stream.indirect.gather [hbm4b:s4+s19], $0x80, s30, s19, $0xb8;
	[tilespmem:$0x1FC00] =	vst v63  }
0x4b: {  	_ =	swait.ge [sflag:s22], $0x4000  }
0x4c: {  	[sflag:s22] =	ssyncset.done $0x0  }
0x4d: {  	s31 =	simm.s32 $0x180;
	[sflag:s22] =	ssyncadd.s32 $0xFFFFC000  }
0x4e: {  	[spmem:s1] =	stream.indirect.scatter.add.f32 [tilespmem:s20], [sflag:$0x3], $0x80, s31, s19, $0xb8;
	[tilespmem:$0x1FC00] =	vst v63  }
0x4f: {  	_ =	swait.ge [sflag:s18], $0x4000  }
0x50: {  	s28 =	simm.s32 $0xFFFFC800;
	s0 =	simm.s32 $0xFFFF2800;
	[sflag:s18] =	ssyncset.done $0x0  }
.LBB2_4:
0x51: {  	s29 =	sadd.s32 $0x3B00, s28  }
0x52: {  	[sflag:s18] =	ssyncadd.s32 $0xFFFFC000;
	s30 =	smov.u32 s0;
	s31 =	sadd.s32 $0x800, s0  }
0x53: {  	[tilespmem:s20], [sflag:$0x2] =	stream.indirect.gather [hbm4b:s4+s19], $0x80, s29, s19, $0xb8;
	[tilespmem:$0x1FC00] =	vst v63  }
0x54: {  	p0 =	sne.s32 s0, $0xFFFFF800;
	_ =	swait.ge [sflag:s17], $0x4000  }
0x55: {  	[sflag:s17] =	ssyncset.done $0x0  }
0x56: {  	s0 =	sadd.s32 $0x3A80, s28;
	[sflag:s17] =	ssyncadd.s32 $0xFFFFC000  }
0x57: {  	[spmem:s1] =	stream.indirect.scatter.add.f32 [tilespmem:s16], [sflag:$0x4], $0x80, s0, s19, $0xb8;
	[tilespmem:$0x1FC00] =	vst v63  }
0x58: {  	_ =	swait.ge [sflag:s21], $0x4000  }
0x59: {  	[sflag:s21] =	ssyncset.done $0x0  }
0x5a: {  	s0 =	sadd.s32 $0x3C00, s28;
	[sflag:s21] =	ssyncadd.s32 $0xFFFFC000  }
0x5b: {  	[tilespmem:s16], [sflag:$0x1] =	stream.indirect.gather [hbm4b:s4+s19], $0x80, s0, s19, $0xb8;
	[tilespmem:$0x1FC00] =	vst v63  }
0x5c: {  	_ =	swait.ge [sflag:s22], $0x4000  }
.Ltmp1:
0x5d: {  	[sflag:s22] =	ssyncset.done $0x0;
	(pc) =	sbr.rel @p0 .LBB2_4-.Ltmp1, $4  }
0x5e: {  	s0 =	sadd.s32 $0x3B80, s28;
	[sflag:s22] =	ssyncadd.s32 $0xFFFFC000  }
0x5f: {  	[spmem:s1] =	stream.indirect.scatter.add.f32 [tilespmem:s20], [sflag:$0x3], $0x80, s0, s19, $0xb8;
	[tilespmem:$0x1FC00] =	vst v63  }
0x60: {  	_ =	swait.ge [sflag:s18], $0x4000  }
0x61: {  	s28 =	sshra.s32 s30, $0x2;
	s0 =	smov.u32 s31;
	[sflag:s18] =	ssyncset.done $0x0  }
0x62: {  	s0 =	sadd.s32 $0x3B00, s28;
	[sflag:s18] =	ssyncadd.s32 $0xFFFFC000  }
0x63: {  	[tilespmem:s20], [sflag:$0x2] =	stream.indirect.gather [hbm4b:s4+s19], $0x80, s0, s19, $0xb8;
	[tilespmem:$0x1FC00] =	vst v63  }
0x64: {  	_ =	swait.ge [sflag:s17], $0x4000  }
0x65: {  	[sflag:s17] =	ssyncset.done $0x0  }
0x66: {  	s31 =	sadd.s32 $0x3A80, s28;
	[sflag:s17] =	ssyncadd.s32 $0xFFFFC000  }
0x67: {  	[spmem:s1] =	stream.indirect.scatter.add.f32 [tilespmem:s16], [sflag:$0x4], $0x80, s31, s19, $0xb8;
	[tilespmem:$0x1FC00] =	vst v63  }
0x68: {  	_ =	swait.ge [sflag:s21], $0x4000  }
0x69: {  	[sflag:s21] =	ssyncset.done $0x0  }
0x6a: {  	s2 =	sadd.s32 $0x3C00, s28;
	[sflag:s21] =	ssyncadd.s32 $0xFFFFC000  }
0x6b: {  	[tilespmem:s16], [sflag:$0x1] =	stream.indirect.gather [hbm4b:s4+s19], $0x80, s2, s19, $0xb8;
	[tilespmem:$0x1FC00] =	vst v63  }
0x6c: {  	_ =	swait.ge [sflag:s22], $0x4000  }
0x6d: {  	[sflag:s22] =	ssyncset.done $0x0  }
0x6e: {  	s23 =	sadd.s32 $0x3B80, s28;
	[sflag:s22] =	ssyncadd.s32 $0xFFFFC000  }
0x6f: {  	[spmem:s1] =	stream.indirect.scatter.add.f32 [tilespmem:s20], [sflag:$0x3], $0x80, s23, s19, $0xb8;
	[tilespmem:$0x1FC00] =	vst v63  }
0x70: {  	_ =	swait.ge [sflag:s18], $0x4000  }
0x71: {  	[sflag:s18] =	ssyncset.done $0x0  }
0x72: {  	s24 =	simm.s32 $0x3B00;
	[sflag:s18] =	ssyncadd.s32 $0xFFFFC000  }
0x73: {  	[tilespmem:s20], [sflag:$0x2] =	stream.indirect.gather [hbm4b:s4+s19], $0x80, s24, s19, $0xb8;
	[tilespmem:$0x1FC00] =	vst v63  }
0x74: {  	_ =	swait.ge [sflag:s17], $0x4000  }
0x75: {  	[sflag:s17] =	ssyncset.done $0x0  }
0x76: {  	s25 =	simm.s32 $0x3A80;
	[sflag:s17] =	ssyncadd.s32 $0xFFFFC000  }
0x77: {  	[spmem:s1] =	stream.indirect.scatter.add.f32 [tilespmem:s16], [sflag:$0x4], $0x80, s25, s19, $0xb8;
	[tilespmem:$0x1FC00] =	vst v63  }
0x78: {  	_ =	swait.ge [sflag:s21], $0x4000  }
0x79: {  	[sflag:s21] =	ssyncset.done $0x0  }
0x7a: {  	[sflag:s21] =	ssyncadd.s32 $0xFFFFC000  }
0x7b: {  	_ =	swait.ge [sflag:s22], $0x4000  }
0x7c: {  	[sflag:s22] =	ssyncset.done $0x0  }
0x7d: {  	s30 =	simm.s32 $0x3B80;
	[sflag:s22] =	ssyncadd.s32 $0xFFFFC000  }
0x7e: {  	[spmem:s1] =	stream.indirect.scatter.add.f32 [tilespmem:s20], [sflag:$0x3], $0x80, s30, s19, $0xb8;
	[tilespmem:$0x1FC00] =	vst v63  }
0x7f: {  	_ =	swait.ge [sflag:s18], $0x4000  }
0x80: {  	[sflag:s18] =	ssyncset.done $0x0  }
0x81: {  	p0 =	sne.s32 s12, $0x2;
	s31 =	simm.s32 $0x0;
	[sflag:s18] =	ssyncadd.s32 $0xFFFFC000  }
0x82: {  	[tilespmem:s31], [sflag:$0x3] =	stream.linear.gather [hbm4b:s13+s31], $0x3C00, $0x38;
	[tilespmem:$0x1FC00] =	vst v63  }
.Ltmp2:
0x83: {  	_ = 	snop;
	(pc) =	sbr.rel @!p0 .LBB2_6-.Ltmp2, $4  }
0x84: {  	_ =	swait.ge [sflag:s18], $0x3C00  }
0x85: {  	s28 =	simm.s32 $0x200;
	s29 =	simm.s32 $0x2;
	[sflag:s18] =	ssyncset.done $0x0  }
0x86: {  	p1 =	por $0x0, $0x0;
	s0 =	simm.s32 $0x1;
	[sflag:s18] =	ssyncadd.s32 $0xFFFFC400  }
0x87: {  	[tilespmem:s16], [sflag:$0x1] =	stream.indirect.gather [hbm4b:s4+s19], $0x80, s31, s19, $0xb8;
	[tilespmem:$0x1FC00] =	vst v63  }
0x88: {  	p0 =	sle.u32 s10, $0x1  }
0x89: {  	s0 =	simm.s32 @!p0 $0x100  }
0x8a: {  	s30 =	simm.s32 @!p0 $0x80;
	s23 =	simm.s32 @!p0 $0x7C00;
	p0 =	por p0, p0  }
0x8b: {  	[tilespmem:s23], [sflag:$0x2] =	stream.indirect.gather @!p0 [hbm4b:s4+s30], $0x80, s0, s30, $0xb8;
	[tilespmem:$0x1FC00] =	vst v63  }
0x8c: {  	_ =	swait.ge [sflag:s17], $0x4000  }
0x8d: {  	[sflag:s17] =	ssyncset.done $0x0  }
0x8e: {  	s25 =	simm.s32 $0x80;
	[sflag:s17] =	ssyncadd.s32 $0xFFFFC000  }
0x8f: {  	[spmem:s1] =	stream.indirect.scatter.add.f32 [tilespmem:s16], [sflag:$0x4], $0x80, s25, s19, $0xb8;
	[tilespmem:$0x1FC00] =	vst v63  }
0x90: {  	p1 =	sle.u32 s10, $0x2;
	_ =	swait.ge [sflag:s21], $0x4000  }
0x91: {  	p2 =	sne.s32 s12, $0x4;
	s29 =	simm.s32 @!p1 $0x3C00;
	[sflag:s21] =	ssyncset.done $0x0  }
0x92: {  	s0 =	simm.s32 @!p1 $0x80;
	s24 =	simm.s32 @!p0 $0x2;
	[sflag:s21] =	ssyncadd.s32 $0xFFFFC000  }
0x93: {  	[tilespmem:s29], [sflag:$0x1] =	stream.indirect.gather @!p1 [hbm4b:s4+s0], $0x80, s28, s0, $0xb8;
	[tilespmem:$0x1FC00] =	vst v63  }
.Ltmp3:
0x94: {  	s31 =	simm.s32 @!p0 $0x3;
	_ =	swait.ge @!p0 [sflag:s24], $0x4000;
	(pc) =	sbr.rel @!p2 .LBB2_9-.Ltmp3, $4  }
0x95: {  	s29 =	simm.s32 $0x4;
	s0 =	simm.s32 @!p0 $0x180;
	[sflag:s24] =	ssyncset.done @!p0 $0x0  }
0x96: {  	s28 =	simm.s32 $0x400;
	p1 =	por $0x1, $0x1;
	[sflag:s24] =	ssyncadd.s32 @!p0 $0xFFFFC000  }
0x97: {  	[spmem:s1] =	stream.indirect.scatter.add.f32 @!p0 [tilespmem:s23], [sflag:$0x3], $0x80, s0, s30, $0xb8;
	[tilespmem:$0x1FC00] =	vst v63  }
0x98: {  	s0 =	simm.s32 $0x3;
	s30 =	simm.s32 $0x4;
	_ =	swait.ge @!p0 [sflag:s31], $0x4000  }
.LBB2_8:
0x99: {  	p3 =	sge.u32 s0, s10  }
0x9a: {  	[sflag:s31] =	ssyncset.done @!p0 $0x0;
	s0 =	smov.u32 s30;
	s30 =	sadd.s32 $0x2, s30  }
0x9b: {  	s23 =	sadd.s32 @!p3 $0xFFFFFF00, s28;
	s24 =	simm.s32 @!p3 $0x80;
	s25 =	simm.s32 @!p3 $0x7C00  }
0x9c: {  	p2 =	sne.s32 s12, s30;
	[sflag:s31] =	ssyncadd.s32 @!p0 $0xFFFFC000;
	p0 =	por p3, p3  }
0x9d: {  	[tilespmem:s25], [sflag:$0x2] =	stream.indirect.gather @!p0 [hbm4b:s4+s24], $0x80, s23, s24, $0xb8;
	[tilespmem:$0x1FC00] =	vst v63  }
0x9e: {  	_ =	swait.ge [sflag:s17], $0x4000  }
0x9f: {  	s23 =	sadd.s32 $0xFFFFFE80, s28;
	[sflag:s17] =	ssyncset.done $0x0  }
0xa0: {  	[sflag:s17] =	ssyncadd.s32 $0xFFFFC000  }
0xa1: {  	[spmem:s1] =	stream.indirect.scatter.add.f32 [tilespmem:s16], [sflag:$0x4], $0x80, s23, s19, $0xb8;
	[tilespmem:$0x1FC00] =	vst v63  }
0xa2: {  	p3 =	sge.u32 s29, s10;
	s29 =	smov.u32 s30;
	_ =	swait.ge [sflag:s21], $0x4000  }
0xa3: {  	s2 =	simm.s32 @!p0 $0x2;
	s23 =	simm.s32 @!p3 $0x80;
	[sflag:s21] =	ssyncset.done $0x0  }
0xa4: {  	s31 =	simm.s32 @!p3 $0x3C00;
	[sflag:s21] =	ssyncadd.s32 $0xFFFFC000  }
0xa5: {  	[tilespmem:s31], [sflag:$0x1] =	stream.indirect.gather @!p3 [hbm4b:s4+s23], $0x80, s28, s23, $0xb8;
	[tilespmem:$0x1FC00] =	vst v63  }
.Ltmp4:
0xa6: {  	_ =	swait.ge @!p0 [sflag:s2], $0x4000;
	(pc) =	sbr.rel @p2 .LBB2_8-.Ltmp4, $4  }
0xa7: {  	s23 =	sadd.s32 @!p0 $0xFFFFFF80, s28;
	s31 =	simm.s32 @!p0 $0x3;
	[sflag:s2] =	ssyncset.done @!p0 $0x0  }
0xa8: {  	[sflag:s2] =	ssyncadd.s32 @!p0 $0xFFFFC000  }
0xa9: {  	[spmem:s1] =	stream.indirect.scatter.add.f32 @!p0 [tilespmem:s25], [sflag:$0x3], $0x80, s23, s24, $0xb8;
	[tilespmem:$0x1FC00] =	vst v63  }
0xaa: {  	s0 =	sadd.s32 $0x1, s0;
	s28 =	sadd.s32 $0x200, s28;
	_ =	swait.ge @!p0 [sflag:s31], $0x4000  }
.LBB2_9:
0xab: {  	p2 =	sge.u32 s0, s10;
	p0 =	por p0, !p1  }
0xac: {  	[sflag:s31] =	ssyncset.done @!p0 $0x0;
	s0 =	sadd.s32 @!p2 $0xFFFFFF00, s28;
	s2 =	simm.s32 @!p2 $0x80  }
0xad: {  	s23 =	simm.s32 @!p2 $0x7C00;
	[sflag:s31] =	ssyncadd.s32 @!p0 $0xFFFFC000;
	p0 =	por p2, p2  }
0xae: {  	[tilespmem:s23], [sflag:$0x2] =	stream.indirect.gather @!p0 [hbm4b:s4+s2], $0x80, s0, s2, $0xb8;
	[tilespmem:$0x1FC00] =	vst v63  }
0xaf: {  	_ =	swait.ge [sflag:s17], $0x4000  }
0xb0: {  	[sflag:s17] =	ssyncset.done $0x0  }
0xb1: {  	s25 =	sadd.s32 $0xFFFFFE80, s28;
	[sflag:s17] =	ssyncadd.s32 $0xFFFFC000  }
0xb2: {  	[spmem:s1] =	stream.indirect.scatter.add.f32 [tilespmem:s16], [sflag:$0x4], $0x80, s25, s19, $0xb8;
	[tilespmem:$0x1FC00] =	vst v63  }
0xb3: {  	p1 =	sge.u32 s29, s10;
	_ =	swait.ge [sflag:s21], $0x4000  }
0xb4: {  	s0 =	simm.s32 @!p1 $0x80;
	[sflag:s21] =	ssyncset.done $0x0  }
0xb5: {  	s24 =	simm.s32 @!p0 $0x2;
	s25 =	simm.s32 @!p1 $0x3C00;
	[sflag:s21] =	ssyncadd.s32 $0xFFFFC000  }
0xb6: {  	[tilespmem:s25], [sflag:$0x1] =	stream.indirect.gather @!p1 [hbm4b:s4+s0], $0x80, s28, s0, $0xb8;
	[tilespmem:$0x1FC00] =	vst v63  }
0xb7: {  	_ =	swait.ge @!p0 [sflag:s24], $0x4000  }
0xb8: {  	[sflag:s24] =	ssyncset.done @!p0 $0x0  }
0xb9: {  	s0 =	sadd.s32 @!p0 $0xFFFFFF80, s28;
	s25 =	simm.s32 @!p0 $0x3;
	[sflag:s24] =	ssyncadd.s32 @!p0 $0xFFFFC000  }
0xba: {  	[spmem:s1] =	stream.indirect.scatter.add.f32 @!p0 [tilespmem:s23], [sflag:$0x3], $0x80, s0, s2, $0xb8;
	[tilespmem:$0x1FC00] =	vst v63  }
0xbb: {  	_ =	swait.ge @!p0 [sflag:s25], $0x4000  }
0xbc: {  	s30 =	stileid.u32;
	s26 =	sadd.s32 $0x1, s26;
	[sflag:s25] =	ssyncset.done @!p0 $0x0  }
0xbd: {  	s31 =	sshrl.u32 s5, $0x3;
	s0 =	sshll.u32 s30, $0x6;
	[sflag:s25] =	ssyncadd.s32 @!p0 $0xFFFFC000  }
0xbe: {  	s0 =	sor.u32 $0x1C03, s0;
	p0 =	sne.s32 s26, s15;
	[bflag:$0x0] =	sbarrier.arrive $0xFFFF  }
0xbf: {  	[hbm:s14], [sflag:s0] =	dma.local [spmem:s31], $0x2800  }
.Ltmp5:
0xc0: {  	_ = 	snop;
	(pc) =	sbr.rel @p0 .LBB2_1-.Ltmp5, $4  }
.Ltmp6:
0xc1: {  	_ = 	snop;
	(pc) =	sbr.rel @!p0 .LBB2_10-.Ltmp6, $4  }
0xc2: {  	_ =	swait.ge [sflag:s18], $0x2800  }
0xc3: {  	[sflag:s18] =	ssyncset.done $0x0  }
0xc4: {  	[sflag:s18] =	ssyncadd.s32 $0xFFFFD800  }
0xc5: {  	_ = 	snop  }
.LBB2_6:
.Ltmp7:
0xc6: {  	(pc) =	sbr.rel .LBB2_9-.Ltmp7, $2  }
0xc7: {  	_ =	sdelay $0x2  }
0xc8: {  	_ = 	snop  }
.LBB2_10:
0xc9: {  	_ =	sfence.sel $0x180000  }
0xca: {  	[bflag:$0x0] =	sbarrier.arrive $0xFFFF  }
0xcb: {  	_ =	strace $0x9000004D  }
0xcc: {  	s0 =	stileid.u32;
	[bflag:$0x2] =	sbarrier.arrive $0xFFFF  }
0xcd: {  	p0 =	sne.s32 s0, $0x0;
	s0 =	rddreg [dreg:$0x2]  }
0xce: {  	s0 =	sadd.s32 @!p0 $0x100000, s0  }
0xcf: {  	[sflag:s0] =	ssyncadd.tile.s32 @!p0 $0x1;
	_ =	shalt  }
.Lfunc_end2:
_tile_overlayer_lowered:
.L_overlay_start_2:
0xd0: {  	(tag) =	ssettag $0x2  }
0xd1: {  	s0 =	rddreg [dreg:$0x0];
	s2 =	stileid.u32  }
0xd2: {  	s1 =	rddreg [dreg:$0x1];
	p0 =	sne.s32 s2, $0x0  }
0xd3: {  	s3 =	rddreg [dreg:$0x2];
	[bflag:$0x3] =	sbarrier.arrive $0xFFFF;
	s2 =	simm.s32 @!p0 $0x1C03  }
0xd4: {  	[timem:s3], [sflag:s2] =	dma.local @!p0 [hbm:s0], s1  }
0xd5: {  	s0 =	simm.s32 @!p0 $0x3  }
0xd6: {  	_ =	swait.ge @!p0 [sflag:s0], s1  }
0xd7: {  	s1 =	ssub.s32 @!p0 $0x0, s1;
	[sflag:s0] =	ssyncset.done @!p0 $0x0  }
0xd8: {  	[sflag:s0] =	ssyncadd.s32 @!p0 s1  }
0xd9: {  	[bflag:$0x3] =	sbarrier.arrive $0xFFFF  }
0xda: {  	_ =	shalt  }

// kernel: kernel.9.cloned.1.call-start
scs
__scs_entry_jumppad:
0x0: {  	(pc) =	sbr.rel $0x88, $3  }
0x1: {  	(tag) =	ssettag $0x0;
	lr =	simm.s32 $0x1  }
0x2: {  	[smem:$0x3F95] =	sst lr;
	_ =	strace $0xD0000000  }
0x3: {  	_ = 	snop  }
0x4: {  	_ = 	snop  }
0x5: {  	_ = 	snop  }
0x6: {  	_ = 	snop  }
0x7: {  	_ = 	snop  }
__scs_overlays_trampoline_lowered:
0x8: {  	[smem:$0x3FA4] =	sst s0  }
0x9: {  	[smem:$0x3FA5] =	sst s1  }
0xa: {  	[smem:$0x3FA6] =	sst s2  }
0xb: {  	[smem:$0x3FA7] =	sst s3  }
0xc: {  	[smem:$0x3FA8] =	sst s4  }
0xd: {  	[smem:$0x3FA9] =	sst s5  }
0xe: {  	[smem:$0x3FAA] =	sst s6  }
0xf: {  	[smem:$0x3FAB] =	sst s7  }
0x10: {  	[smem:$0x3FAC] =	sst s8  }
0x11: {  	[smem:$0x3FAD] =	sst s9;
	s0 =	simm.s32 @!p0 $0x0  }
0x12: {  	s1 =	sld [smem:$0x3F93];
	s0 =	simm.s32 @p0 $0x1  }
0x13: {  	[smem:$0x3FAE] =	sst s0;
	s0 =	simm.s32 @!p1 $0x0  }
0x14: {  	s2 =	sld [smem:$0x3F92];
	s0 =	simm.s32 @p1 $0x1  }
0x15: {  	[smem:$0x3FAF] =	sst s0;
	s0 =	simm.s32 @!p2 $0x0  }
0x16: {  	s3 =	sld [smem:$0x3FDB];
	s0 =	simm.s32 @p2 $0x1  }
0x17: {  	s4 =	simm.s32 $0x1BF5;
	[smem:$0x3FB1] =	sst s0  }
0x18: {  	s0 =	sld [smem:$0x3F94];
	_ =	swait.ge [sflag:s4], $0x0  }
0x19: {  	s7 =	sld [smem:$0x3F95]  }
0x1a: {  	s8 =	sadd.s32 $0xFFFFE003, lr  }
0x1b: {  	s9 =	sadd.s32 $0xFFFFFEF7, lr;
	s5 =	simm.s32 $0xFFFFFFFF;
	p2 =	slt.u32 s8, $0xFFFFF086  }
0x1c: {  	p1 =	slt.u32 s9, $0xF7A;
	s5 =	simm.s32 @!p2 $0x0  }
0x1d: {  	s5 =	simm.s32 @p1 $0x1;
	p0 =	seq.s32 s7, s2  }
0x1e: {  	s7 =	smul.u32 @!p0 $0xF7A, s2;
	p2 =	seq.s32 @!p0 s5, $0x0  }
0x1f: {  	s9 =	smul.u32 $0xF7A, s1;
	s8 =	simm.s32 @!p0 $0x1BF5;
	p2 =	por !p2, p0  }
0x20: {  	[sflag:s8] =	ssyncset.s32 @!p0 $0xFFFFF086;
	s6 =	sadd.s32 @!p0 s3, s7;
	s7 =	simm.s32 @!p0 $0x108  }
0x21: {  	s3 =	sadd.s32 s3, s9;
	s6 =	sadd.s32 @!p0 $0x88, s6;
	s7 =	simm.s32 @p2 $0x1082  }
0x22: {  	[simem:s7], [sflag:s8] =	dma.local @!p0 [hbm:s6], $0xF7A  }
0x23: {  	s9 =	sor.u32 $0xD0000000, s2;
	s6 =	simm.s32 $0x108;
	_ =	swait.ge @!p0 [sflag:s8], $0x0  }
0x24: {  	s3 =	sadd.s32 $0x88, s3;
	s6 =	simm.s32 @!p1 $0x1082;
	[sflag:s4] =	ssyncset.s32 $0xFFFFF086  }
0x25: {  	[simem:s6], [sflag:s4] =	dma.local [hbm:s3], $0xF7A  }
0x26: {  	[smem:$0x3F95] =	sst s1;
	(tag) =	ssettag s2;
	_ =	strace s9  }
0x27: {  	s1 =	sld [smem:$0x3FA5]  }
0x28: {  	s2 =	sld [smem:$0x3FA6]  }
0x29: {  	s4 =	sld [smem:$0x3FA8]  }
0x2a: {  	p0 =	seq.s32 s5, $0x0;
	s5 =	sld [smem:$0x3FA9]  }
0x2b: {  	s6 =	sld [smem:$0x3FAA]  }
0x2c: {  	s7 =	sld [smem:$0x3FAB]  }
0x2d: {  	s3 =	simm.s32 $0x108;
	s8 =	sld [smem:$0x3FAC]  }
0x2e: {  	s3 =	simm.s32 @!p0 $0x1082;
	s9 =	sld [smem:$0x3FAD]  }
0x2f: {  	lr =	sadd.s32 s0, s3;
	s0 =	sld [smem:$0x3FA4]  }
0x30: {  	s3 =	sld [smem:$0x3FA7]  }
0x31: {  	[smem:$0x3FB0] =	sst s10  }
0x32: {  	s10 =	sld [smem:$0x3FAE];
	_ =	sdelay $0x3  }
0x33: {  	p0 =	seq.s32 s10, $0x1;
	s10 =	sld [smem:$0x3FB0];
	_ =	sdelay $0x3  }
0x34: {  	[smem:$0x3FB0] =	sst s10  }
0x35: {  	s10 =	sld [smem:$0x3FAF];
	_ =	sdelay $0x3  }
0x36: {  	p1 =	seq.s32 s10, $0x1;
	s10 =	sld [smem:$0x3FB0];
	_ =	sdelay $0x3  }
0x37: {  	[smem:$0x3FB0] =	sst s10  }
0x38: {  	s10 =	sld [smem:$0x3FB1]  }
0x39: {  	_ = 	snop;
	(pc) =	sbr.ind lr, $3  }
0x3a: {  	_ = 	snop  }
0x3b: {  	_ = 	snop  }
0x3c: {  	p2 =	seq.s32 s10, $0x1;
	s10 =	sld [smem:$0x3FB0]  }
0x3d: {  	_ =	shalt  }
0x3e: {  	_ =	shalt  }
0x3f: {  	_ =	shalt  }
0x40: {  	_ =	shalt  }
0x41: {  	_ =	shalt  }
0x42: {  	_ =	shalt  }
0x43: {  	_ =	shalt  }
0x44: {  	_ =	shalt  }
0x45: {  	_ =	shalt  }
0x46: {  	_ =	shalt  }
0x47: {  	_ =	shalt  }
0x48: {  	_ =	shalt  }
0x49: {  	_ =	shalt  }
0x4a: {  	_ =	shalt  }
0x4b: {  	_ =	shalt  }
0x4c: {  	_ =	shalt  }
0x4d: {  	_ =	shalt  }
0x4e: {  	_ =	shalt  }
0x4f: {  	_ =	shalt  }
0x50: {  	_ =	shalt  }
0x51: {  	_ =	shalt  }
0x52: {  	_ =	shalt  }
0x53: {  	_ =	shalt  }
0x54: {  	_ =	shalt  }
0x55: {  	_ =	shalt  }
0x56: {  	_ =	shalt  }
0x57: {  	_ =	shalt  }
0x58: {  	_ =	shalt  }
0x59: {  	_ =	shalt  }
0x5a: {  	_ =	shalt  }
0x5b: {  	_ =	shalt  }
0x5c: {  	_ =	shalt  }
0x5d: {  	_ =	shalt  }
0x5e: {  	_ =	shalt  }
0x5f: {  	_ =	shalt  }
0x60: {  	_ =	shalt  }
0x61: {  	_ =	shalt  }
0x62: {  	_ =	shalt  }
0x63: {  	_ =	shalt  }
0x64: {  	_ =	shalt  }
0x65: {  	_ =	shalt  }
0x66: {  	_ =	shalt  }
0x67: {  	_ =	shalt  }
0x68: {  	_ =	shalt  }
0x69: {  	_ =	shalt  }
0x6a: {  	_ =	shalt  }
0x6b: {  	_ =	shalt  }
0x6c: {  	_ =	shalt  }
0x6d: {  	_ =	shalt  }
0x6e: {  	_ =	shalt  }
0x6f: {  	_ =	shalt  }
0x70: {  	_ =	shalt  }
0x71: {  	_ =	shalt  }
0x72: {  	_ =	shalt  }
0x73: {  	_ =	shalt  }
0x74: {  	_ =	shalt  }
0x75: {  	_ =	shalt  }
0x76: {  	_ =	shalt  }
0x77: {  	_ =	shalt  }
0x78: {  	_ =	shalt  }
0x79: {  	_ =	shalt  }
0x7a: {  	_ =	shalt  }
0x7b: {  	_ =	shalt  }
0x7c: {  	_ =	shalt  }
0x7d: {  	_ =	shalt  }
0x7e: {  	_ =	shalt  }
0x7f: {  	_ =	shalt  }
0x80: {  	_ =	shalt  }
0x81: {  	_ =	shalt  }
0x82: {  	_ =	shalt  }
0x83: {  	_ =	shalt  }
0x84: {  	_ =	shalt  }
0x85: {  	_ =	shalt  }
0x86: {  	_ =	shalt  }
0x87: {  	_ =	shalt  }
.Lfunc_end0:
.L_simem_size_0:
called_computation_lowered:
.L_overlay_start_0:
0x88: {  	s2 =	sld [smem:$0x3FD9]  }
0x89: {  	s3 =	sld [smem:$0x3FFE];
	_ =	sdelay $0x1  }
0x8a: {  	s1 =	srdreg.scid  }
0x8b: {  	s0 =	sand.u32 $0x1, s1  }
0x8c: {  	s16 =	sshll.u32 s0, $0xA;
	s2 =	sadd.s32 s3, s2  }
0x8d: {  	s2 =	sadd.s32 s2, s16  }
0x8e: {  	[smem:$0x3FBC] =	sst s2  }
0x8f: {  	_ = 	snop  }
0x90: {  	(tm) =	ssettm $0x1  }
0x91: {  	s17 =	sld [smem:$0x3FFB];
	_ =	sdelay $0x3  }
0x92: {  	_ =	strace s17  }
0x93: {  	s2 =	sld [smem:$0x3FFC];
	_ =	sdelay $0x3  }
0x94: {  	_ =	strace s2  }
0x95: {  	s2 =	sld [smem:$0x3FFD];
	_ =	sdelay $0x3  }
0x96: {  	_ =	strace s2  }
0x97: {  	_ =	strace $0x8FFFFFFF  }
0x98: {  	s18 =	sld [smem:$0x3FDB];
	_ =	sdelay $0x1  }
0x99: {  	s19 =	simm.s32 $_scs_section_size  }
0x9a: {  	s4 =	simm.s32 $_size__tile_overlayer_lowered;
	s5 =	simm.s32 $_tile_overlayer_lowered  }
0x9b: {  	s22 =	simm.s32 $0x1BFF;
	s21 =	sshll.u32 s5, $0x1;
	s2 =	sadd.s32 s19, s18  }
0x9c: {  	s6 =	simm.s32 $0x0;
	s20 =	sshll.u32 s4, $0x1;
	s4 =	sadd.s32 s21, s2  }
0x9d: {  	[timem:s6], [sflag:s22] =	dma.local [hbm:s4], s20  }
0x9e: {  	_ =	swait.ge [sflag:s22], s20  }
0x9f: {  	s3 =	ssub.s32 $0x0, s20;
	[sflag:s22] =	ssyncset.done $0x0  }
0xa0: {  	[sflag:s22] =	ssyncadd.s32 s3;
	_ =	sdelay $0x1  }
0xa1: {  	s23 =	simm.s32 $0x1B8B  }
0xa2: {  	_ =	swait.ge [sflag:s23], $0x1  }
0xa3: {  	[sflag:s23] =	ssyncset.done $0x0  }
0xa4: {  	s25 =	simm.s32 $0x1B8E;
	s24 =	sld [smem:$0x3FFE];
	[sflag:s23] =	ssyncadd.s32 $0xFFFFFFFF  }
0xa5: {  	s26 =	simm.s32 $execute0_lowered;
	[smem:$0x3FD2] =	sst s25  }
0xa6: {  	s4 =	sshll.u32 s26, $0x1;
	_ =	strace $0x80000046;
	[dreg:$0x1] =	wrdreg $0xFFFFFFFF  }
0xa7: {  	s28 =	simm.s32 $_size_execute0_lowered;
	s2 =	sadd.s32 s2, s4;
	[dreg:$0x0] =	wrdreg $0x0  }
0xa8: {  	s4 =	sshll.u32 s28, $0x1;
	[dreg:$0x2] =	wrdreg s2  }
0xa9: {  	[dreg:$0x3] =	wrdreg s4  }
0xaa: {  	[dreg:$0x4] =	wrdreg $0xC0  }
0xab: {  	_ =	task [dreg:s6], $0x5FFFF  }
0xac: {  	[dreg:$0x1] =	wrdreg $0xFFFFFFFF  }
0xad: {  	[dreg:$0x0] =	wrdreg $0x60  }
0xae: {  	[dreg:$0x2] =	wrdreg s24  }
0xaf: {  	[dreg:$0x3] =	wrdreg $0x52000  }
0xb0: {  	[dreg:$0x4] =	wrdreg $0x54800  }
0xb1: {  	[dreg:$0x5] =	wrdreg $0x9  }
0xb2: {  	_ =	task.clear_ibuf [dreg:s6], $0x6FFFF;
	_ =	strace $0x90000046  }
0xb3: {  	s29 =	simm.s32 $0x9;
	_ =	strace $0x80000048  }
0xb4: {  	_ =	swait.ge [sflag:s29], $0x1  }
0xb5: {  	[sflag:s29] =	ssyncadd.s32 $0xFFFFFFFF  }
0xb6: {  	_ =	strace $0x90000048  }
0xb7: {  	_ =	sfence  }
0xb8: {  	s30 =	sld [smem:$0x0];
	_ =	sdelay $0x2  }
0xb9: {  	s31 =	sshll.u32 s1, $0xD;
	s1 =	sshrl.u32 s1, $0x2  }
0xba: {  	s3 =	sand.u32 $0x4000, s31;
	s1 =	sadd.s32 s1, s30  }
0xbb: {  	s0 =	sor.u32 s3, s0;
	s1 =	sshll.u32 s1, $0x11  }
0xbc: {  	s0 =	sor.u32 s1, s0  }
0xbd: {  	s0 =	sadd.s32 $0x8F2B, s0  }
0xbe: {  	[sflag:s0] =	ssyncadd.remote.s32 $0x1  }
0xbf: {  	_ =	sfence.sel $0xFFFF  }
0xc0: {  	[dreg:$0x0] =	wrdreg $0xFFFFFFFF;
	(pc) =	sbr.abs _section_cstart, $3  }
0xc1: {  	[dreg:$0x1] =	wrdreg $0xFFFFFFFF  }
0xc2: {  	_ =	task.clear_ibuf [dreg:s6], $0x2FFFF;
	_ =	strace $0x9FFFFFFF  }
0xc3: {  	(tm) =	ssettm $0x7FFFFFFF  }
tec
execute0_lowered:
.L_overlay_start_1:
0x0: {  	(tag) =	ssettag $0x1  }
0x1: {  	s6 =	rddreg [dreg:$0x0]  }
0x2: {  	s1 =	rddreg [dreg:$0x1]  }
0x3: {  	s3 =	rddreg [dreg:$0x2]  }
0x4: {  	s0 =	srdreg.scid;
	s2 =	rddreg [dreg:$0x3];
	s4 =	simm.s32 $0x0  }
0x5: {  	s12 =	simm.s32 $0x2;
	s13 =	simm.s32 $0x4F80;
	s14 =	simm.s32 $0x80  }
0x6: {  	s15 =	simm.s32 $0x4F00;
	s16 =	simm.s32 $0x1;
	s5 =	sand.u32 $0x1, s0  }
0x7: {  	s17 =	simm.s32 $0x100;
	s0 =	stileid.u32;
	s7 =	smul.u32 $0x5000, s5  }
0x8: {  	s18 =	simm.s32 $0x0;
	[smem:$0x7FF] =	sst s4;
	s8 =	smul.u32 $0x500, s0  }
0x9: {  	s9 =	sshll.u32 s0, $0x1;
	_ =	strace $0x80000047;
	s28 =	ssub.s32 $0x2, s5  }
0xa: {  	p0 =	sgt.u32 s0, $0xD;
	s31 =	smul.u32 $0x280, s0;
	s9 =	sor.u32 s5, s9  }
0xb: {  	s30 =	sshrl.u32 s28, $0x1;
	s5 =	simm.s32 $0x4F;
	s26 =	smul.u32 $0x4E, s9  }
0xc: {  	s7 =	sadd.s32 s8, s7;
	s9 =	smax.u32 s9, $0x1C;
	s11 =	ssub.s32 s28, s30  }
0xd: {  	s5 =	simm.s32 @!p0 $0x4E;
	s8 =	sadd.s32 s31, s3;
	s29 =	sadd.s32 s26, s9  }
0xe: {  	s7 =	sshrl.u32 s7, $0x3;
	s11 =	smax.u32 s11, $0x1;
	s9 =	sshll.u32 s29, $0x5  }
0xf: {  	s10 =	sadd.s32 s7, s6;
	s7 =	sadd.s32 s31, s1;
	s6 =	sadd.s32 s6, s9  }
0x10: {  	v0 =	vimm.f32 $1.000000000e+00;
	v1 =	vimm.f32 $0.0e+00;
	s9 =	sadd.s32 $0x18200, s10;
	s10 =	sadd.s32 $0x18210, s10;
	s6 =	sadd.s32 $0x3E80, s6  }
.LBB2_1:
0x11: {  	[tilespmem:s4], [sflag:$0x2] =	stream.linear.gather [hbm4b:s6+s4], $0x4F00, $0x38;
	[tilespmem:$0x5700] =	vst v63  }
0x12: {  	_ =	swait.ge [sflag:s12], $0x4F00  }
0x13: {  	[sflag:s12] =	ssyncset.done $0x0  }
0x14: {  	[sflag:s12] =	ssyncadd.s32 $0xFFFFB100  }
0x15: {  	[tilespmem:$0x4F00] =	vst v0  }
0x16: {  	[tilespmem:$0x4F10] =	vst v0  }
0x17: {  	[tilespmem:$0x4F20] =	vst v0  }
0x18: {  	[tilespmem:$0x4F30] =	vst v0  }
0x19: {  	[tilespmem:$0x4F40] =	vst v0  }
0x1a: {  	[tilespmem:$0x4F50] =	vst v0  }
0x1b: {  	[tilespmem:$0x4F60] =	vst v0  }
0x1c: {  	[tilespmem:$0x4F70] =	vst v0  }
0x1d: {  	[tilespmem:$0x4F80] =	vst v1  }
0x1e: {  	[tilespmem:$0x4F90] =	vst v1  }
0x1f: {  	[tilespmem:$0x4FA0] =	vst v1  }
0x20: {  	[tilespmem:$0x4FB0] =	vst v1  }
0x21: {  	[tilespmem:$0x4FC0] =	vst v1  }
0x22: {  	[tilespmem:$0x4FD0] =	vst v1  }
0x23: {  	[tilespmem:$0x4FE0] =	vst v1  }
0x24: {  	[tilespmem:$0x4FF0] =	vst v1  }
0x25: {  	[tilespmem:$0x5000] =	vst v1  }
0x26: {  	[tilespmem:$0x5010] =	vst v1  }
0x27: {  	[tilespmem:$0x5020] =	vst v1  }
0x28: {  	[tilespmem:$0x5030] =	vst v1  }
0x29: {  	[tilespmem:$0x5040] =	vst v1  }
0x2a: {  	[tilespmem:$0x5050] =	vst v1  }
0x2b: {  	[tilespmem:$0x5060] =	vst v1  }
0x2c: {  	[tilespmem:$0x5070] =	vst v1  }
0x2d: {  	[tilespmem:$0x5080] =	vst v1  }
0x2e: {  	[tilespmem:$0x5090] =	vst v1  }
0x2f: {  	[tilespmem:$0x50A0] =	vst v1  }
0x30: {  	[tilespmem:$0x50B0] =	vst v1  }
0x31: {  	[tilespmem:$0x50C0] =	vst v1  }
0x32: {  	[tilespmem:$0x50D0] =	vst v1  }
0x33: {  	[tilespmem:$0x50E0] =	vst v1  }
0x34: {  	[tilespmem:$0x50F0] =	vst v1  }
0x35: {  	[tilespmem:$0x5100] =	vst v1  }
0x36: {  	[tilespmem:$0x5110] =	vst v1  }
0x37: {  	[tilespmem:$0x5120] =	vst v1  }
0x38: {  	[tilespmem:$0x5130] =	vst v1  }
0x39: {  	[tilespmem:$0x5140] =	vst v1  }
0x3a: {  	[tilespmem:$0x5150] =	vst v1  }
0x3b: {  	[tilespmem:$0x5160] =	vst v1  }
0x3c: {  	[tilespmem:$0x5170] =	vst v1  }
0x3d: {  	[tilespmem:$0x5180] =	vst v1  }
0x3e: {  	[tilespmem:$0x5190] =	vst v1  }
0x3f: {  	[tilespmem:$0x51A0] =	vst v1  }
0x40: {  	[tilespmem:$0x51B0] =	vst v1  }
0x41: {  	[tilespmem:$0x51C0] =	vst v1  }
0x42: {  	[tilespmem:$0x51D0] =	vst v1  }
0x43: {  	[tilespmem:$0x51E0] =	vst v1  }
0x44: {  	[tilespmem:$0x51F0] =	vst v1  }
0x45: {  	[spmem:s7] =	stream.linear.scatter [tilespmem:s13], [sflag:$0x2], $0x280, $0x38;
	[tilespmem:$0x5700] =	vst v63  }
0x46: {  	_ =	swait.ge [sflag:s12], $0x280  }
0x47: {  	[sflag:s12] =	ssyncset.done $0x0  }
0x48: {  	p0 =	sne.s32 s5, $0x1;
	[sflag:s12] =	ssyncadd.s32 $0xFFFFFD80  }
0x49: {  	[spmem:s8] =	stream.linear.scatter [tilespmem:s13], [sflag:$0x2], $0x280, $0x38;
	[tilespmem:$0x5700] =	vst v63  }
.Ltmp0:
0x4a: {  	_ =	swait.ge [sflag:s12], $0x280;
	(pc) =	sbr.rel @!p0 .LBB2_3-.Ltmp0, $4  }
0x4b: {  	[sflag:s12] =	ssyncset.done $0x0  }
0x4c: {  	s19 =	sadd.s32 $0xFFFFFFFF, s5;
	[sflag:s12] =	ssyncadd.s32 $0xFFFFFD80  }
0x4d: {  	s21 =	simm.s32 $0x80;
	s20 =	simm.s32 $0x100;
	[bflag:$0x0] =	sbarrier.arrive $0xFFFF  }
0x4e: {  	[spmem:s1] =	stream.indirect.scatter.add.f32 [tilespmem:s15], [sflag:$0x1], $0x1, s4, s14, $0xb8;
	[tilespmem:$0x5700] =	vst v63  }
.LBB2_2:
0x4f: {  	[spmem:s3] =	stream.indirect.scatter.add.f32 [tilespmem:s15], [sflag:$0x1], $0x1, s21, s14, $0xb8;
	[tilespmem:$0x5700] =	vst v63  }
0x50: {  	p1 =	sne.s32 s19, $0x1  }
.Ltmp1:
0x51: {  	s19 =	sadd.s32 $0xFFFFFFFF, s19;
	(pc) =	sbr.rel @p1 .LBB2_2-.Ltmp1, $3  }
0x52: {  	_ =	sdelay $0x1  }
0x53: {  	[spmem:s1] =	stream.indirect.scatter.add.f32 [tilespmem:s15], [sflag:$0x1], $0x1, s20, s14, $0xb8;
	[tilespmem:$0x5700] =	vst v63  }
0x54: {  	s21 =	sadd.s32 $0x80, s20;
	s20 =	sadd.s32 $0x100, s20  }
.LBB2_3:
0x55: {  	[spmem:s3] =	stream.indirect.scatter.add.f32 [tilespmem:s15], [sflag:$0x1], $0x1, s21, s14, $0xb8;
	[tilespmem:$0x5700] =	vst v63  }
.Ltmp2:
0x56: {  	_ =	swait.ge [sflag:s16], $0x80;
	(pc) =	sbr.rel @!p0 .LBB2_5-.Ltmp2, $4  }
0x57: {  	[sflag:s16] =	ssyncset.done $0x0  }
0x58: {  	[sflag:s16] =	ssyncadd.s32 $0xFFFFFF80  }
0x59: {  	_ =	swait.ge [sflag:s16], $0x80  }
0x5a: {  	s19 =	sadd.s32 $0xFFFFFFFF, s5;
	[sflag:s16] =	ssyncset.done $0x0  }
.LBB2_4:
0x5b: {  	p0 =	sne.s32 s19, $0x1;
	s19 =	sadd.s32 $0xFFFFFFFF, s19;
	[sflag:s16] =	ssyncadd.s32 $0xFFFFFF80  }
.Ltmp3:
0x5c: {  	_ =	swait.ge [sflag:s16], $0x80;
	(pc) =	sbr.rel @p0 .LBB2_4-.Ltmp3, $4  }
0x5d: {  	[sflag:s16] =	ssyncset.done $0x0  }
0x5e: {  	[sflag:s16] =	ssyncadd.s32 $0xFFFFFF80  }
0x5f: {  	_ =	swait.ge [sflag:s16], $0x80  }
0x60: {  	[sflag:s16] =	ssyncset.done $0x0  }
.LBB2_5:
0x61: {  	[sflag:s16] =	ssyncadd.s32 $0xFFFFFF80  }
0x62: {  	[bflag:$0x0] =	sbarrier.arrive $0xFFFF  }
0x63: {  	[tilespmem:s13], [sflag:$0x2] =	stream.linear.gather [spmem:s7], $0x280, $0x38;
	[tilespmem:$0x5700] =	vst v63  }
0x64: {  	_ =	swait.ge [sflag:s12], $0x280  }
0x65: {  	[sflag:s12] =	ssyncset.done $0x0  }
0x66: {  	[sflag:s12] =	ssyncadd.s32 $0xFFFFFD80  }
0x67: {  	[hbm4b:s9+s14] =	stream.strided.scatter [tilespmem:s13], [sflag:$0x2], $0x280, s17, s14, $0x38;
	[tilespmem:$0x5700] =	vst v63  }
0x68: {  	_ =	swait.ge [sflag:s12], $0x280  }
0x69: {  	[sflag:s12] =	ssyncset.done $0x0  }
0x6a: {  	[sflag:s12] =	ssyncadd.s32 $0xFFFFFD80  }
0x6b: {  	[tilespmem:s13], [sflag:$0x2] =	stream.linear.gather [spmem:s8], $0x280, $0x38;
	[tilespmem:$0x5700] =	vst v63  }
0x6c: {  	s18 =	sadd.s32 $0x1, s18;
	_ =	swait.ge [sflag:s12], $0x280  }
0x6d: {  	p0 =	sne.s32 s18, s11;
	[sflag:s12] =	ssyncset.done $0x0  }
.Ltmp4:
0x6e: {  	[sflag:s12] =	ssyncadd.s32 $0xFFFFFD80;
	(pc) =	sbr.rel @p0 .LBB2_1-.Ltmp4, $4  }
0x6f: {  	[hbm4b:s10+s14] =	stream.strided.scatter [tilespmem:s13], [sflag:$0x2], $0x280, s17, s14, $0x38;
	[tilespmem:$0x5700] =	vst v63  }
0x70: {  	_ =	swait.ge [sflag:s12], $0x280  }
0x71: {  	[sflag:s12] =	ssyncset.done $0x0  }
0x72: {  	[sflag:s12] =	ssyncadd.s32 $0xFFFFFD80  }
0x73: {  	_ =	sfence.sel $0x180000  }
0x74: {  	[bflag:$0x0] =	sbarrier.arrive $0xFFFF  }
0x75: {  	p0 =	sne.s32 s0, $0x0;
	_ =	strace $0x90000047  }
0x76: {  	s0 =	sadd.s32 @!p0 $0x100000, s2;
	[bflag:$0x2] =	sbarrier.arrive $0xFFFF  }
0x77: {  	[sflag:s0] =	ssyncadd.tile.s32 @!p0 $0x1;
	_ =	shalt  }
.Lfunc_end2:
_tile_overlayer_lowered:
.L_overlay_start_2:
0x78: {  	(tag) =	ssettag $0x2  }
0x79: {  	s0 =	rddreg [dreg:$0x0];
	s2 =	stileid.u32  }
0x7a: {  	s1 =	rddreg [dreg:$0x1];
	p0 =	sne.s32 s2, $0x0  }
0x7b: {  	s3 =	rddreg [dreg:$0x2];
	[bflag:$0x3] =	sbarrier.arrive $0xFFFF;
	s2 =	simm.s32 @!p0 $0x1C02  }
0x7c: {  	[timem:s3], [sflag:s2] =	dma.local @!p0 [hbm:s0], s1  }
0x7d: {  	s0 =	simm.s32 @!p0 $0x2  }
0x7e: {  	_ =	swait.ge @!p0 [sflag:s0], s1  }
0x7f: {  	s1 =	ssub.s32 @!p0 $0x0, s1;
	[sflag:s0] =	ssyncset.done @!p0 $0x0  }
0x80: {  	[sflag:s0] =	ssyncadd.s32 @!p0 s1  }
0x81: {  	[bflag:$0x3] =	sbarrier.arrive $0xFFFF  }
0x82: {  	_ =	shalt  }

</sc_bundles>
